<compile_context>
chip_gen: v7x
topology: tpu7x:2x2x1
jax: 0.10.2.dev20260603
libtpu: 0.0.44.dev20260713+nightly
codegen_flags: <defaults>
</compile_context>

<pallas_src>
import functools

import jax
import jax.numpy as jnp
from jax import lax
from jax.experimental import pallas as pl
from jax.experimental.pallas import tpu as pltpu
from jax.experimental.pallas import tpu_sc as plsc

N = 100000
NP = 100352
E = 3200000
G = 64
F = 8

NC = 2
NS = 16
NW = NC * NS
L = 128
NR = E // L
RB = 40
NG = NR // RB
GPW = -(-NG // NW)
U = 8
CZ = 2048
NZ = NP // CZ

_mesh = plsc.VectorSubcoreMesh(core_axis_name="c", subcore_axis_name="s")
_sc_params = pltpu.CompilerParams(use_tc_tiling_on_sc=False,
                                  internal_scratch_in_bytes=131072)


def _sc_agg_kernel(table_hbm, e3_hbm, out_hbm, srcv, dstv, valv, tab_sh,
                   agg_sh, gsem, ssem, isem, u):
    cid = lax.axis_index("c")
    sid = lax.axis_index("s")
    w = cid * NS + sid

    @pl.loop(0, 4)
    def _(j):
        cc = sid + NS * j

        @pl.when(cc < NZ)
        def _():
            sl = pl.ds(cc * CZ, CZ)
            pltpu.sync_copy(table_hbm.at[sl], tab_sh.at[sl])
            pltpu.sync_copy(table_hbm.at[sl], agg_sh.at[sl])

    pltpu.async_copy(e3_hbm.at[0, pl.ds(w * RB, RB)], srcv.at[0], isem)
    pltpu.async_copy(e3_hbm.at[1, pl.ds(w * RB, RB)], dstv.at[0], isem)

    plsc.subcore_barrier()

    @pl.loop(0, GPW)
    def _(t):
        g = w + NW * t

        @pl.when(g < NG)
        def _():
            p = lax.rem(t, 2)
            pltpu.make_async_copy(
                e3_hbm.at[0, pl.ds(0, RB)], srcv.at[p], isem).wait()
            pltpu.make_async_copy(
                e3_hbm.at[1, pl.ds(0, RB)], dstv.at[p], isem).wait()
            gn = g + NW

            @pl.when(gn < NG)
            def _():
                pn = lax.rem(t + 1, 2)
                pltpu.async_copy(
                    e3_hbm.at[0, pl.ds(gn * RB, RB)], srcv.at[pn], isem)
                pltpu.async_copy(
                    e3_hbm.at[1, pl.ds(gn * RB, RB)], dstv.at[pn], isem)

            @pl.loop(0, RB, step=u)
            def _(r0):
                gs = [
                    pltpu.async_copy(
                        tab_sh.at[srcv.at[p, r0 + i]], valv.at[i],
                        gsem.at[i],
                    )
                    for i in range(u)
                ]
                ss = []
                for i in range(u):
                    gs[i].wait()
                    ss.append(pltpu.async_copy(
                        valv.at[i], agg_sh.at[dstv.at[p, r0 + i]], ssem,
                        add=True,
                    ))
                for cp in ss:
                    cp.wait()

    plsc.subcore_barrier()

    @pl.when(sid == 0)
    def _():
        pltpu.sync_copy(agg_sh, out_hbm.at[cid])


@functools.partial(
    pl.kernel,
    out_type=jax.ShapeDtypeStruct((NC, NP, 1), jnp.float32),
    mesh=_mesh,
    scratch_types=[
        pltpu.VMEM((2, RB, L), jnp.int32),
        pltpu.VMEM((2, RB, L), jnp.int32),
        pltpu.VMEM((U, L, 1), jnp.float32),
        pltpu.VMEM_SHARED((NP, 1), jnp.float32),
        pltpu.VMEM_SHARED((NP, 1), jnp.float32),
        pltpu.SemaphoreType.DMA((U,)),
        pltpu.SemaphoreType.DMA,
        pltpu.SemaphoreType.DMA,
    ],
    compiler_params=_sc_params,
)
def _sc_agg1(x_hbm, e3_hbm, out_hbm, srcv, dstv, valv, xt_sh, agg_sh,
             gsem, ssem, isem):
    _sc_agg_kernel(x_hbm, e3_hbm, out_hbm, srcv, dstv, valv, xt_sh, agg_sh,
                   gsem, ssem, isem, U)


@functools.partial(
    pl.kernel,
    out_type=jax.ShapeDtypeStruct((NC, NP, F), jnp.float32),
    mesh=_mesh,
    scratch_types=[
        pltpu.VMEM((2, RB, L), jnp.int32),
        pltpu.VMEM((2, RB, L), jnp.int32),
        pltpu.VMEM((U, L, F), jnp.float32),
        pltpu.VMEM_SHARED((NP, F), jnp.float32),
        pltpu.VMEM_SHARED((NP, F), jnp.float32),
        pltpu.SemaphoreType.DMA((U,)),
        pltpu.SemaphoreType.DMA,
        pltpu.SemaphoreType.DMA,
    ],
    compiler_params=_sc_params,
)
def _sc_agg2(h_hbm, e3_hbm, out_hbm, srcv, dstv, valv, ht_sh, agg_sh,
             gsem, ssem, isem):
    _sc_agg_kernel(h_hbm, e3_hbm, out_hbm, srcv, dstv, valv, ht_sh, agg_sh,
                   gsem, ssem, isem, U)


B1 = 3136


def _tc1_body(x_ref, p_ref, w1_ref, b1_ref, w2_ref, b2_ref, h_ref):
    s = p_ref[0] + p_ref[1] - x_ref[...]
    hid = jnp.maximum(s * w1_ref[...] + b1_ref[...], 0.0)
    h = (
        jnp.dot(hid, w2_ref[...], preferred_element_type=jnp.float32)
        + b2_ref[...]
    )
    h_ref[...] = jnp.where(h > 0, h, jnp.exp(h) - 1.0)


def _tc1(x2, p, W1, b1, W2, b2):
    return pl.pallas_call(
        _tc1_body,
        grid=(NP // B1,),
        in_specs=[
            pl.BlockSpec((B1, 1), lambda j: (j, 0)),
            pl.BlockSpec((NC, B1, 1), lambda j: (0, j, 0)),
            pl.BlockSpec((1, F), lambda j: (0, 0)),
            pl.BlockSpec((1, F), lambda j: (0, 0)),
            pl.BlockSpec((F, F), lambda j: (0, 0)),
            pl.BlockSpec((1, F), lambda j: (0, 0)),
        ],
        out_specs=pl.BlockSpec((B1, F), lambda j: (j, 0)),
        out_shape=jax.ShapeDtypeStruct((NP, F), jnp.float32),
    )(x2, p, W1, b1, W2, b2)


def _tc2_body(h_ref, q_ref, batch_ref, w3_ref, b3_ref, w4_ref, b4_ref,
              wfct_ref, bfc_ref, out_ref, acc_ref, cnt_ref):
    j = pl.program_id(0)

    @pl.when(j == 0)
    def _():
        acc_ref[...] = jnp.zeros_like(acc_ref)
        cnt_ref[...] = jnp.zeros_like(cnt_ref)

    u = q_ref[0] + q_ref[1] - h_ref[...]
    z = jnp.maximum(
        jnp.dot(u, w3_ref[...], preferred_element_type=jnp.float32)
        + b3_ref[...],
        0.0,
    )
    p2 = (
        jnp.dot(z, w4_ref[...], preferred_element_type=jnp.float32)
        + b4_ref[...]
    )
    oh = (
        batch_ref[...] == lax.broadcasted_iota(jnp.int32, (B1, G), 1)
    ).astype(jnp.float32)
    acc_ref[...] += lax.dot_general(
        p2, oh, (((0,), (0,)), ((), ())), preferred_element_type=jnp.float32
    )
    cnt_ref[...] += jnp.sum(oh, axis=0)[None, :]

    @pl.when(j == pl.num_programs(0) - 1)
    def _():
        pooled = acc_ref[...] / jnp.maximum(cnt_ref[...], 1.0)
        logit = (
            jnp.dot(wfct_ref[...], pooled, preferred_element_type=jnp.float32)
            + bfc_ref[...]
        )
        out_ref[...] = jax.nn.sigmoid(logit)


def _tc2(h8, q, batch2, W3, b3, W4, b4, WfcT, bfc):
    return pl.pallas_call(
        _tc2_body,
        grid=(NP // B1,),
        in_specs=[
            pl.BlockSpec((B1, F), lambda j: (j, 0)),
            pl.BlockSpec((NC, B1, F), lambda j: (0, j, 0)),
            pl.BlockSpec((B1, 1), lambda j: (j, 0)),
            pl.BlockSpec((F, F), lambda j: (0, 0)),
            pl.BlockSpec((1, F), lambda j: (0, 0)),
            pl.BlockSpec((F, F), lambda j: (0, 0)),
            pl.BlockSpec((1, F), lambda j: (0, 0)),
            pl.BlockSpec((1, F), lambda j: (0, 0)),
            pl.BlockSpec((1, 1), lambda j: (0, 0)),
        ],
        out_specs=pl.BlockSpec((1, G), lambda j: (0, 0)),
        out_shape=jax.ShapeDtypeStruct((1, G), jnp.float32),
        scratch_shapes=[
            pltpu.VMEM((F, G), jnp.float32),
            pltpu.VMEM((1, G), jnp.float32),
        ],
    )(h8, q, batch2, W3, b3, W4, b4, WfcT, bfc)


def kernel(x, edge_index, batch, W1, b1, W2, b2, W3, b3, W4, b4, Wfc, bfc):
    xf = jnp.pad(x.reshape(-1), (0, NP - N))
    batch2 = jnp.pad(batch, (0, NP - N), constant_values=G).reshape(NP, 1)
    e3 = edge_index.reshape(2, NR, L)
    p = _sc_agg1(xf.reshape(NP, 1), e3)
    h8 = _tc1(
        xf.reshape(NP, 1), p,
        W1, b1.reshape(1, F), W2, b2.reshape(1, F),
    )
    q = _sc_agg2(h8, e3)
    out = _tc2(
        h8, q, batch2,
        W3, b3.reshape(1, F), W4, b4.reshape(1, F),
        Wfc.T, bfc.reshape(1, 1),
    )
    return out.reshape(-1)

# --- scband reference (transcript-rebuilt; emitter-appended) ---
"""Pipeline reference for scband-ginconv-net-31988916420624 (READ-ONLY COPY).

The authoritative reference and input builder live on the scoring server;
editing this copy changes nothing except your own understanding.
"""

import jax, jax.numpy as jnp
import numpy as np

N = 100000
E = 3200000
G = 64

def setup_inputs(seed: int = 0) -> dict:
    key = jax.random.key(seed)
    ks = jax.random.split(key, 16)
    x = jax.random.normal(ks[0], (N, 1), dtype=jnp.float32)
    edge_index = jax.random.randint(ks[1], (2, E), 0, N, dtype=jnp.int32)
    batch = jnp.sort(jax.random.randint(ks[2], (N,), 0, G, dtype=jnp.int32))
    # conv1 MLP: Linear(1,8) -> ReLU -> Linear(8,8)
    W1 = jax.random.normal(ks[3], (1, 8), dtype=jnp.float32) * 0.1
    b1 = jnp.zeros((8,), dtype=jnp.float32)
    W2 = jax.random.normal(ks[4], (8, 8), dtype=jnp.float32) * 0.1
    b2 = jnp.zeros((8,), dtype=jnp.float32)
    # conv2 MLP: Linear(8,8) -> ReLU -> Linear(8,8)
    W3 = jax.random.normal(ks[5], (8, 8), dtype=jnp.float32) * 0.1
    b3 = jnp.zeros((8,), dtype=jnp.float32)
    W4 = jax.random.normal(ks[6], (8, 8), dtype=jnp.float32) * 0.1
    b4 = jnp.zeros((8,), dtype=jnp.float32)
    # fc: Linear(8,1)
    Wfc = jax.random.normal(ks[7], (8, 1), dtype=jnp.float32) * 0.1
    bfc = jnp.zeros((1,), dtype=jnp.float32)
    return {"x": x, "edge_index": edge_index, "batch": batch,
            "W1": W1, "b1": b1, "W2": W2, "b2": b2,
            "W3": W3, "b3": b3, "W4": W4, "b4": b4,
            "Wfc": Wfc, "bfc": bfc}

def _elu(h):
    return jnp.where(h > 0, h, jnp.expm1(h))

def reference(x, edge_index, batch, W1, b1, W2, b2, W3, b3, W4, b4, Wfc, bfc):
    src = edge_index[0]
    dst = edge_index[1]
    # GINConv layer 1: h_i = MLP((1 + eps) * x_i + sum_{j in N(i)} x_j), eps = 0
    agg1 = jax.ops.segment_sum(x[src], dst, num_segments=N)
    h = x + agg1
    h = jnp.maximum(h @ W1 + b1, 0.0) @ W2 + b2
    h = _elu(h)
    # GINConv layer 2
    agg2 = jax.ops.segment_sum(h[src], dst, num_segments=N)
    h = h + agg2
    h = jnp.maximum(h @ W3 + b3, 0.0) @ W4 + b4
    # global_mean_pool over batch ids
    sums = jax.ops.segment_sum(h, batch, num_segments=G)
    counts = jax.ops.segment_sum(jnp.ones((N, 1), dtype=h.dtype), batch, num_segments=G)
    pooled = sums / jnp.maximum(counts, 1.0)
    out = jax.nn.sigmoid(pooled @ Wfc + bfc)
    return out.reshape(-1)

if __name__ == "__main__":
    import jax
    _d = setup_inputs()
    print(jax.jit(kernel)(*tuple(_d.values())))

</pallas_src>

<mosaic_0001>
#map = affine_map<(d0, d1) -> (0, 0)>
#map1 = affine_map<(d0, d1) -> (0, 0, 0)>
module attributes {stable_mosaic.version = 14 : i64} {
  func.func @_sc_agg2(%arg0: i32, %arg1: i32, %arg2: memref<100352x8xf32, #tpu.memory_space<hbm>>, %arg3: memref<2x25000x128xi32, #tpu.memory_space<hbm>>, %arg4: memref<2x100352x8xf32, #tpu.memory_space<hbm>>, %arg5: memref<2x40x128xi32, #tpu.memory_space<vmem>>, %arg6: memref<2x40x128xi32, #tpu.memory_space<vmem>>, %arg7: memref<8x128x8xf32, #tpu.memory_space<vmem>>, %arg8: memref<100352x8xf32, #tpu.memory_space<vmem_shared>>, %arg9: memref<100352x8xf32, #tpu.memory_space<vmem_shared>>, %arg10: memref<8x!tpu.dma_semaphore, #tpu.memory_space<semaphore_mem>>, %arg11: memref<!tpu.dma_semaphore, #tpu.memory_space<semaphore_mem>>, %arg12: memref<!tpu.dma_semaphore, #tpu.memory_space<semaphore_mem>>) attributes {dimension_semantics = [#tpu.dimension_semantics<core_parallel>, #tpu.dimension_semantics<subcore_parallel>], iteration_bounds = array<i64: 2, 16>, scalar_prefetch = 0 : i64, scratch_operands = 8 : i64, tpu.core_type = #tpu.core_type<sc_vector_subcore>, window_params = [{transform_indices = #map}, {transform_indices = #map1}, {transform_indices = #map1}]} {
    %mul3A = arith.constant 16 : i32
    %mul3A_0 = arith.muli %arg0, %mul3A : i32
    %add3A = arith.addi %mul3A_0, %arg1 : i32
    %scan3A = arith.constant 0 : i32
    %scan3A_1 = arith.constant 4 : i32
    %scan3A_2 = arith.addi %scan3A, %scan3A_1 : i32
    %scan3A_3 = arith.constant 1 : i32
    scf.for %scan3A_48 = %scan3A to %scan3A_2 step %scan3A_3  : i32 {
      %mul3A_49 = arith.constant 1 : i32
      %mul3A_50 = arith.muli %scan3A_48, %mul3A_49 : i32
      %add3A_51 = arith.constant 0 : i32
      %add3A_52 = arith.addi %add3A_51, %mul3A_50 : i32
      %mul3A_53 = arith.constant 16 : i32
      %mul3A_54 = arith.muli %mul3A_53, %add3A_52 : i32
      %add3A_55 = arith.addi %arg1, %mul3A_54 : i32
      %lt3A = arith.constant 49 : i32
      %lt3A_56 = arith.cmpi slt, %add3A_55, %lt3A : i32
      %convert_element_type3A_57 = arith.extui %lt3A_56 : i1 to i32
      %cond3A_58 = arith.constant 0 : i32
      %cond3A_59 = arith.cmpi ne, %convert_element_type3A_57, %cond3A_58 : i32
      scf.if %cond3A_59 {
        %mul3A_60 = arith.constant 2048 : i32
        %mul3A_61 = arith.muli %add3A_55, %mul3A_60 : i32
        "tpu.region"() ({
          %run_scoped3A = tpu.sem_alloc : memref<!tpu.dma_semaphore, #tpu.memory_space<semaphore_mem>>
          %dma_start3A_62 = arith.constant 0 : i32
          %dma_start3A_63 = tpu.memref_slice %arg8[%mul3A_61, %dma_start3A_62] : memref<100352x8xf32, #tpu.memory_space<vmem_shared>> -> memref<2048x8xf32, #tpu.memory_space<vmem_shared>>
          %dma_start3A_64 = arith.constant 0 : i32
          %dma_start3A_65 = tpu.memref_slice %arg2[%mul3A_61, %dma_start3A_64] : memref<100352x8xf32, #tpu.memory_space<hbm>> -> memref<2048x8xf32, #tpu.memory_space<hbm>>
          tpu.enqueue_dma source(%dma_start3A_65 : memref<2048x8xf32, #tpu.memory_space<hbm>>) target(%dma_start3A_63 : memref<2048x8xf32, #tpu.memory_space<vmem_shared>>) target_semaphore(%run_scoped3A : memref<!tpu.dma_semaphore, #tpu.memory_space<semaphore_mem>>)
          %dma_wait3A = arith.constant 0 : i32
          %dma_wait3A_66 = tpu.memref_slice %arg8[%mul3A_61, %dma_wait3A] : memref<100352x8xf32, #tpu.memory_space<vmem_shared>> -> memref<2048x8xf32, #tpu.memory_space<vmem_shared>>
          %dma_wait3A_67 = arith.constant 0 : i32
          %dma_wait3A_68 = tpu.memref_slice %arg2[%mul3A_61, %dma_wait3A_67] : memref<100352x8xf32, #tpu.memory_space<hbm>> -> memref<2048x8xf32, #tpu.memory_space<hbm>>
          tpu.wait_dma2 semaphore(%run_scoped3A : memref<!tpu.dma_semaphore, #tpu.memory_space<semaphore_mem>>) src(%dma_wait3A_68 : memref<2048x8xf32, #tpu.memory_space<hbm>>) dst(%dma_wait3A_66 : memref<2048x8xf32, #tpu.memory_space<vmem_shared>>)
          tpu.yield
        }) : () -> ()
        "tpu.region"() ({
          %run_scoped3A = tpu.sem_alloc : memref<!tpu.dma_semaphore, #tpu.memory_space<semaphore_mem>>
          %dma_start3A_62 = arith.constant 0 : i32
          %dma_start3A_63 = tpu.memref_slice %arg9[%mul3A_61, %dma_start3A_62] : memref<100352x8xf32, #tpu.memory_space<vmem_shared>> -> memref<2048x8xf32, #tpu.memory_space<vmem_shared>>
          %dma_start3A_64 = arith.constant 0 : i32
          %dma_start3A_65 = tpu.memref_slice %arg2[%mul3A_61, %dma_start3A_64] : memref<100352x8xf32, #tpu.memory_space<hbm>> -> memref<2048x8xf32, #tpu.memory_space<hbm>>
          tpu.enqueue_dma source(%dma_start3A_65 : memref<2048x8xf32, #tpu.memory_space<hbm>>) target(%dma_start3A_63 : memref<2048x8xf32, #tpu.memory_space<vmem_shared>>) target_semaphore(%run_scoped3A : memref<!tpu.dma_semaphore, #tpu.memory_space<semaphore_mem>>)
          %dma_wait3A = arith.constant 0 : i32
          %dma_wait3A_66 = tpu.memref_slice %arg9[%mul3A_61, %dma_wait3A] : memref<100352x8xf32, #tpu.memory_space<vmem_shared>> -> memref<2048x8xf32, #tpu.memory_space<vmem_shared>>
          %dma_wait3A_67 = arith.constant 0 : i32
          %dma_wait3A_68 = tpu.memref_slice %arg2[%mul3A_61, %dma_wait3A_67] : memref<100352x8xf32, #tpu.memory_space<hbm>> -> memref<2048x8xf32, #tpu.memory_space<hbm>>
          tpu.wait_dma2 semaphore(%run_scoped3A : memref<!tpu.dma_semaphore, #tpu.memory_space<semaphore_mem>>) src(%dma_wait3A_68 : memref<2048x8xf32, #tpu.memory_space<hbm>>) dst(%dma_wait3A_66 : memref<2048x8xf32, #tpu.memory_space<vmem_shared>>)
          tpu.yield
        }) : () -> ()
      } else {
      }
    }
    %scan3A_4 = arith.constant 4 : i32
    %mul3A_5 = arith.constant 40 : i32
    %mul3A_6 = arith.muli %add3A, %mul3A_5 : i32
    %dma_start3A = arith.constant 0 : i32
    %dma_start3A_7 = arith.constant 0 : i32
    %dma_start3A_8 = arith.constant 0 : i32
    %dma_start3A_9 = arith.constant 0 : i32
    %dma_start3A_10 = tpu.memref_slice %arg5[%dma_start3A_7, %dma_start3A_8, %dma_start3A_9] : memref<2x40x128xi32, #tpu.memory_space<vmem>> -> memref<1x40x128xi32, #tpu.memory_space<vmem>>
    %dma_start3A_11 = tpu.memref_squeeze %dma_start3A_10 : memref<1x40x128xi32, #tpu.memory_space<vmem>> -> memref<40x128xi32, #tpu.memory_space<vmem>>
    %dma_start3A_12 = arith.constant 0 : i32
    %dma_start3A_13 = tpu.memref_slice %arg3[%dma_start3A, %mul3A_6, %dma_start3A_12] : memref<2x25000x128xi32, #tpu.memory_space<hbm>> -> memref<1x40x128xi32, #tpu.memory_space<hbm>>
    %dma_start3A_14 = tpu.memref_squeeze %dma_start3A_13 : memref<1x40x128xi32, #tpu.memory_space<hbm>> -> memref<40x128xi32, #tpu.memory_space<hbm>>
    %dma_start3A_15 = arith.constant 0 : i32
    %dma_start3A_16 = arith.constant 0 : i32
    %dma_start3A_17 = tpu.memref_slice %arg5[%dma_start3A_7, %dma_start3A_15, %dma_start3A_16] : memref<2x40x128xi32, #tpu.memory_space<vmem>> -> memref<1x40x128xi32, #tpu.memory_space<vmem>>
    %dma_start3A_18 = tpu.memref_squeeze %dma_start3A_17 : memref<1x40x128xi32, #tpu.memory_space<vmem>> -> memref<40x128xi32, #tpu.memory_space<vmem>>
    %dma_start3A_19 = arith.constant 0 : i32
    %dma_start3A_20 = tpu.memref_slice %arg3[%dma_start3A, %mul3A_6, %dma_start3A_19] : memref<2x25000x128xi32, #tpu.memory_space<hbm>> -> memref<1x40x128xi32, #tpu.memory_space<hbm>>
    %dma_start3A_21 = tpu.memref_squeeze %dma_start3A_20 : memref<1x40x128xi32, #tpu.memory_space<hbm>> -> memref<40x128xi32, #tpu.memory_space<hbm>>
    tpu.enqueue_dma source(%dma_start3A_21 : memref<40x128xi32, #tpu.memory_space<hbm>>) target(%dma_start3A_18 : memref<40x128xi32, #tpu.memory_space<vmem>>) target_semaphore(%arg12 : memref<!tpu.dma_semaphore, #tpu.memory_space<semaphore_mem>>)
    %mul3A_22 = arith.constant 40 : i32
    %mul3A_23 = arith.muli %add3A, %mul3A_22 : i32
    %dma_start3A_24 = arith.constant 1 : i32
    %dma_start3A_25 = arith.constant 0 : i32
    %dma_start3A_26 = arith.constant 0 : i32
    %dma_start3A_27 = arith.constant 0 : i32
    %dma_start3A_28 = tpu.memref_slice %arg6[%dma_start3A_25, %dma_start3A_26, %dma_start3A_27] : memref<2x40x128xi32, #tpu.memory_space<vmem>> -> memref<1x40x128xi32, #tpu.memory_space<vmem>>
    %dma_start3A_29 = tpu.memref_squeeze %dma_start3A_28 : memref<1x40x128xi32, #tpu.memory_space<vmem>> -> memref<40x128xi32, #tpu.memory_space<vmem>>
    %dma_start3A_30 = arith.constant 0 : i32
    %dma_start3A_31 = tpu.memref_slice %arg3[%dma_start3A_24, %mul3A_23, %dma_start3A_30] : memref<2x25000x128xi32, #tpu.memory_space<hbm>> -> memref<1x40x128xi32, #tpu.memory_space<hbm>>
    %dma_start3A_32 = tpu.memref_squeeze %dma_start3A_31 : memref<1x40x128xi32, #tpu.memory_space<hbm>> -> memref<40x128xi32, #tpu.memory_space<hbm>>
    %dma_start3A_33 = arith.constant 0 : i32
    %dma_start3A_34 = arith.constant 0 : i32
    %dma_start3A_35 = tpu.memref_slice %arg6[%dma_start3A_25, %dma_start3A_33, %dma_start3A_34] : memref<2x40x128xi32, #tpu.memory_space<vmem>> -> memref<1x40x128xi32, #tpu.memory_space<vmem>>
    %dma_start3A_36 = tpu.memref_squeeze %dma_start3A_35 : memref<1x40x128xi32, #tpu.memory_space<vmem>> -> memref<40x128xi32, #tpu.memory_space<vmem>>
    %dma_start3A_37 = arith.constant 0 : i32
    %dma_start3A_38 = tpu.memref_slice %arg3[%dma_start3A_24, %mul3A_23, %dma_start3A_37] : memref<2x25000x128xi32, #tpu.memory_space<hbm>> -> memref<1x40x128xi32, #tpu.memory_space<hbm>>
    %dma_start3A_39 = tpu.memref_squeeze %dma_start3A_38 : memref<1x40x128xi32, #tpu.memory_space<hbm>> -> memref<40x128xi32, #tpu.memory_space<hbm>>
    tpu.enqueue_dma source(%dma_start3A_39 : memref<40x128xi32, #tpu.memory_space<hbm>>) target(%dma_start3A_36 : memref<40x128xi32, #tpu.memory_space<vmem>>) target_semaphore(%arg12 : memref<!tpu.dma_semaphore, #tpu.memory_space<semaphore_mem>>)
    %barrier3A = arith.constant 0 : index
    tpu.barrier barrier_id(%barrier3A)
    %scan3A_40 = arith.constant 0 : i32
    %scan3A_41 = arith.constant 20 : i32
    %scan3A_42 = arith.addi %scan3A_40, %scan3A_41 : i32
    %scan3A_43 = arith.constant 1 : i32
    scf.for %scan3A_48 = %scan3A_40 to %scan3A_42 step %scan3A_43  : i32 {
      %mul3A_49 = arith.constant 1 : i32
      %mul3A_50 = arith.muli %scan3A_48, %mul3A_49 : i32
      %add3A_51 = arith.constant 0 : i32
      %add3A_52 = arith.addi %add3A_51, %mul3A_50 : i32
      %mul3A_53 = arith.constant 32 : i32
      %mul3A_54 = arith.muli %mul3A_53, %add3A_52 : i32
      %add3A_55 = arith.addi %add3A, %mul3A_54 : i32
      %lt3A = arith.constant 625 : i32
      %lt3A_56 = arith.cmpi slt, %add3A_55, %lt3A : i32
      %convert_element_type3A_57 = arith.extui %lt3A_56 : i1 to i32
      %cond3A_58 = arith.constant 0 : i32
      %cond3A_59 = arith.cmpi ne, %convert_element_type3A_57, %cond3A_58 : i32
      scf.if %cond3A_59 {
        %rem3A = arith.constant 2 : i32
        %rem3A_60 = arith.remsi %add3A_52, %rem3A : i32
        %dma_wait3A = arith.constant 0 : i32
        %dma_wait3A_61 = arith.constant 0 : i32
        %dma_wait3A_62 = arith.constant 0 : i32
        %dma_wait3A_63 = tpu.memref_slice %arg5[%rem3A_60, %dma_wait3A_61, %dma_wait3A_62] : memref<2x40x128xi32, #tpu.memory_space<vmem>> -> memref<1x40x128xi32, #tpu.memory_space<vmem>>
        %dma_wait3A_64 = tpu.memref_squeeze %dma_wait3A_63 : memref<1x40x128xi32, #tpu.memory_space<vmem>> -> memref<40x128xi32, #tpu.memory_space<vmem>>
        %dma_wait3A_65 = arith.constant 0 : i32
        %dma_wait3A_66 = arith.constant 0 : i32
        %dma_wait3A_67 = tpu.memref_slice %arg3[%dma_wait3A, %dma_wait3A_65, %dma_wait3A_66] : memref<2x25000x128xi32, #tpu.memory_space<hbm>> -> memref<1x40x128xi32, #tpu.memory_space<hbm>>
        %dma_wait3A_68 = tpu.memref_squeeze %dma_wait3A_67 : memref<1x40x128xi32, #tpu.memory_space<hbm>> -> memref<40x128xi32, #tpu.memory_space<hbm>>
        %dma_wait3A_69 = arith.constant 0 : i32
        %dma_wait3A_70 = arith.constant 0 : i32
        %dma_wait3A_71 = tpu.memref_slice %arg5[%rem3A_60, %dma_wait3A_69, %dma_wait3A_70] : memref<2x40x128xi32, #tpu.memory_space<vmem>> -> memref<1x40x128xi32, #tpu.memory_space<vmem>>
        %dma_wait3A_72 = tpu.memref_squeeze %dma_wait3A_71 : memref<1x40x128xi32, #tpu.memory_space<vmem>> -> memref<40x128xi32, #tpu.memory_space<vmem>>
        %dma_wait3A_73 = arith.constant 0 : i32
        %dma_wait3A_74 = arith.constant 0 : i32
        %dma_wait3A_75 = tpu.memref_slice %arg3[%dma_wait3A, %dma_wait3A_73, %dma_wait3A_74] : memref<2x25000x128xi32, #tpu.memory_space<hbm>> -> memref<1x40x128xi32, #tpu.memory_space<hbm>>
        %dma_wait3A_76 = tpu.memref_squeeze %dma_wait3A_75 : memref<1x40x128xi32, #tpu.memory_space<hbm>> -> memref<40x128xi32, #tpu.memory_space<hbm>>
        tpu.wait_dma2 semaphore(%arg12 : memref<!tpu.dma_semaphore, #tpu.memory_space<semaphore_mem>>) src(%dma_wait3A_76 : memref<40x128xi32, #tpu.memory_space<hbm>>) dst(%dma_wait3A_72 : memref<40x128xi32, #tpu.memory_space<vmem>>)
        %dma_wait3A_77 = arith.constant 1 : i32
        %dma_wait3A_78 = arith.constant 0 : i32
        %dma_wait3A_79 = arith.constant 0 : i32
        %dma_wait3A_80 = tpu.memref_slice %arg6[%rem3A_60, %dma_wait3A_78, %dma_wait3A_79] : memref<2x40x128xi32, #tpu.memory_space<vmem>> -> memref<1x40x128xi32, #tpu.memory_space<vmem>>
        %dma_wait3A_81 = tpu.memref_squeeze %dma_wait3A_80 : memref<1x40x128xi32, #tpu.memory_space<vmem>> -> memref<40x128xi32, #tpu.memory_space<vmem>>
        %dma_wait3A_82 = arith.constant 0 : i32
        %dma_wait3A_83 = arith.constant 0 : i32
        %dma_wait3A_84 = tpu.memref_slice %arg3[%dma_wait3A_77, %dma_wait3A_82, %dma_wait3A_83] : memref<2x25000x128xi32, #tpu.memory_space<hbm>> -> memref<1x40x128xi32, #tpu.memory_space<hbm>>
        %dma_wait3A_85 = tpu.memref_squeeze %dma_wait3A_84 : memref<1x40x128xi32, #tpu.memory_space<hbm>> -> memref<40x128xi32, #tpu.memory_space<hbm>>
        %dma_wait3A_86 = arith.constant 0 : i32
        %dma_wait3A_87 = arith.constant 0 : i32
        %dma_wait3A_88 = tpu.memref_slice %arg6[%rem3A_60, %dma_wait3A_86, %dma_wait3A_87] : memref<2x40x128xi32, #tpu.memory_space<vmem>> -> memref<1x40x128xi32, #tpu.memory_space<vmem>>
        %dma_wait3A_89 = tpu.memref_squeeze %dma_wait3A_88 : memref<1x40x128xi32, #tpu.memory_space<vmem>> -> memref<40x128xi32, #tpu.memory_space<vmem>>
        %dma_wait3A_90 = arith.constant 0 : i32
        %dma_wait3A_91 = arith.constant 0 : i32
        %dma_wait3A_92 = tpu.memref_slice %arg3[%dma_wait3A_77, %dma_wait3A_90, %dma_wait3A_91] : memref<2x25000x128xi32, #tpu.memory_space<hbm>> -> memref<1x40x128xi32, #tpu.memory_space<hbm>>
        %dma_wait3A_93 = tpu.memref_squeeze %dma_wait3A_92 : memref<1x40x128xi32, #tpu.memory_space<hbm>> -> memref<40x128xi32, #tpu.memory_space<hbm>>
        tpu.wait_dma2 semaphore(%arg12 : memref<!tpu.dma_semaphore, #tpu.memory_space<semaphore_mem>>) src(%dma_wait3A_93 : memref<40x128xi32, #tpu.memory_space<hbm>>) dst(%dma_wait3A_89 : memref<40x128xi32, #tpu.memory_space<vmem>>)
        %add3A_94 = arith.constant 32 : i32
        %add3A_95 = arith.addi %add3A_55, %add3A_94 : i32
        %lt3A_96 = arith.constant 625 : i32
        %lt3A_97 = arith.cmpi slt, %add3A_95, %lt3A_96 : i32
        %convert_element_type3A_98 = arith.extui %lt3A_97 : i1 to i32
        %cond3A_99 = arith.constant 0 : i32
        %cond3A_100 = arith.cmpi ne, %convert_element_type3A_98, %cond3A_99 : i32
        scf.if %cond3A_100 {
          %add3A_106 = arith.constant 1 : i32
          %add3A_107 = arith.addi %add3A_52, %add3A_106 : i32
          %rem3A_108 = arith.constant 2 : i32
          %rem3A_109 = arith.remsi %add3A_107, %rem3A_108 : i32
          %mul3A_110 = arith.constant 40 : i32
          %mul3A_111 = arith.muli %add3A_95, %mul3A_110 : i32
          %dma_start3A_112 = arith.constant 0 : i32
          %dma_start3A_113 = arith.constant 0 : i32
          %dma_start3A_114 = arith.constant 0 : i32
          %dma_start3A_115 = tpu.memref_slice %arg5[%rem3A_109, %dma_start3A_113, %dma_start3A_114] : memref<2x40x128xi32, #tpu.memory_space<vmem>> -> memref<1x40x128xi32, #tpu.memory_space<vmem>>
          %dma_start3A_116 = tpu.memref_squeeze %dma_start3A_115 : memref<1x40x128xi32, #tpu.memory_space<vmem>> -> memref<40x128xi32, #tpu.memory_space<vmem>>
          %dma_start3A_117 = arith.constant 0 : i32
          %dma_start3A_118 = tpu.memref_slice %arg3[%dma_start3A_112, %mul3A_111, %dma_start3A_117] : memref<2x25000x128xi32, #tpu.memory_space<hbm>> -> memref<1x40x128xi32, #tpu.memory_space<hbm>>
          %dma_start3A_119 = tpu.memref_squeeze %dma_start3A_118 : memref<1x40x128xi32, #tpu.memory_space<hbm>> -> memref<40x128xi32, #tpu.memory_space<hbm>>
          %dma_start3A_120 = arith.constant 0 : i32
          %dma_start3A_121 = arith.constant 0 : i32
          %dma_start3A_122 = tpu.memref_slice %arg5[%rem3A_109, %dma_start3A_120, %dma_start3A_121] : memref<2x40x128xi32, #tpu.memory_space<vmem>> -> memref<1x40x128xi32, #tpu.memory_space<vmem>>
          %dma_start3A_123 = tpu.memref_squeeze %dma_start3A_122 : memref<1x40x128xi32, #tpu.memory_space<vmem>> -> memref<40x128xi32, #tpu.memory_space<vmem>>
          %dma_start3A_124 = arith.constant 0 : i32
          %dma_start3A_125 = tpu.memref_slice %arg3[%dma_start3A_112, %mul3A_111, %dma_start3A_124] : memref<2x25000x128xi32, #tpu.memory_space<hbm>> -> memref<1x40x128xi32, #tpu.memory_space<hbm>>
          %dma_start3A_126 = tpu.memref_squeeze %dma_start3A_125 : memref<1x40x128xi32, #tpu.memory_space<hbm>> -> memref<40x128xi32, #tpu.memory_space<hbm>>
          tpu.enqueue_dma source(%dma_start3A_126 : memref<40x128xi32, #tpu.memory_space<hbm>>) target(%dma_start3A_123 : memref<40x128xi32, #tpu.memory_space<vmem>>) target_semaphore(%arg12 : memref<!tpu.dma_semaphore, #tpu.memory_space<semaphore_mem>>)
          %mul3A_127 = arith.constant 40 : i32
          %mul3A_128 = arith.muli %add3A_95, %mul3A_127 : i32
          %dma_start3A_129 = arith.constant 1 : i32
          %dma_start3A_130 = arith.constant 0 : i32
          %dma_start3A_131 = arith.constant 0 : i32
          %dma_start3A_132 = tpu.memref_slice %arg6[%rem3A_109, %dma_start3A_130, %dma_start3A_131] : memref<2x40x128xi32, #tpu.memory_space<vmem>> -> memref<1x40x128xi32, #tpu.memory_space<vmem>>
          %dma_start3A_133 = tpu.memref_squeeze %dma_start3A_132 : memref<1x40x128xi32, #tpu.memory_space<vmem>> -> memref<40x128xi32, #tpu.memory_space<vmem>>
          %dma_start3A_134 = arith.constant 0 : i32
          %dma_start3A_135 = tpu.memref_slice %arg3[%dma_start3A_129, %mul3A_128, %dma_start3A_134] : memref<2x25000x128xi32, #tpu.memory_space<hbm>> -> memref<1x40x128xi32, #tpu.memory_space<hbm>>
          %dma_start3A_136 = tpu.memref_squeeze %dma_start3A_135 : memref<1x40x128xi32, #tpu.memory_space<hbm>> -> memref<40x128xi32, #tpu.memory_space<hbm>>
          %dma_start3A_137 = arith.constant 0 : i32
          %dma_start3A_138 = arith.constant 0 : i32
          %dma_start3A_139 = tpu.memref_slice %arg6[%rem3A_109, %dma_start3A_137, %dma_start3A_138] : memref<2x40x128xi32, #tpu.memory_space<vmem>> -> memref<1x40x128xi32, #tpu.memory_space<vmem>>
          %dma_start3A_140 = tpu.memref_squeeze %dma_start3A_139 : memref<1x40x128xi32, #tpu.memory_space<vmem>> -> memref<40x128xi32, #tpu.memory_space<vmem>>
          %dma_start3A_141 = arith.constant 0 : i32
          %dma_start3A_142 = tpu.memref_slice %arg3[%dma_start3A_129, %mul3A_128, %dma_start3A_141] : memref<2x25000x128xi32, #tpu.memory_space<hbm>> -> memref<1x40x128xi32, #tpu.memory_space<hbm>>
          %dma_start3A_143 = tpu.memref_squeeze %dma_start3A_142 : memref<1x40x128xi32, #tpu.memory_space<hbm>> -> memref<40x128xi32, #tpu.memory_space<hbm>>
          tpu.enqueue_dma source(%dma_start3A_143 : memref<40x128xi32, #tpu.memory_space<hbm>>) target(%dma_start3A_140 : memref<40x128xi32, #tpu.memory_space<vmem>>) target_semaphore(%arg12 : memref<!tpu.dma_semaphore, #tpu.memory_space<semaphore_mem>>)
        } else {
        }
        %scan3A_101 = arith.constant 0 : i32
        %scan3A_102 = arith.constant 5 : i32
        %scan3A_103 = arith.addi %scan3A_101, %scan3A_102 : i32
        %scan3A_104 = arith.constant 1 : i32
        scf.for %scan3A_106 = %scan3A_101 to %scan3A_103 step %scan3A_104  : i32 {
          %mul3A_107 = arith.constant 8 : i32
          %mul3A_108 = arith.muli %scan3A_106, %mul3A_107 : i32
          %add3A_109 = arith.constant 0 : i32
          %add3A_110 = arith.addi %add3A_109, %mul3A_108 : i32
          %add3A_111 = arith.constant 0 : i32
          %add3A_112 = arith.addi %add3A_110, %add3A_111 : i32
          %dma_start3A_113 = arith.constant 0 : i32
          %dma_start3A_114 = arith.constant 0 : i32
          %dma_start3A_115 = arith.constant 0 : i32
          %dma_start3A_116 = arith.constant 0 : i32
          %dma_start3A_117 = tpu.memref_slice %arg7[%dma_start3A_113, %dma_start3A_115, %dma_start3A_116] : memref<8x128x8xf32, #tpu.memory_space<vmem>> -> memref<1x128x8xf32, #tpu.memory_space<vmem>>
          %dma_start3A_118 = tpu.memref_squeeze %dma_start3A_117 : memref<1x128x8xf32, #tpu.memory_space<vmem>> -> memref<128x8xf32, #tpu.memory_space<vmem>>
          %dma_start3A_119 = arith.constant 0 : i32
          %dma_start3A_120 = tpu.memref_slice %arg5[%rem3A_60, %add3A_112, %dma_start3A_119] : memref<2x40x128xi32, #tpu.memory_space<vmem>> -> memref<1x1x128xi32, #tpu.memory_space<vmem>>
          %dma_start3A_121 = tpu.memref_squeeze %dma_start3A_120 : memref<1x1x128xi32, #tpu.memory_space<vmem>> -> memref<128xi32, #tpu.memory_space<vmem>>
          %dma_start3A_122 = arith.constant 0 : i32
          %dma_start3A_123 = arith.constant 0 : i32
          %dma_start3A_124 = tpu.memref_slice %arg8[%dma_start3A_122, %dma_start3A_123] : memref<100352x8xf32, #tpu.memory_space<vmem_shared>> -> memref<100352x8xf32, #tpu.memory_space<vmem_shared>>
          %dma_start3A_125 = tpu.memref_slice %arg10[%dma_start3A_114] : memref<8x!tpu.dma_semaphore, #tpu.memory_space<semaphore_mem>> -> memref<1x!tpu.dma_semaphore, #tpu.memory_space<semaphore_mem>>
          %dma_start3A_126 = tpu.memref_squeeze %dma_start3A_125 : memref<1x!tpu.dma_semaphore, #tpu.memory_space<semaphore_mem>> -> memref<!tpu.dma_semaphore, #tpu.memory_space<semaphore_mem>>
          tpu.enqueue_indirect_dma source(%dma_start3A_124 : memref<100352x8xf32, #tpu.memory_space<vmem_shared>>) target(%dma_start3A_118 : memref<128x8xf32, #tpu.memory_space<vmem>>) offsets(%dma_start3A_121 : memref<128xi32, #tpu.memory_space<vmem>>) semaphore(%dma_start3A_126 : memref<!tpu.dma_semaphore, #tpu.memory_space<semaphore_mem>>)
          %add3A_127 = arith.constant 1 : i32
          %add3A_128 = arith.addi %add3A_110, %add3A_127 : i32
          %dma_start3A_129 = arith.constant 1 : i32
          %dma_start3A_130 = arith.constant 1 : i32
          %dma_start3A_131 = arith.constant 0 : i32
          %dma_start3A_132 = arith.constant 0 : i32
          %dma_start3A_133 = tpu.memref_slice %arg7[%dma_start3A_129, %dma_start3A_131, %dma_start3A_132] : memref<8x128x8xf32, #tpu.memory_space<vmem>> -> memref<1x128x8xf32, #tpu.memory_space<vmem>>
          %dma_start3A_134 = tpu.memref_squeeze %dma_start3A_133 : memref<1x128x8xf32, #tpu.memory_space<vmem>> -> memref<128x8xf32, #tpu.memory_space<vmem>>
          %dma_start3A_135 = arith.constant 0 : i32
          %dma_start3A_136 = tpu.memref_slice %arg5[%rem3A_60, %add3A_128, %dma_start3A_135] : memref<2x40x128xi32, #tpu.memory_space<vmem>> -> memref<1x1x128xi32, #tpu.memory_space<vmem>>
          %dma_start3A_137 = tpu.memref_squeeze %dma_start3A_136 : memref<1x1x128xi32, #tpu.memory_space<vmem>> -> memref<128xi32, #tpu.memory_space<vmem>>
          %dma_start3A_138 = arith.constant 0 : i32
          %dma_start3A_139 = arith.constant 0 : i32
          %dma_start3A_140 = tpu.memref_slice %arg8[%dma_start3A_138, %dma_start3A_139] : memref<100352x8xf32, #tpu.memory_space<vmem_shared>> -> memref<100352x8xf32, #tpu.memory_space<vmem_shared>>
          %dma_start3A_141 = tpu.memref_slice %arg10[%dma_start3A_130] : memref<8x!tpu.dma_semaphore, #tpu.memory_space<semaphore_mem>> -> memref<1x!tpu.dma_semaphore, #tpu.memory_space<semaphore_mem>>
          %dma_start3A_142 = tpu.memref_squeeze %dma_start3A_141 : memref<1x!tpu.dma_semaphore, #tpu.memory_space<semaphore_mem>> -> memref<!tpu.dma_semaphore, #tpu.memory_space<semaphore_mem>>
          tpu.enqueue_indirect_dma source(%dma_start3A_140 : memref<100352x8xf32, #tpu.memory_space<vmem_shared>>) target(%dma_start3A_134 : memref<128x8xf32, #tpu.memory_space<vmem>>) offsets(%dma_start3A_137 : memref<128xi32, #tpu.memory_space<vmem>>) semaphore(%dma_start3A_142 : memref<!tpu.dma_semaphore, #tpu.memory_space<semaphore_mem>>)
          %add3A_143 = arith.constant 2 : i32
          %add3A_144 = arith.addi %add3A_110, %add3A_143 : i32
          %dma_start3A_145 = arith.constant 2 : i32
          %dma_start3A_146 = arith.constant 2 : i32
          %dma_start3A_147 = arith.constant 0 : i32
          %dma_start3A_148 = arith.constant 0 : i32
          %dma_start3A_149 = tpu.memref_slice %arg7[%dma_start3A_145, %dma_start3A_147, %dma_start3A_148] : memref<8x128x8xf32, #tpu.memory_space<vmem>> -> memref<1x128x8xf32, #tpu.memory_space<vmem>>
          %dma_start3A_150 = tpu.memref_squeeze %dma_start3A_149 : memref<1x128x8xf32, #tpu.memory_space<vmem>> -> memref<128x8xf32, #tpu.memory_space<vmem>>
          %dma_start3A_151 = arith.constant 0 : i32
          %dma_start3A_152 = tpu.memref_slice %arg5[%rem3A_60, %add3A_144, %dma_start3A_151] : memref<2x40x128xi32, #tpu.memory_space<vmem>> -> memref<1x1x128xi32, #tpu.memory_space<vmem>>
          %dma_start3A_153 = tpu.memref_squeeze %dma_start3A_152 : memref<1x1x128xi32, #tpu.memory_space<vmem>> -> memref<128xi32, #tpu.memory_space<vmem>>
          %dma_start3A_154 = arith.constant 0 : i32
          %dma_start3A_155 = arith.constant 0 : i32
          %dma_start3A_156 = tpu.memref_slice %arg8[%dma_start3A_154, %dma_start3A_155] : memref<100352x8xf32, #tpu.memory_space<vmem_shared>> -> memref<100352x8xf32, #tpu.memory_space<vmem_shared>>
          %dma_start3A_157 = tpu.memref_slice %arg10[%dma_start3A_146] : memref<8x!tpu.dma_semaphore, #tpu.memory_space<semaphore_mem>> -> memref<1x!tpu.dma_semaphore, #tpu.memory_space<semaphore_mem>>
          %dma_start3A_158 = tpu.memref_squeeze %dma_start3A_157 : memref<1x!tpu.dma_semaphore, #tpu.memory_space<semaphore_mem>> -> memref<!tpu.dma_semaphore, #tpu.memory_space<semaphore_mem>>
          tpu.enqueue_indirect_dma source(%dma_start3A_156 : memref<100352x8xf32, #tpu.memory_space<vmem_shared>>) target(%dma_start3A_150 : memref<128x8xf32, #tpu.memory_space<vmem>>) offsets(%dma_start3A_153 : memref<128xi32, #tpu.memory_space<vmem>>) semaphore(%dma_start3A_158 : memref<!tpu.dma_semaphore, #tpu.memory_space<semaphore_mem>>)
          %add3A_159 = arith.constant 3 : i32
          %add3A_160 = arith.addi %add3A_110, %add3A_159 : i32
          %dma_start3A_161 = arith.constant 3 : i32
          %dma_start3A_162 = arith.constant 3 : i32
          %dma_start3A_163 = arith.constant 0 : i32
          %dma_start3A_164 = arith.constant 0 : i32
          %dma_start3A_165 = tpu.memref_slice %arg7[%dma_start3A_161, %dma_start3A_163, %dma_start3A_164] : memref<8x128x8xf32, #tpu.memory_space<vmem>> -> memref<1x128x8xf32, #tpu.memory_space<vmem>>
          %dma_start3A_166 = tpu.memref_squeeze %dma_start3A_165 : memref<1x128x8xf32, #tpu.memory_space<vmem>> -> memref<128x8xf32, #tpu.memory_space<vmem>>
          %dma_start3A_167 = arith.constant 0 : i32
          %dma_start3A_168 = tpu.memref_slice %arg5[%rem3A_60, %add3A_160, %dma_start3A_167] : memref<2x40x128xi32, #tpu.memory_space<vmem>> -> memref<1x1x128xi32, #tpu.memory_space<vmem>>
          %dma_start3A_169 = tpu.memref_squeeze %dma_start3A_168 : memref<1x1x128xi32, #tpu.memory_space<vmem>> -> memref<128xi32, #tpu.memory_space<vmem>>
          %dma_start3A_170 = arith.constant 0 : i32
          %dma_start3A_171 = arith.constant 0 : i32
          %dma_start3A_172 = tpu.memref_slice %arg8[%dma_start3A_170, %dma_start3A_171] : memref<100352x8xf32, #tpu.memory_space<vmem_shared>> -> memref<100352x8xf32, #tpu.memory_space<vmem_shared>>
          %dma_start3A_173 = tpu.memref_slice %arg10[%dma_start3A_162] : memref<8x!tpu.dma_semaphore, #tpu.memory_space<semaphore_mem>> -> memref<1x!tpu.dma_semaphore, #tpu.memory_space<semaphore_mem>>
          %dma_start3A_174 = tpu.memref_squeeze %dma_start3A_173 : memref<1x!tpu.dma_semaphore, #tpu.memory_space<semaphore_mem>> -> memref<!tpu.dma_semaphore, #tpu.memory_space<semaphore_mem>>
          tpu.enqueue_indirect_dma source(%dma_start3A_172 : memref<100352x8xf32, #tpu.memory_space<vmem_shared>>) target(%dma_start3A_166 : memref<128x8xf32, #tpu.memory_space<vmem>>) offsets(%dma_start3A_169 : memref<128xi32, #tpu.memory_space<vmem>>) semaphore(%dma_start3A_174 : memref<!tpu.dma_semaphore, #tpu.memory_space<semaphore_mem>>)
          %add3A_175 = arith.constant 4 : i32
          %add3A_176 = arith.addi %add3A_110, %add3A_175 : i32
          %dma_start3A_177 = arith.constant 4 : i32
          %dma_start3A_178 = arith.constant 4 : i32
          %dma_start3A_179 = arith.constant 0 : i32
          %dma_start3A_180 = arith.constant 0 : i32
          %dma_start3A_181 = tpu.memref_slice %arg7[%dma_start3A_177, %dma_start3A_179, %dma_start3A_180] : memref<8x128x8xf32, #tpu.memory_space<vmem>> -> memref<1x128x8xf32, #tpu.memory_space<vmem>>
          %dma_start3A_182 = tpu.memref_squeeze %dma_start3A_181 : memref<1x128x8xf32, #tpu.memory_space<vmem>> -> memref<128x8xf32, #tpu.memory_space<vmem>>
          %dma_start3A_183 = arith.constant 0 : i32
          %dma_start3A_184 = tpu.memref_slice %arg5[%rem3A_60, %add3A_176, %dma_start3A_183] : memref<2x40x128xi32, #tpu.memory_space<vmem>> -> memref<1x1x128xi32, #tpu.memory_space<vmem>>
          %dma_start3A_185 = tpu.memref_squeeze %dma_start3A_184 : memref<1x1x128xi32, #tpu.memory_space<vmem>> -> memref<128xi32, #tpu.memory_space<vmem>>
          %dma_start3A_186 = arith.constant 0 : i32
          %dma_start3A_187 = arith.constant 0 : i32
          %dma_start3A_188 = tpu.memref_slice %arg8[%dma_start3A_186, %dma_start3A_187] : memref<100352x8xf32, #tpu.memory_space<vmem_shared>> -> memref<100352x8xf32, #tpu.memory_space<vmem_shared>>
          %dma_start3A_189 = tpu.memref_slice %arg10[%dma_start3A_178] : memref<8x!tpu.dma_semaphore, #tpu.memory_space<semaphore_mem>> -> memref<1x!tpu.dma_semaphore, #tpu.memory_space<semaphore_mem>>
          %dma_start3A_190 = tpu.memref_squeeze %dma_start3A_189 : memref<1x!tpu.dma_semaphore, #tpu.memory_space<semaphore_mem>> -> memref<!tpu.dma_semaphore, #tpu.memory_space<semaphore_mem>>
          tpu.enqueue_indirect_dma source(%dma_start3A_188 : memref<100352x8xf32, #tpu.memory_space<vmem_shared>>) target(%dma_start3A_182 : memref<128x8xf32, #tpu.memory_space<vmem>>) offsets(%dma_start3A_185 : memref<128xi32, #tpu.memory_space<vmem>>) semaphore(%dma_start3A_190 : memref<!tpu.dma_semaphore, #tpu.memory_space<semaphore_mem>>)
          %add3A_191 = arith.constant 5 : i32
          %add3A_192 = arith.addi %add3A_110, %add3A_191 : i32
          %dma_start3A_193 = arith.constant 5 : i32
          %dma_start3A_194 = arith.constant 5 : i32
          %dma_start3A_195 = arith.constant 0 : i32
          %dma_start3A_196 = arith.constant 0 : i32
          %dma_start3A_197 = tpu.memref_slice %arg7[%dma_start3A_193, %dma_start3A_195, %dma_start3A_196] : memref<8x128x8xf32, #tpu.memory_space<vmem>> -> memref<1x128x8xf32, #tpu.memory_space<vmem>>
          %dma_start3A_198 = tpu.memref_squeeze %dma_start3A_197 : memref<1x128x8xf32, #tpu.memory_space<vmem>> -> memref<128x8xf32, #tpu.memory_space<vmem>>
          %dma_start3A_199 = arith.constant 0 : i32
          %dma_start3A_200 = tpu.memref_slice %arg5[%rem3A_60, %add3A_192, %dma_start3A_199] : memref<2x40x128xi32, #tpu.memory_space<vmem>> -> memref<1x1x128xi32, #tpu.memory_space<vmem>>
          %dma_start3A_201 = tpu.memref_squeeze %dma_start3A_200 : memref<1x1x128xi32, #tpu.memory_space<vmem>> -> memref<128xi32, #tpu.memory_space<vmem>>
          %dma_start3A_202 = arith.constant 0 : i32
          %dma_start3A_203 = arith.constant 0 : i32
          %dma_start3A_204 = tpu.memref_slice %arg8[%dma_start3A_202, %dma_start3A_203] : memref<100352x8xf32, #tpu.memory_space<vmem_shared>> -> memref<100352x8xf32, #tpu.memory_space<vmem_shared>>
          %dma_start3A_205 = tpu.memref_slice %arg10[%dma_start3A_194] : memref<8x!tpu.dma_semaphore, #tpu.memory_space<semaphore_mem>> -> memref<1x!tpu.dma_semaphore, #tpu.memory_space<semaphore_mem>>
          %dma_start3A_206 = tpu.memref_squeeze %dma_start3A_205 : memref<1x!tpu.dma_semaphore, #tpu.memory_space<semaphore_mem>> -> memref<!tpu.dma_semaphore, #tpu.memory_space<semaphore_mem>>
          tpu.enqueue_indirect_dma source(%dma_start3A_204 : memref<100352x8xf32, #tpu.memory_space<vmem_shared>>) target(%dma_start3A_198 : memref<128x8xf32, #tpu.memory_space<vmem>>) offsets(%dma_start3A_201 : memref<128xi32, #tpu.memory_space<vmem>>) semaphore(%dma_start3A_206 : memref<!tpu.dma_semaphore, #tpu.memory_space<semaphore_mem>>)
          %add3A_207 = arith.constant 6 : i32
          %add3A_208 = arith.addi %add3A_110, %add3A_207 : i32
          %dma_start3A_209 = arith.constant 6 : i32
          %dma_start3A_210 = arith.constant 6 : i32
          %dma_start3A_211 = arith.constant 0 : i32
          %dma_start3A_212 = arith.constant 0 : i32
          %dma_start3A_213 = tpu.memref_slice %arg7[%dma_start3A_209, %dma_start3A_211, %dma_start3A_212] : memref<8x128x8xf32, #tpu.memory_space<vmem>> -> memref<1x128x8xf32, #tpu.memory_space<vmem>>
          %dma_start3A_214 = tpu.memref_squeeze %dma_start3A_213 : memref<1x128x8xf32, #tpu.memory_space<vmem>> -> memref<128x8xf32, #tpu.memory_space<vmem>>
          %dma_start3A_215 = arith.constant 0 : i32
          %dma_start3A_216 = tpu.memref_slice %arg5[%rem3A_60, %add3A_208, %dma_start3A_215] : memref<2x40x128xi32, #tpu.memory_space<vmem>> -> memref<1x1x128xi32, #tpu.memory_space<vmem>>
          %dma_start3A_217 = tpu.memref_squeeze %dma_start3A_216 : memref<1x1x128xi32, #tpu.memory_space<vmem>> -> memref<128xi32, #tpu.memory_space<vmem>>
          %dma_start3A_218 = arith.constant 0 : i32
          %dma_start3A_219 = arith.constant 0 : i32
          %dma_start3A_220 = tpu.memref_slice %arg8[%dma_start3A_218, %dma_start3A_219] : memref<100352x8xf32, #tpu.memory_space<vmem_shared>> -> memref<100352x8xf32, #tpu.memory_space<vmem_shared>>
          %dma_start3A_221 = tpu.memref_slice %arg10[%dma_start3A_210] : memref<8x!tpu.dma_semaphore, #tpu.memory_space<semaphore_mem>> -> memref<1x!tpu.dma_semaphore, #tpu.memory_space<semaphore_mem>>
          %dma_start3A_222 = tpu.memref_squeeze %dma_start3A_221 : memref<1x!tpu.dma_semaphore, #tpu.memory_space<semaphore_mem>> -> memref<!tpu.dma_semaphore, #tpu.memory_space<semaphore_mem>>
          tpu.enqueue_indirect_dma source(%dma_start3A_220 : memref<100352x8xf32, #tpu.memory_space<vmem_shared>>) target(%dma_start3A_214 : memref<128x8xf32, #tpu.memory_space<vmem>>) offsets(%dma_start3A_217 : memref<128xi32, #tpu.memory_space<vmem>>) semaphore(%dma_start3A_222 : memref<!tpu.dma_semaphore, #tpu.memory_space<semaphore_mem>>)
          %add3A_223 = arith.constant 7 : i32
          %add3A_224 = arith.addi %add3A_110, %add3A_223 : i32
          %dma_start3A_225 = arith.constant 7 : i32
          %dma_start3A_226 = arith.constant 7 : i32
          %dma_start3A_227 = arith.constant 0 : i32
          %dma_start3A_228 = arith.constant 0 : i32
          %dma_start3A_229 = tpu.memref_slice %arg7[%dma_start3A_225, %dma_start3A_227, %dma_start3A_228] : memref<8x128x8xf32, #tpu.memory_space<vmem>> -> memref<1x128x8xf32, #tpu.memory_space<vmem>>
          %dma_start3A_230 = tpu.memref_squeeze %dma_start3A_229 : memref<1x128x8xf32, #tpu.memory_space<vmem>> -> memref<128x8xf32, #tpu.memory_space<vmem>>
          %dma_start3A_231 = arith.constant 0 : i32
          %dma_start3A_232 = tpu.memref_slice %arg5[%rem3A_60, %add3A_224, %dma_start3A_231] : memref<2x40x128xi32, #tpu.memory_space<vmem>> -> memref<1x1x128xi32, #tpu.memory_space<vmem>>
          %dma_start3A_233 = tpu.memref_squeeze %dma_start3A_232 : memref<1x1x128xi32, #tpu.memory_space<vmem>> -> memref<128xi32, #tpu.memory_space<vmem>>
          %dma_start3A_234 = arith.constant 0 : i32
          %dma_start3A_235 = arith.constant 0 : i32
          %dma_start3A_236 = tpu.memref_slice %arg8[%dma_start3A_234, %dma_start3A_235] : memref<100352x8xf32, #tpu.memory_space<vmem_shared>> -> memref<100352x8xf32, #tpu.memory_space<vmem_shared>>
          %dma_start3A_237 = tpu.memref_slice %arg10[%dma_start3A_226] : memref<8x!tpu.dma_semaphore, #tpu.memory_space<semaphore_mem>> -> memref<1x!tpu.dma_semaphore, #tpu.memory_space<semaphore_mem>>
          %dma_start3A_238 = tpu.memref_squeeze %dma_start3A_237 : memref<1x!tpu.dma_semaphore, #tpu.memory_space<semaphore_mem>> -> memref<!tpu.dma_semaphore, #tpu.memory_space<semaphore_mem>>
          tpu.enqueue_indirect_dma source(%dma_start3A_236 : memref<100352x8xf32, #tpu.memory_space<vmem_shared>>) target(%dma_start3A_230 : memref<128x8xf32, #tpu.memory_space<vmem>>) offsets(%dma_start3A_233 : memref<128xi32, #tpu.memory_space<vmem>>) semaphore(%dma_start3A_238 : memref<!tpu.dma_semaphore, #tpu.memory_space<semaphore_mem>>)
          %dma_wait3A_239 = arith.constant 0 : i32
          %dma_wait3A_240 = arith.constant 0 : i32
          %dma_wait3A_241 = arith.constant 0 : i32
          %dma_wait3A_242 = arith.constant 0 : i32
          %dma_wait3A_243 = tpu.memref_slice %arg7[%dma_wait3A_239, %dma_wait3A_241, %dma_wait3A_242] : memref<8x128x8xf32, #tpu.memory_space<vmem>> -> memref<1x128x8xf32, #tpu.memory_space<vmem>>
          %dma_wait3A_244 = tpu.memref_squeeze %dma_wait3A_243 : memref<1x128x8xf32, #tpu.memory_space<vmem>> -> memref<128x8xf32, #tpu.memory_space<vmem>>
          %dma_wait3A_245 = arith.constant 0 : i32
          %dma_wait3A_246 = tpu.memref_slice %arg5[%rem3A_60, %add3A_112, %dma_wait3A_245] : memref<2x40x128xi32, #tpu.memory_space<vmem>> -> memref<1x1x128xi32, #tpu.memory_space<vmem>>
          %dma_wait3A_247 = tpu.memref_squeeze %dma_wait3A_246 : memref<1x1x128xi32, #tpu.memory_space<vmem>> -> memref<128xi32, #tpu.memory_space<vmem>>
          %dma_wait3A_248 = arith.constant 0 : i32
          %dma_wait3A_249 = arith.constant 0 : i32
          %dma_wait3A_250 = tpu.memref_slice %arg8[%dma_wait3A_248, %dma_wait3A_249] : memref<100352x8xf32, #tpu.memory_space<vmem_shared>> -> memref<100352x8xf32, #tpu.memory_space<vmem_shared>>
          %dma_wait3A_251 = tpu.memref_slice %arg10[%dma_wait3A_240] : memref<8x!tpu.dma_semaphore, #tpu.memory_space<semaphore_mem>> -> memref<1x!tpu.dma_semaphore, #tpu.memory_space<semaphore_mem>>
          %dma_wait3A_252 = tpu.memref_squeeze %dma_wait3A_251 : memref<1x!tpu.dma_semaphore, #tpu.memory_space<semaphore_mem>> -> memref<!tpu.dma_semaphore, #tpu.memory_space<semaphore_mem>>
          tpu.wait_indirect_dma semaphore(%dma_wait3A_252 : memref<!tpu.dma_semaphore, #tpu.memory_space<semaphore_mem>>) src(%dma_wait3A_250 : memref<100352x8xf32, #tpu.memory_space<vmem_shared>>) dst(%dma_wait3A_244 : memref<128x8xf32, #tpu.memory_space<vmem>>)
          %add3A_253 = arith.constant 0 : i32
          %add3A_254 = arith.addi %add3A_110, %add3A_253 : i32
          %dma_start3A_255 = arith.constant 0 : i32
          %dma_start3A_256 = arith.constant 0 : i32
          %dma_start3A_257 = arith.constant 0 : i32
          %dma_start3A_258 = tpu.memref_slice %arg7[%dma_start3A_255, %dma_start3A_256, %dma_start3A_257] : memref<8x128x8xf32, #tpu.memory_space<vmem>> -> memref<1x128x8xf32, #tpu.memory_space<vmem>>
          %dma_start3A_259 = tpu.memref_squeeze %dma_start3A_258 : memref<1x128x8xf32, #tpu.memory_space<vmem>> -> memref<128x8xf32, #tpu.memory_space<vmem>>
          %dma_start3A_260 = arith.constant 0 : i32
          %dma_start3A_261 = tpu.memref_slice %arg6[%rem3A_60, %add3A_254, %dma_start3A_260] : memref<2x40x128xi32, #tpu.memory_space<vmem>> -> memref<1x1x128xi32, #tpu.memory_space<vmem>>
          %dma_start3A_262 = tpu.memref_squeeze %dma_start3A_261 : memref<1x1x128xi32, #tpu.memory_space<vmem>> -> memref<128xi32, #tpu.memory_space<vmem>>
          %dma_start3A_263 = arith.constant 0 : i32
          %dma_start3A_264 = arith.constant 0 : i32
          %dma_start3A_265 = tpu.memref_slice %arg9[%dma_start3A_263, %dma_start3A_264] : memref<100352x8xf32, #tpu.memory_space<vmem_shared>> -> memref<100352x8xf32, #tpu.memory_space<vmem_shared>>
          tpu.enqueue_indirect_dma source(%dma_start3A_259 : memref<128x8xf32, #tpu.memory_space<vmem>>) target(%dma_start3A_265 : memref<100352x8xf32, #tpu.memory_space<vmem_shared>>) offsets(%dma_start3A_262 : memref<128xi32, #tpu.memory_space<vmem>>) semaphore(%arg11 : memref<!tpu.dma_semaphore, #tpu.memory_space<semaphore_mem>>) {add = true}
          %dma_wait3A_266 = arith.constant 1 : i32
          %dma_wait3A_267 = arith.constant 1 : i32
          %dma_wait3A_268 = arith.constant 0 : i32
          %dma_wait3A_269 = arith.constant 0 : i32
          %dma_wait3A_270 = tpu.memref_slice %arg7[%dma_wait3A_266, %dma_wait3A_268, %dma_wait3A_269] : memref<8x128x8xf32, #tpu.memory_space<vmem>> -> memref<1x128x8xf32, #tpu.memory_space<vmem>>
          %dma_wait3A_271 = tpu.memref_squeeze %dma_wait3A_270 : memref<1x128x8xf32, #tpu.memory_space<vmem>> -> memref<128x8xf32, #tpu.memory_space<vmem>>
          %dma_wait3A_272 = arith.constant 0 : i32
          %dma_wait3A_273 = tpu.memref_slice %arg5[%rem3A_60, %add3A_128, %dma_wait3A_272] : memref<2x40x128xi32, #tpu.memory_space<vmem>> -> memref<1x1x128xi32, #tpu.memory_space<vmem>>
          %dma_wait3A_274 = tpu.memref_squeeze %dma_wait3A_273 : memref<1x1x128xi32, #tpu.memory_space<vmem>> -> memref<128xi32, #tpu.memory_space<vmem>>
          %dma_wait3A_275 = arith.constant 0 : i32
          %dma_wait3A_276 = arith.constant 0 : i32
          %dma_wait3A_277 = tpu.memref_slice %arg8[%dma_wait3A_275, %dma_wait3A_276] : memref<100352x8xf32, #tpu.memory_space<vmem_shared>> -> memref<100352x8xf32, #tpu.memory_space<vmem_shared>>
          %dma_wait3A_278 = tpu.memref_slice %arg10[%dma_wait3A_267] : memref<8x!tpu.dma_semaphore, #tpu.memory_space<semaphore_mem>> -> memref<1x!tpu.dma_semaphore, #tpu.memory_space<semaphore_mem>>
          %dma_wait3A_279 = tpu.memref_squeeze %dma_wait3A_278 : memref<1x!tpu.dma_semaphore, #tpu.memory_space<semaphore_mem>> -> memref<!tpu.dma_semaphore, #tpu.memory_space<semaphore_mem>>
          tpu.wait_indirect_dma semaphore(%dma_wait3A_279 : memref<!tpu.dma_semaphore, #tpu.memory_space<semaphore_mem>>) src(%dma_wait3A_277 : memref<100352x8xf32, #tpu.memory_space<vmem_shared>>) dst(%dma_wait3A_271 : memref<128x8xf32, #tpu.memory_space<vmem>>)
          %add3A_280 = arith.constant 1 : i32
          %add3A_281 = arith.addi %add3A_110, %add3A_280 : i32
          %dma_start3A_282 = arith.constant 1 : i32
          %dma_start3A_283 = arith.constant 0 : i32
          %dma_start3A_284 = arith.constant 0 : i32
          %dma_start3A_285 = tpu.memref_slice %arg7[%dma_start3A_282, %dma_start3A_283, %dma_start3A_284] : memref<8x128x8xf32, #tpu.memory_space<vmem>> -> memref<1x128x8xf32, #tpu.memory_space<vmem>>
          %dma_start3A_286 = tpu.memref_squeeze %dma_start3A_285 : memref<1x128x8xf32, #tpu.memory_space<vmem>> -> memref<128x8xf32, #tpu.memory_space<vmem>>
          %dma_start3A_287 = arith.constant 0 : i32
          %dma_start3A_288 = tpu.memref_slice %arg6[%rem3A_60, %add3A_281, %dma_start3A_287] : memref<2x40x128xi32, #tpu.memory_space<vmem>> -> memref<1x1x128xi32, #tpu.memory_space<vmem>>
          %dma_start3A_289 = tpu.memref_squeeze %dma_start3A_288 : memref<1x1x128xi32, #tpu.memory_space<vmem>> -> memref<128xi32, #tpu.memory_space<vmem>>
          %dma_start3A_290 = arith.constant 0 : i32
          %dma_start3A_291 = arith.constant 0 : i32
          %dma_start3A_292 = tpu.memref_slice %arg9[%dma_start3A_290, %dma_start3A_291] : memref<100352x8xf32, #tpu.memory_space<vmem_shared>> -> memref<100352x8xf32, #tpu.memory_space<vmem_shared>>
          tpu.enqueue_indirect_dma source(%dma_start3A_286 : memref<128x8xf32, #tpu.memory_space<vmem>>) target(%dma_start3A_292 : memref<100352x8xf32, #tpu.memory_space<vmem_shared>>) offsets(%dma_start3A_289 : memref<128xi32, #tpu.memory_space<vmem>>) semaphore(%arg11 : memref<!tpu.dma_semaphore, #tpu.memory_space<semaphore_mem>>) {add = true}
          %dma_wait3A_293 = arith.constant 2 : i32
          %dma_wait3A_294 = arith.constant 2 : i32
          %dma_wait3A_295 = arith.constant 0 : i32
          %dma_wait3A_296 = arith.constant 0 : i32
          %dma_wait3A_297 = tpu.memref_slice %arg7[%dma_wait3A_293, %dma_wait3A_295, %dma_wait3A_296] : memref<8x128x8xf32, #tpu.memory_space<vmem>> -> memref<1x128x8xf32, #tpu.memory_space<vmem>>
          %dma_wait3A_298 = tpu.memref_squeeze %dma_wait3A_297 : memref<1x128x8xf32, #tpu.memory_space<vmem>> -> memref<128x8xf32, #tpu.memory_space<vmem>>
          %dma_wait3A_299 = arith.constant 0 : i32
          %dma_wait3A_300 = tpu.memref_slice %arg5[%rem3A_60, %add3A_144, %dma_wait3A_299] : memref<2x40x128xi32, #tpu.memory_space<vmem>> -> memref<1x1x128xi32, #tpu.memory_space<vmem>>
          %dma_wait3A_301 = tpu.memref_squeeze %dma_wait3A_300 : memref<1x1x128xi32, #tpu.memory_space<vmem>> -> memref<128xi32, #tpu.memory_space<vmem>>
          %dma_wait3A_302 = arith.constant 0 : i32
          %dma_wait3A_303 = arith.constant 0 : i32
          %dma_wait3A_304 = tpu.memref_slice %arg8[%dma_wait3A_302, %dma_wait3A_303] : memref<100352x8xf32, #tpu.memory_space<vmem_shared>> -> memref<100352x8xf32, #tpu.memory_space<vmem_shared>>
          %dma_wait3A_305 = tpu.memref_slice %arg10[%dma_wait3A_294] : memref<8x!tpu.dma_semaphore, #tpu.memory_space<semaphore_mem>> -> memref<1x!tpu.dma_semaphore, #tpu.memory_space<semaphore_mem>>
          %dma_wait3A_306 = tpu.memref_squeeze %dma_wait3A_305 : memref<1x!tpu.dma_semaphore, #tpu.memory_space<semaphore_mem>> -> memref<!tpu.dma_semaphore, #tpu.memory_space<semaphore_mem>>
          tpu.wait_indirect_dma semaphore(%dma_wait3A_306 : memref<!tpu.dma_semaphore, #tpu.memory_space<semaphore_mem>>) src(%dma_wait3A_304 : memref<100352x8xf32, #tpu.memory_space<vmem_shared>>) dst(%dma_wait3A_298 : memref<128x8xf32, #tpu.memory_space<vmem>>)
          %add3A_307 = arith.constant 2 : i32
          %add3A_308 = arith.addi %add3A_110, %add3A_307 : i32
          %dma_start3A_309 = arith.constant 2 : i32
          %dma_start3A_310 = arith.constant 0 : i32
          %dma_start3A_311 = arith.constant 0 : i32
          %dma_start3A_312 = tpu.memref_slice %arg7[%dma_start3A_309, %dma_start3A_310, %dma_start3A_311] : memref<8x128x8xf32, #tpu.memory_space<vmem>> -> memref<1x128x8xf32, #tpu.memory_space<vmem>>
          %dma_start3A_313 = tpu.memref_squeeze %dma_start3A_312 : memref<1x128x8xf32, #tpu.memory_space<vmem>> -> memref<128x8xf32, #tpu.memory_space<vmem>>
          %dma_start3A_314 = arith.constant 0 : i32
          %dma_start3A_315 = tpu.memref_slice %arg6[%rem3A_60, %add3A_308, %dma_start3A_314] : memref<2x40x128xi32, #tpu.memory_space<vmem>> -> memref<1x1x128xi32, #tpu.memory_space<vmem>>
          %dma_start3A_316 = tpu.memref_squeeze %dma_start3A_315 : memref<1x1x128xi32, #tpu.memory_space<vmem>> -> memref<128xi32, #tpu.memory_space<vmem>>
          %dma_start3A_317 = arith.constant 0 : i32
          %dma_start3A_318 = arith.constant 0 : i32
          %dma_start3A_319 = tpu.memref_slice %arg9[%dma_start3A_317, %dma_start3A_318] : memref<100352x8xf32, #tpu.memory_space<vmem_shared>> -> memref<100352x8xf32, #tpu.memory_space<vmem_shared>>
          tpu.enqueue_indirect_dma source(%dma_start3A_313 : memref<128x8xf32, #tpu.memory_space<vmem>>) target(%dma_start3A_319 : memref<100352x8xf32, #tpu.memory_space<vmem_shared>>) offsets(%dma_start3A_316 : memref<128xi32, #tpu.memory_space<vmem>>) semaphore(%arg11 : memref<!tpu.dma_semaphore, #tpu.memory_space<semaphore_mem>>) {add = true}
          %dma_wait3A_320 = arith.constant 3 : i32
          %dma_wait3A_321 = arith.constant 3 : i32
          %dma_wait3A_322 = arith.constant 0 : i32
          %dma_wait3A_323 = arith.constant 0 : i32
          %dma_wait3A_324 = tpu.memref_slice %arg7[%dma_wait3A_320, %dma_wait3A_322, %dma_wait3A_323] : memref<8x128x8xf32, #tpu.memory_space<vmem>> -> memref<1x128x8xf32, #tpu.memory_space<vmem>>
          %dma_wait3A_325 = tpu.memref_squeeze %dma_wait3A_324 : memref<1x128x8xf32, #tpu.memory_space<vmem>> -> memref<128x8xf32, #tpu.memory_space<vmem>>
          %dma_wait3A_326 = arith.constant 0 : i32
          %dma_wait3A_327 = tpu.memref_slice %arg5[%rem3A_60, %add3A_160, %dma_wait3A_326] : memref<2x40x128xi32, #tpu.memory_space<vmem>> -> memref<1x1x128xi32, #tpu.memory_space<vmem>>
          %dma_wait3A_328 = tpu.memref_squeeze %dma_wait3A_327 : memref<1x1x128xi32, #tpu.memory_space<vmem>> -> memref<128xi32, #tpu.memory_space<vmem>>
          %dma_wait3A_329 = arith.constant 0 : i32
          %dma_wait3A_330 = arith.constant 0 : i32
          %dma_wait3A_331 = tpu.memref_slice %arg8[%dma_wait3A_329, %dma_wait3A_330] : memref<100352x8xf32, #tpu.memory_space<vmem_shared>> -> memref<100352x8xf32, #tpu.memory_space<vmem_shared>>
          %dma_wait3A_332 = tpu.memref_slice %arg10[%dma_wait3A_321] : memref<8x!tpu.dma_semaphore, #tpu.memory_space<semaphore_mem>> -> memref<1x!tpu.dma_semaphore, #tpu.memory_space<semaphore_mem>>
          %dma_wait3A_333 = tpu.memref_squeeze %dma_wait3A_332 : memref<1x!tpu.dma_semaphore, #tpu.memory_space<semaphore_mem>> -> memref<!tpu.dma_semaphore, #tpu.memory_space<semaphore_mem>>
          tpu.wait_indirect_dma semaphore(%dma_wait3A_333 : memref<!tpu.dma_semaphore, #tpu.memory_space<semaphore_mem>>) src(%dma_wait3A_331 : memref<100352x8xf32, #tpu.memory_space<vmem_shared>>) dst(%dma_wait3A_325 : memref<128x8xf32, #tpu.memory_space<vmem>>)
          %add3A_334 = arith.constant 3 : i32
          %add3A_335 = arith.addi %add3A_110, %add3A_334 : i32
          %dma_start3A_336 = arith.constant 3 : i32
          %dma_start3A_337 = arith.constant 0 : i32
          %dma_start3A_338 = arith.constant 0 : i32
          %dma_start3A_339 = tpu.memref_slice %arg7[%dma_start3A_336, %dma_start3A_337, %dma_start3A_338] : memref<8x128x8xf32, #tpu.memory_space<vmem>> -> memref<1x128x8xf32, #tpu.memory_space<vmem>>
          %dma_start3A_340 = tpu.memref_squeeze %dma_start3A_339 : memref<1x128x8xf32, #tpu.memory_space<vmem>> -> memref<128x8xf32, #tpu.memory_space<vmem>>
          %dma_start3A_341 = arith.constant 0 : i32
          %dma_start3A_342 = tpu.memref_slice %arg6[%rem3A_60, %add3A_335, %dma_start3A_341] : memref<2x40x128xi32, #tpu.memory_space<vmem>> -> memref<1x1x128xi32, #tpu.memory_space<vmem>>
          %dma_start3A_343 = tpu.memref_squeeze %dma_start3A_342 : memref<1x1x128xi32, #tpu.memory_space<vmem>> -> memref<128xi32, #tpu.memory_space<vmem>>
          %dma_start3A_344 = arith.constant 0 : i32
          %dma_start3A_345 = arith.constant 0 : i32
          %dma_start3A_346 = tpu.memref_slice %arg9[%dma_start3A_344, %dma_start3A_345] : memref<100352x8xf32, #tpu.memory_space<vmem_shared>> -> memref<100352x8xf32, #tpu.memory_space<vmem_shared>>
          tpu.enqueue_indirect_dma source(%dma_start3A_340 : memref<128x8xf32, #tpu.memory_space<vmem>>) target(%dma_start3A_346 : memref<100352x8xf32, #tpu.memory_space<vmem_shared>>) offsets(%dma_start3A_343 : memref<128xi32, #tpu.memory_space<vmem>>) semaphore(%arg11 : memref<!tpu.dma_semaphore, #tpu.memory_space<semaphore_mem>>) {add = true}
          %dma_wait3A_347 = arith.constant 4 : i32
          %dma_wait3A_348 = arith.constant 4 : i32
          %dma_wait3A_349 = arith.constant 0 : i32
          %dma_wait3A_350 = arith.constant 0 : i32
          %dma_wait3A_351 = tpu.memref_slice %arg7[%dma_wait3A_347, %dma_wait3A_349, %dma_wait3A_350] : memref<8x128x8xf32, #tpu.memory_space<vmem>> -> memref<1x128x8xf32, #tpu.memory_space<vmem>>
          %dma_wait3A_352 = tpu.memref_squeeze %dma_wait3A_351 : memref<1x128x8xf32, #tpu.memory_space<vmem>> -> memref<128x8xf32, #tpu.memory_space<vmem>>
          %dma_wait3A_353 = arith.constant 0 : i32
          %dma_wait3A_354 = tpu.memref_slice %arg5[%rem3A_60, %add3A_176, %dma_wait3A_353] : memref<2x40x128xi32, #tpu.memory_space<vmem>> -> memref<1x1x128xi32, #tpu.memory_space<vmem>>
          %dma_wait3A_355 = tpu.memref_squeeze %dma_wait3A_354 : memref<1x1x128xi32, #tpu.memory_space<vmem>> -> memref<128xi32, #tpu.memory_space<vmem>>
          %dma_wait3A_356 = arith.constant 0 : i32
          %dma_wait3A_357 = arith.constant 0 : i32
          %dma_wait3A_358 = tpu.memref_slice %arg8[%dma_wait3A_356, %dma_wait3A_357] : memref<100352x8xf32, #tpu.memory_space<vmem_shared>> -> memref<100352x8xf32, #tpu.memory_space<vmem_shared>>
          %dma_wait3A_359 = tpu.memref_slice %arg10[%dma_wait3A_348] : memref<8x!tpu.dma_semaphore, #tpu.memory_space<semaphore_mem>> -> memref<1x!tpu.dma_semaphore, #tpu.memory_space<semaphore_mem>>
          %dma_wait3A_360 = tpu.memref_squeeze %dma_wait3A_359 : memref<1x!tpu.dma_semaphore, #tpu.memory_space<semaphore_mem>> -> memref<!tpu.dma_semaphore, #tpu.memory_space<semaphore_mem>>
          tpu.wait_indirect_dma semaphore(%dma_wait3A_360 : memref<!tpu.dma_semaphore, #tpu.memory_space<semaphore_mem>>) src(%dma_wait3A_358 : memref<100352x8xf32, #tpu.memory_space<vmem_shared>>) dst(%dma_wait3A_352 : memref<128x8xf32, #tpu.memory_space<vmem>>)
          %add3A_361 = arith.constant 4 : i32
          %add3A_362 = arith.addi %add3A_110, %add3A_361 : i32
          %dma_start3A_363 = arith.constant 4 : i32
          %dma_start3A_364 = arith.constant 0 : i32
          %dma_start3A_365 = arith.constant 0 : i32
          %dma_start3A_366 = tpu.memref_slice %arg7[%dma_start3A_363, %dma_start3A_364, %dma_start3A_365] : memref<8x128x8xf32, #tpu.memory_space<vmem>> -> memref<1x128x8xf32, #tpu.memory_space<vmem>>
          %dma_start3A_367 = tpu.memref_squeeze %dma_start3A_366 : memref<1x128x8xf32, #tpu.memory_space<vmem>> -> memref<128x8xf32, #tpu.memory_space<vmem>>
          %dma_start3A_368 = arith.constant 0 : i32
          %dma_start3A_369 = tpu.memref_slice %arg6[%rem3A_60, %add3A_362, %dma_start3A_368] : memref<2x40x128xi32, #tpu.memory_space<vmem>> -> memref<1x1x128xi32, #tpu.memory_space<vmem>>
          %dma_start3A_370 = tpu.memref_squeeze %dma_start3A_369 : memref<1x1x128xi32, #tpu.memory_space<vmem>> -> memref<128xi32, #tpu.memory_space<vmem>>
          %dma_start3A_371 = arith.constant 0 : i32
          %dma_start3A_372 = arith.constant 0 : i32
          %dma_start3A_373 = tpu.memref_slice %arg9[%dma_start3A_371, %dma_start3A_372] : memref<100352x8xf32, #tpu.memory_space<vmem_shared>> -> memref<100352x8xf32, #tpu.memory_space<vmem_shared>>
          tpu.enqueue_indirect_dma source(%dma_start3A_367 : memref<128x8xf32, #tpu.memory_space<vmem>>) target(%dma_start3A_373 : memref<100352x8xf32, #tpu.memory_space<vmem_shared>>) offsets(%dma_start3A_370 : memref<128xi32, #tpu.memory_space<vmem>>) semaphore(%arg11 : memref<!tpu.dma_semaphore, #tpu.memory_space<semaphore_mem>>) {add = true}
          %dma_wait3A_374 = arith.constant 5 : i32
          %dma_wait3A_375 = arith.constant 5 : i32
          %dma_wait3A_376 = arith.constant 0 : i32
          %dma_wait3A_377 = arith.constant 0 : i32
          %dma_wait3A_378 = tpu.memref_slice %arg7[%dma_wait3A_374, %dma_wait3A_376, %dma_wait3A_377] : memref<8x128x8xf32, #tpu.memory_space<vmem>> -> memref<1x128x8xf32, #tpu.memory_space<vmem>>
          %dma_wait3A_379 = tpu.memref_squeeze %dma_wait3A_378 : memref<1x128x8xf32, #tpu.memory_space<vmem>> -> memref<128x8xf32, #tpu.memory_space<vmem>>
          %dma_wait3A_380 = arith.constant 0 : i32
          %dma_wait3A_381 = tpu.memref_slice %arg5[%rem3A_60, %add3A_192, %dma_wait3A_380] : memref<2x40x128xi32, #tpu.memory_space<vmem>> -> memref<1x1x128xi32, #tpu.memory_space<vmem>>
          %dma_wait3A_382 = tpu.memref_squeeze %dma_wait3A_381 : memref<1x1x128xi32, #tpu.memory_space<vmem>> -> memref<128xi32, #tpu.memory_space<vmem>>
          %dma_wait3A_383 = arith.constant 0 : i32
          %dma_wait3A_384 = arith.constant 0 : i32
          %dma_wait3A_385 = tpu.memref_slice %arg8[%dma_wait3A_383, %dma_wait3A_384] : memref<100352x8xf32, #tpu.memory_space<vmem_shared>> -> memref<100352x8xf32, #tpu.memory_space<vmem_shared>>
          %dma_wait3A_386 = tpu.memref_slice %arg10[%dma_wait3A_375] : memref<8x!tpu.dma_semaphore, #tpu.memory_space<semaphore_mem>> -> memref<1x!tpu.dma_semaphore, #tpu.memory_space<semaphore_mem>>
          %dma_wait3A_387 = tpu.memref_squeeze %dma_wait3A_386 : memref<1x!tpu.dma_semaphore, #tpu.memory_space<semaphore_mem>> -> memref<!tpu.dma_semaphore, #tpu.memory_space<semaphore_mem>>
          tpu.wait_indirect_dma semaphore(%dma_wait3A_387 : memref<!tpu.dma_semaphore, #tpu.memory_space<semaphore_mem>>) src(%dma_wait3A_385 : memref<100352x8xf32, #tpu.memory_space<vmem_shared>>) dst(%dma_wait3A_379 : memref<128x8xf32, #tpu.memory_space<vmem>>)
          %add3A_388 = arith.constant 5 : i32
          %add3A_389 = arith.addi %add3A_110, %add3A_388 : i32
          %dma_start3A_390 = arith.constant 5 : i32
          %dma_start3A_391 = arith.constant 0 : i32
          %dma_start3A_392 = arith.constant 0 : i32
          %dma_start3A_393 = tpu.memref_slice %arg7[%dma_start3A_390, %dma_start3A_391, %dma_start3A_392] : memref<8x128x8xf32, #tpu.memory_space<vmem>> -> memref<1x128x8xf32, #tpu.memory_space<vmem>>
          %dma_start3A_394 = tpu.memref_squeeze %dma_start3A_393 : memref<1x128x8xf32, #tpu.memory_space<vmem>> -> memref<128x8xf32, #tpu.memory_space<vmem>>
          %dma_start3A_395 = arith.constant 0 : i32
          %dma_start3A_396 = tpu.memref_slice %arg6[%rem3A_60, %add3A_389, %dma_start3A_395] : memref<2x40x128xi32, #tpu.memory_space<vmem>> -> memref<1x1x128xi32, #tpu.memory_space<vmem>>
          %dma_start3A_397 = tpu.memref_squeeze %dma_start3A_396 : memref<1x1x128xi32, #tpu.memory_space<vmem>> -> memref<128xi32, #tpu.memory_space<vmem>>
          %dma_start3A_398 = arith.constant 0 : i32
          %dma_start3A_399 = arith.constant 0 : i32
          %dma_start3A_400 = tpu.memref_slice %arg9[%dma_start3A_398, %dma_start3A_399] : memref<100352x8xf32, #tpu.memory_space<vmem_shared>> -> memref<100352x8xf32, #tpu.memory_space<vmem_shared>>
          tpu.enqueue_indirect_dma source(%dma_start3A_394 : memref<128x8xf32, #tpu.memory_space<vmem>>) target(%dma_start3A_400 : memref<100352x8xf32, #tpu.memory_space<vmem_shared>>) offsets(%dma_start3A_397 : memref<128xi32, #tpu.memory_space<vmem>>) semaphore(%arg11 : memref<!tpu.dma_semaphore, #tpu.memory_space<semaphore_mem>>) {add = true}
          %dma_wait3A_401 = arith.constant 6 : i32
          %dma_wait3A_402 = arith.constant 6 : i32
          %dma_wait3A_403 = arith.constant 0 : i32
          %dma_wait3A_404 = arith.constant 0 : i32
          %dma_wait3A_405 = tpu.memref_slice %arg7[%dma_wait3A_401, %dma_wait3A_403, %dma_wait3A_404] : memref<8x128x8xf32, #tpu.memory_space<vmem>> -> memref<1x128x8xf32, #tpu.memory_space<vmem>>
          %dma_wait3A_406 = tpu.memref_squeeze %dma_wait3A_405 : memref<1x128x8xf32, #tpu.memory_space<vmem>> -> memref<128x8xf32, #tpu.memory_space<vmem>>
          %dma_wait3A_407 = arith.constant 0 : i32
          %dma_wait3A_408 = tpu.memref_slice %arg5[%rem3A_60, %add3A_208, %dma_wait3A_407] : memref<2x40x128xi32, #tpu.memory_space<vmem>> -> memref<1x1x128xi32, #tpu.memory_space<vmem>>
          %dma_wait3A_409 = tpu.memref_squeeze %dma_wait3A_408 : memref<1x1x128xi32, #tpu.memory_space<vmem>> -> memref<128xi32, #tpu.memory_space<vmem>>
          %dma_wait3A_410 = arith.constant 0 : i32
          %dma_wait3A_411 = arith.constant 0 : i32
          %dma_wait3A_412 = tpu.memref_slice %arg8[%dma_wait3A_410, %dma_wait3A_411] : memref<100352x8xf32, #tpu.memory_space<vmem_shared>> -> memref<100352x8xf32, #tpu.memory_space<vmem_shared>>
          %dma_wait3A_413 = tpu.memref_slice %arg10[%dma_wait3A_402] : memref<8x!tpu.dma_semaphore, #tpu.memory_space<semaphore_mem>> -> memref<1x!tpu.dma_semaphore, #tpu.memory_space<semaphore_mem>>
          %dma_wait3A_414 = tpu.memref_squeeze %dma_wait3A_413 : memref<1x!tpu.dma_semaphore, #tpu.memory_space<semaphore_mem>> -> memref<!tpu.dma_semaphore, #tpu.memory_space<semaphore_mem>>
          tpu.wait_indirect_dma semaphore(%dma_wait3A_414 : memref<!tpu.dma_semaphore, #tpu.memory_space<semaphore_mem>>) src(%dma_wait3A_412 : memref<100352x8xf32, #tpu.memory_space<vmem_shared>>) dst(%dma_wait3A_406 : memref<128x8xf32, #tpu.memory_space<vmem>>)
          %add3A_415 = arith.constant 6 : i32
          %add3A_416 = arith.addi %add3A_110, %add3A_415 : i32
          %dma_start3A_417 = arith.constant 6 : i32
          %dma_start3A_418 = arith.constant 0 : i32
          %dma_start3A_419 = arith.constant 0 : i32
          %dma_start3A_420 = tpu.memref_slice %arg7[%dma_start3A_417, %dma_start3A_418, %dma_start3A_419] : memref<8x128x8xf32, #tpu.memory_space<vmem>> -> memref<1x128x8xf32, #tpu.memory_space<vmem>>
          %dma_start3A_421 = tpu.memref_squeeze %dma_start3A_420 : memref<1x128x8xf32, #tpu.memory_space<vmem>> -> memref<128x8xf32, #tpu.memory_space<vmem>>
          %dma_start3A_422 = arith.constant 0 : i32
          %dma_start3A_423 = tpu.memref_slice %arg6[%rem3A_60, %add3A_416, %dma_start3A_422] : memref<2x40x128xi32, #tpu.memory_space<vmem>> -> memref<1x1x128xi32, #tpu.memory_space<vmem>>
          %dma_start3A_424 = tpu.memref_squeeze %dma_start3A_423 : memref<1x1x128xi32, #tpu.memory_space<vmem>> -> memref<128xi32, #tpu.memory_space<vmem>>
          %dma_start3A_425 = arith.constant 0 : i32
          %dma_start3A_426 = arith.constant 0 : i32
          %dma_start3A_427 = tpu.memref_slice %arg9[%dma_start3A_425, %dma_start3A_426] : memref<100352x8xf32, #tpu.memory_space<vmem_shared>> -> memref<100352x8xf32, #tpu.memory_space<vmem_shared>>
          tpu.enqueue_indirect_dma source(%dma_start3A_421 : memref<128x8xf32, #tpu.memory_space<vmem>>) target(%dma_start3A_427 : memref<100352x8xf32, #tpu.memory_space<vmem_shared>>) offsets(%dma_start3A_424 : memref<128xi32, #tpu.memory_space<vmem>>) semaphore(%arg11 : memref<!tpu.dma_semaphore, #tpu.memory_space<semaphore_mem>>) {add = true}
          %dma_wait3A_428 = arith.constant 7 : i32
          %dma_wait3A_429 = arith.constant 7 : i32
          %dma_wait3A_430 = arith.constant 0 : i32
          %dma_wait3A_431 = arith.constant 0 : i32
          %dma_wait3A_432 = tpu.memref_slice %arg7[%dma_wait3A_428, %dma_wait3A_430, %dma_wait3A_431] : memref<8x128x8xf32, #tpu.memory_space<vmem>> -> memref<1x128x8xf32, #tpu.memory_space<vmem>>
          %dma_wait3A_433 = tpu.memref_squeeze %dma_wait3A_432 : memref<1x128x8xf32, #tpu.memory_space<vmem>> -> memref<128x8xf32, #tpu.memory_space<vmem>>
          %dma_wait3A_434 = arith.constant 0 : i32
          %dma_wait3A_435 = tpu.memref_slice %arg5[%rem3A_60, %add3A_224, %dma_wait3A_434] : memref<2x40x128xi32, #tpu.memory_space<vmem>> -> memref<1x1x128xi32, #tpu.memory_space<vmem>>
          %dma_wait3A_436 = tpu.memref_squeeze %dma_wait3A_435 : memref<1x1x128xi32, #tpu.memory_space<vmem>> -> memref<128xi32, #tpu.memory_space<vmem>>
          %dma_wait3A_437 = arith.constant 0 : i32
          %dma_wait3A_438 = arith.constant 0 : i32
          %dma_wait3A_439 = tpu.memref_slice %arg8[%dma_wait3A_437, %dma_wait3A_438] : memref<100352x8xf32, #tpu.memory_space<vmem_shared>> -> memref<100352x8xf32, #tpu.memory_space<vmem_shared>>
          %dma_wait3A_440 = tpu.memref_slice %arg10[%dma_wait3A_429] : memref<8x!tpu.dma_semaphore, #tpu.memory_space<semaphore_mem>> -> memref<1x!tpu.dma_semaphore, #tpu.memory_space<semaphore_mem>>
          %dma_wait3A_441 = tpu.memref_squeeze %dma_wait3A_440 : memref<1x!tpu.dma_semaphore, #tpu.memory_space<semaphore_mem>> -> memref<!tpu.dma_semaphore, #tpu.memory_space<semaphore_mem>>
          tpu.wait_indirect_dma semaphore(%dma_wait3A_441 : memref<!tpu.dma_semaphore, #tpu.memory_space<semaphore_mem>>) src(%dma_wait3A_439 : memref<100352x8xf32, #tpu.memory_space<vmem_shared>>) dst(%dma_wait3A_433 : memref<128x8xf32, #tpu.memory_space<vmem>>)
          %add3A_442 = arith.constant 7 : i32
          %add3A_443 = arith.addi %add3A_110, %add3A_442 : i32
          %dma_start3A_444 = arith.constant 7 : i32
          %dma_start3A_445 = arith.constant 0 : i32
          %dma_start3A_446 = arith.constant 0 : i32
          %dma_start3A_447 = tpu.memref_slice %arg7[%dma_start3A_444, %dma_start3A_445, %dma_start3A_446] : memref<8x128x8xf32, #tpu.memory_space<vmem>> -> memref<1x128x8xf32, #tpu.memory_space<vmem>>
          %dma_start3A_448 = tpu.memref_squeeze %dma_start3A_447 : memref<1x128x8xf32, #tpu.memory_space<vmem>> -> memref<128x8xf32, #tpu.memory_space<vmem>>
          %dma_start3A_449 = arith.constant 0 : i32
          %dma_start3A_450 = tpu.memref_slice %arg6[%rem3A_60, %add3A_443, %dma_start3A_449] : memref<2x40x128xi32, #tpu.memory_space<vmem>> -> memref<1x1x128xi32, #tpu.memory_space<vmem>>
          %dma_start3A_451 = tpu.memref_squeeze %dma_start3A_450 : memref<1x1x128xi32, #tpu.memory_space<vmem>> -> memref<128xi32, #tpu.memory_space<vmem>>
          %dma_start3A_452 = arith.constant 0 : i32
          %dma_start3A_453 = arith.constant 0 : i32
          %dma_start3A_454 = tpu.memref_slice %arg9[%dma_start3A_452, %dma_start3A_453] : memref<100352x8xf32, #tpu.memory_space<vmem_shared>> -> memref<100352x8xf32, #tpu.memory_space<vmem_shared>>
          tpu.enqueue_indirect_dma source(%dma_start3A_448 : memref<128x8xf32, #tpu.memory_space<vmem>>) target(%dma_start3A_454 : memref<100352x8xf32, #tpu.memory_space<vmem_shared>>) offsets(%dma_start3A_451 : memref<128xi32, #tpu.memory_space<vmem>>) semaphore(%arg11 : memref<!tpu.dma_semaphore, #tpu.memory_space<semaphore_mem>>) {add = true}
          %dma_wait3A_455 = arith.constant 0 : i32
          %dma_wait3A_456 = arith.constant 0 : i32
          %dma_wait3A_457 = arith.constant 0 : i32
          %dma_wait3A_458 = tpu.memref_slice %arg7[%dma_wait3A_455, %dma_wait3A_456, %dma_wait3A_457] : memref<8x128x8xf32, #tpu.memory_space<vmem>> -> memref<1x128x8xf32, #tpu.memory_space<vmem>>
          %dma_wait3A_459 = tpu.memref_squeeze %dma_wait3A_458 : memref<1x128x8xf32, #tpu.memory_space<vmem>> -> memref<128x8xf32, #tpu.memory_space<vmem>>
          %dma_wait3A_460 = arith.constant 0 : i32
          %dma_wait3A_461 = tpu.memref_slice %arg6[%rem3A_60, %add3A_254, %dma_wait3A_460] : memref<2x40x128xi32, #tpu.memory_space<vmem>> -> memref<1x1x128xi32, #tpu.memory_space<vmem>>
          %dma_wait3A_462 = tpu.memref_squeeze %dma_wait3A_461 : memref<1x1x128xi32, #tpu.memory_space<vmem>> -> memref<128xi32, #tpu.memory_space<vmem>>
          %dma_wait3A_463 = arith.constant 0 : i32
          %dma_wait3A_464 = arith.constant 0 : i32
          %dma_wait3A_465 = tpu.memref_slice %arg9[%dma_wait3A_463, %dma_wait3A_464] : memref<100352x8xf32, #tpu.memory_space<vmem_shared>> -> memref<100352x8xf32, #tpu.memory_space<vmem_shared>>
          tpu.wait_indirect_dma semaphore(%arg11 : memref<!tpu.dma_semaphore, #tpu.memory_space<semaphore_mem>>) src(%dma_wait3A_459 : memref<128x8xf32, #tpu.memory_space<vmem>>) dst(%dma_wait3A_465 : memref<100352x8xf32, #tpu.memory_space<vmem_shared>>)
          %dma_wait3A_466 = arith.constant 1 : i32
          %dma_wait3A_467 = arith.constant 0 : i32
          %dma_wait3A_468 = arith.constant 0 : i32
          %dma_wait3A_469 = tpu.memref_slice %arg7[%dma_wait3A_466, %dma_wait3A_467, %dma_wait3A_468] : memref<8x128x8xf32, #tpu.memory_space<vmem>> -> memref<1x128x8xf32, #tpu.memory_space<vmem>>
          %dma_wait3A_470 = tpu.memref_squeeze %dma_wait3A_469 : memref<1x128x8xf32, #tpu.memory_space<vmem>> -> memref<128x8xf32, #tpu.memory_space<vmem>>
          %dma_wait3A_471 = arith.constant 0 : i32
          %dma_wait3A_472 = tpu.memref_slice %arg6[%rem3A_60, %add3A_281, %dma_wait3A_471] : memref<2x40x128xi32, #tpu.memory_space<vmem>> -> memref<1x1x128xi32, #tpu.memory_space<vmem>>
          %dma_wait3A_473 = tpu.memref_squeeze %dma_wait3A_472 : memref<1x1x128xi32, #tpu.memory_space<vmem>> -> memref<128xi32, #tpu.memory_space<vmem>>
          %dma_wait3A_474 = arith.constant 0 : i32
          %dma_wait3A_475 = arith.constant 0 : i32
          %dma_wait3A_476 = tpu.memref_slice %arg9[%dma_wait3A_474, %dma_wait3A_475] : memref<100352x8xf32, #tpu.memory_space<vmem_shared>> -> memref<100352x8xf32, #tpu.memory_space<vmem_shared>>
          tpu.wait_indirect_dma semaphore(%arg11 : memref<!tpu.dma_semaphore, #tpu.memory_space<semaphore_mem>>) src(%dma_wait3A_470 : memref<128x8xf32, #tpu.memory_space<vmem>>) dst(%dma_wait3A_476 : memref<100352x8xf32, #tpu.memory_space<vmem_shared>>)
          %dma_wait3A_477 = arith.constant 2 : i32
          %dma_wait3A_478 = arith.constant 0 : i32
          %dma_wait3A_479 = arith.constant 0 : i32
          %dma_wait3A_480 = tpu.memref_slice %arg7[%dma_wait3A_477, %dma_wait3A_478, %dma_wait3A_479] : memref<8x128x8xf32, #tpu.memory_space<vmem>> -> memref<1x128x8xf32, #tpu.memory_space<vmem>>
          %dma_wait3A_481 = tpu.memref_squeeze %dma_wait3A_480 : memref<1x128x8xf32, #tpu.memory_space<vmem>> -> memref<128x8xf32, #tpu.memory_space<vmem>>
          %dma_wait3A_482 = arith.constant 0 : i32
          %dma_wait3A_483 = tpu.memref_slice %arg6[%rem3A_60, %add3A_308, %dma_wait3A_482] : memref<2x40x128xi32, #tpu.memory_space<vmem>> -> memref<1x1x128xi32, #tpu.memory_space<vmem>>
          %dma_wait3A_484 = tpu.memref_squeeze %dma_wait3A_483 : memref<1x1x128xi32, #tpu.memory_space<vmem>> -> memref<128xi32, #tpu.memory_space<vmem>>
          %dma_wait3A_485 = arith.constant 0 : i32
          %dma_wait3A_486 = arith.constant 0 : i32
          %dma_wait3A_487 = tpu.memref_slice %arg9[%dma_wait3A_485, %dma_wait3A_486] : memref<100352x8xf32, #tpu.memory_space<vmem_shared>> -> memref<100352x8xf32, #tpu.memory_space<vmem_shared>>
          tpu.wait_indirect_dma semaphore(%arg11 : memref<!tpu.dma_semaphore, #tpu.memory_space<semaphore_mem>>) src(%dma_wait3A_481 : memref<128x8xf32, #tpu.memory_space<vmem>>) dst(%dma_wait3A_487 : memref<100352x8xf32, #tpu.memory_space<vmem_shared>>)
          %dma_wait3A_488 = arith.constant 3 : i32
          %dma_wait3A_489 = arith.constant 0 : i32
          %dma_wait3A_490 = arith.constant 0 : i32
          %dma_wait3A_491 = tpu.memref_slice %arg7[%dma_wait3A_488, %dma_wait3A_489, %dma_wait3A_490] : memref<8x128x8xf32, #tpu.memory_space<vmem>> -> memref<1x128x8xf32, #tpu.memory_space<vmem>>
          %dma_wait3A_492 = tpu.memref_squeeze %dma_wait3A_491 : memref<1x128x8xf32, #tpu.memory_space<vmem>> -> memref<128x8xf32, #tpu.memory_space<vmem>>
          %dma_wait3A_493 = arith.constant 0 : i32
          %dma_wait3A_494 = tpu.memref_slice %arg6[%rem3A_60, %add3A_335, %dma_wait3A_493] : memref<2x40x128xi32, #tpu.memory_space<vmem>> -> memref<1x1x128xi32, #tpu.memory_space<vmem>>
          %dma_wait3A_495 = tpu.memref_squeeze %dma_wait3A_494 : memref<1x1x128xi32, #tpu.memory_space<vmem>> -> memref<128xi32, #tpu.memory_space<vmem>>
          %dma_wait3A_496 = arith.constant 0 : i32
          %dma_wait3A_497 = arith.constant 0 : i32
          %dma_wait3A_498 = tpu.memref_slice %arg9[%dma_wait3A_496, %dma_wait3A_497] : memref<100352x8xf32, #tpu.memory_space<vmem_shared>> -> memref<100352x8xf32, #tpu.memory_space<vmem_shared>>
          tpu.wait_indirect_dma semaphore(%arg11 : memref<!tpu.dma_semaphore, #tpu.memory_space<semaphore_mem>>) src(%dma_wait3A_492 : memref<128x8xf32, #tpu.memory_space<vmem>>) dst(%dma_wait3A_498 : memref<100352x8xf32, #tpu.memory_space<vmem_shared>>)
          %dma_wait3A_499 = arith.constant 4 : i32
          %dma_wait3A_500 = arith.constant 0 : i32
          %dma_wait3A_501 = arith.constant 0 : i32
          %dma_wait3A_502 = tpu.memref_slice %arg7[%dma_wait3A_499, %dma_wait3A_500, %dma_wait3A_501] : memref<8x128x8xf32, #tpu.memory_space<vmem>> -> memref<1x128x8xf32, #tpu.memory_space<vmem>>
          %dma_wait3A_503 = tpu.memref_squeeze %dma_wait3A_502 : memref<1x128x8xf32, #tpu.memory_space<vmem>> -> memref<128x8xf32, #tpu.memory_space<vmem>>
          %dma_wait3A_504 = arith.constant 0 : i32
          %dma_wait3A_505 = tpu.memref_slice %arg6[%rem3A_60, %add3A_362, %dma_wait3A_504] : memref<2x40x128xi32, #tpu.memory_space<vmem>> -> memref<1x1x128xi32, #tpu.memory_space<vmem>>
          %dma_wait3A_506 = tpu.memref_squeeze %dma_wait3A_505 : memref<1x1x128xi32, #tpu.memory_space<vmem>> -> memref<128xi32, #tpu.memory_space<vmem>>
          %dma_wait3A_507 = arith.constant 0 : i32
          %dma_wait3A_508 = arith.constant 0 : i32
          %dma_wait3A_509 = tpu.memref_slice %arg9[%dma_wait3A_507, %dma_wait3A_508] : memref<100352x8xf32, #tpu.memory_space<vmem_shared>> -> memref<100352x8xf32, #tpu.memory_space<vmem_shared>>
          tpu.wait_indirect_dma semaphore(%arg11 : memref<!tpu.dma_semaphore, #tpu.memory_space<semaphore_mem>>) src(%dma_wait3A_503 : memref<128x8xf32, #tpu.memory_space<vmem>>) dst(%dma_wait3A_509 : memref<100352x8xf32, #tpu.memory_space<vmem_shared>>)
          %dma_wait3A_510 = arith.constant 5 : i32
          %dma_wait3A_511 = arith.constant 0 : i32
          %dma_wait3A_512 = arith.constant 0 : i32
          %dma_wait3A_513 = tpu.memref_slice %arg7[%dma_wait3A_510, %dma_wait3A_511, %dma_wait3A_512] : memref<8x128x8xf32, #tpu.memory_space<vmem>> -> memref<1x128x8xf32, #tpu.memory_space<vmem>>
          %dma_wait3A_514 = tpu.memref_squeeze %dma_wait3A_513 : memref<1x128x8xf32, #tpu.memory_space<vmem>> -> memref<128x8xf32, #tpu.memory_space<vmem>>
          %dma_wait3A_515 = arith.constant 0 : i32
          %dma_wait3A_516 = tpu.memref_slice %arg6[%rem3A_60, %add3A_389, %dma_wait3A_515] : memref<2x40x128xi32, #tpu.memory_space<vmem>> -> memref<1x1x128xi32, #tpu.memory_space<vmem>>
          %dma_wait3A_517 = tpu.memref_squeeze %dma_wait3A_516 : memref<1x1x128xi32, #tpu.memory_space<vmem>> -> memref<128xi32, #tpu.memory_space<vmem>>
          %dma_wait3A_518 = arith.constant 0 : i32
          %dma_wait3A_519 = arith.constant 0 : i32
          %dma_wait3A_520 = tpu.memref_slice %arg9[%dma_wait3A_518, %dma_wait3A_519] : memref<100352x8xf32, #tpu.memory_space<vmem_shared>> -> memref<100352x8xf32, #tpu.memory_space<vmem_shared>>
          tpu.wait_indirect_dma semaphore(%arg11 : memref<!tpu.dma_semaphore, #tpu.memory_space<semaphore_mem>>) src(%dma_wait3A_514 : memref<128x8xf32, #tpu.memory_space<vmem>>) dst(%dma_wait3A_520 : memref<100352x8xf32, #tpu.memory_space<vmem_shared>>)
          %dma_wait3A_521 = arith.constant 6 : i32
          %dma_wait3A_522 = arith.constant 0 : i32
          %dma_wait3A_523 = arith.constant 0 : i32
          %dma_wait3A_524 = tpu.memref_slice %arg7[%dma_wait3A_521, %dma_wait3A_522, %dma_wait3A_523] : memref<8x128x8xf32, #tpu.memory_space<vmem>> -> memref<1x128x8xf32, #tpu.memory_space<vmem>>
          %dma_wait3A_525 = tpu.memref_squeeze %dma_wait3A_524 : memref<1x128x8xf32, #tpu.memory_space<vmem>> -> memref<128x8xf32, #tpu.memory_space<vmem>>
          %dma_wait3A_526 = arith.constant 0 : i32
          %dma_wait3A_527 = tpu.memref_slice %arg6[%rem3A_60, %add3A_416, %dma_wait3A_526] : memref<2x40x128xi32, #tpu.memory_space<vmem>> -> memref<1x1x128xi32, #tpu.memory_space<vmem>>
          %dma_wait3A_528 = tpu.memref_squeeze %dma_wait3A_527 : memref<1x1x128xi32, #tpu.memory_space<vmem>> -> memref<128xi32, #tpu.memory_space<vmem>>
          %dma_wait3A_529 = arith.constant 0 : i32
          %dma_wait3A_530 = arith.constant 0 : i32
          %dma_wait3A_531 = tpu.memref_slice %arg9[%dma_wait3A_529, %dma_wait3A_530] : memref<100352x8xf32, #tpu.memory_space<vmem_shared>> -> memref<100352x8xf32, #tpu.memory_space<vmem_shared>>
          tpu.wait_indirect_dma semaphore(%arg11 : memref<!tpu.dma_semaphore, #tpu.memory_space<semaphore_mem>>) src(%dma_wait3A_525 : memref<128x8xf32, #tpu.memory_space<vmem>>) dst(%dma_wait3A_531 : memref<100352x8xf32, #tpu.memory_space<vmem_shared>>)
          %dma_wait3A_532 = arith.constant 7 : i32
          %dma_wait3A_533 = arith.constant 0 : i32
          %dma_wait3A_534 = arith.constant 0 : i32
          %dma_wait3A_535 = tpu.memref_slice %arg7[%dma_wait3A_532, %dma_wait3A_533, %dma_wait3A_534] : memref<8x128x8xf32, #tpu.memory_space<vmem>> -> memref<1x128x8xf32, #tpu.memory_space<vmem>>
          %dma_wait3A_536 = tpu.memref_squeeze %dma_wait3A_535 : memref<1x128x8xf32, #tpu.memory_space<vmem>> -> memref<128x8xf32, #tpu.memory_space<vmem>>
          %dma_wait3A_537 = arith.constant 0 : i32
          %dma_wait3A_538 = tpu.memref_slice %arg6[%rem3A_60, %add3A_443, %dma_wait3A_537] : memref<2x40x128xi32, #tpu.memory_space<vmem>> -> memref<1x1x128xi32, #tpu.memory_space<vmem>>
          %dma_wait3A_539 = tpu.memref_squeeze %dma_wait3A_538 : memref<1x1x128xi32, #tpu.memory_space<vmem>> -> memref<128xi32, #tpu.memory_space<vmem>>
          %dma_wait3A_540 = arith.constant 0 : i32
          %dma_wait3A_541 = arith.constant 0 : i32
          %dma_wait3A_542 = tpu.memref_slice %arg9[%dma_wait3A_540, %dma_wait3A_541] : memref<100352x8xf32, #tpu.memory_space<vmem_shared>> -> memref<100352x8xf32, #tpu.memory_space<vmem_shared>>
          tpu.wait_indirect_dma semaphore(%arg11 : memref<!tpu.dma_semaphore, #tpu.memory_space<semaphore_mem>>) src(%dma_wait3A_536 : memref<128x8xf32, #tpu.memory_space<vmem>>) dst(%dma_wait3A_542 : memref<100352x8xf32, #tpu.memory_space<vmem_shared>>)
        }
        %scan3A_105 = arith.constant 5 : i32
      } else {
      }
    }
    %scan3A_44 = arith.constant 20 : i32
    %barrier3A_45 = arith.constant 0 : index
    tpu.barrier barrier_id(%barrier3A_45)
    %eq3A = arith.constant 0 : i32
    %eq3A_46 = arith.cmpi eq, %arg1, %eq3A : i32
    %convert_element_type3A = arith.extui %eq3A_46 : i1 to i32
    %cond3A = arith.constant 0 : i32
    %cond3A_47 = arith.cmpi ne, %convert_element_type3A, %cond3A : i32
    scf.if %cond3A_47 {
      "tpu.region"() ({
        %run_scoped3A = tpu.sem_alloc : memref<!tpu.dma_semaphore, #tpu.memory_space<semaphore_mem>>
        %dma_start3A_48 = arith.constant 0 : i32
        %dma_start3A_49 = arith.constant 0 : i32
        %dma_start3A_50 = tpu.memref_slice %arg4[%arg0, %dma_start3A_48, %dma_start3A_49] : memref<2x100352x8xf32, #tpu.memory_space<hbm>> -> memref<1x100352x8xf32, #tpu.memory_space<hbm>>
        %dma_start3A_51 = tpu.memref_squeeze %dma_start3A_50 : memref<1x100352x8xf32, #tpu.memory_space<hbm>> -> memref<100352x8xf32, #tpu.memory_space<hbm>>
        tpu.enqueue_dma source(%arg9 : memref<100352x8xf32, #tpu.memory_space<vmem_shared>>) target(%dma_start3A_51 : memref<100352x8xf32, #tpu.memory_space<hbm>>) target_semaphore(%run_scoped3A : memref<!tpu.dma_semaphore, #tpu.memory_space<semaphore_mem>>)
        %dma_wait3A = arith.constant 0 : i32
        %dma_wait3A_52 = arith.constant 0 : i32
        %dma_wait3A_53 = tpu.memref_slice %arg4[%arg0, %dma_wait3A, %dma_wait3A_52] : memref<2x100352x8xf32, #tpu.memory_space<hbm>> -> memref<1x100352x8xf32, #tpu.memory_space<hbm>>
        %dma_wait3A_54 = tpu.memref_squeeze %dma_wait3A_53 : memref<1x100352x8xf32, #tpu.memory_space<hbm>> -> memref<100352x8xf32, #tpu.memory_space<hbm>>
        tpu.wait_dma2 semaphore(%run_scoped3A : memref<!tpu.dma_semaphore, #tpu.memory_space<semaphore_mem>>) src(%arg9 : memref<100352x8xf32, #tpu.memory_space<vmem_shared>>) dst(%dma_wait3A_54 : memref<100352x8xf32, #tpu.memory_space<hbm>>)
        tpu.yield
      }) : () -> ()
    } else {
    }
    return
  }
}

#map = affine_map<(d0, d1) -> (0, 0)>
#map1 = affine_map<(d0, d1) -> (0, 0, 0)>
module attributes {stable_mosaic.version = 14 : i64} {
  func.func @_sc_agg1(%arg0: i32, %arg1: i32, %arg2: memref<100352x1xf32, #tpu.memory_space<hbm>>, %arg3: memref<2x25000x128xi32, #tpu.memory_space<hbm>>, %arg4: memref<2x100352x1xf32, #tpu.memory_space<hbm>>, %arg5: memref<2x40x128xi32, #tpu.memory_space<vmem>>, %arg6: memref<2x40x128xi32, #tpu.memory_space<vmem>>, %arg7: memref<8x128x1xf32, #tpu.memory_space<vmem>>, %arg8: memref<100352x1xf32, #tpu.memory_space<vmem_shared>>, %arg9: memref<100352x1xf32, #tpu.memory_space<vmem_shared>>, %arg10: memref<8x!tpu.dma_semaphore, #tpu.memory_space<semaphore_mem>>, %arg11: memref<!tpu.dma_semaphore, #tpu.memory_space<semaphore_mem>>, %arg12: memref<!tpu.dma_semaphore, #tpu.memory_space<semaphore_mem>>) attributes {dimension_semantics = [#tpu.dimension_semantics<core_parallel>, #tpu.dimension_semantics<subcore_parallel>], iteration_bounds = array<i64: 2, 16>, scalar_prefetch = 0 : i64, scratch_operands = 8 : i64, tpu.core_type = #tpu.core_type<sc_vector_subcore>, window_params = [{transform_indices = #map}, {transform_indices = #map1}, {transform_indices = #map1}]} {
    %mul3A = arith.constant 16 : i32
    %mul3A_0 = arith.muli %arg0, %mul3A : i32
    %add3A = arith.addi %mul3A_0, %arg1 : i32
    %scan3A = arith.constant 0 : i32
    %scan3A_1 = arith.constant 4 : i32
    %scan3A_2 = arith.addi %scan3A, %scan3A_1 : i32
    %scan3A_3 = arith.constant 1 : i32
    scf.for %scan3A_48 = %scan3A to %scan3A_2 step %scan3A_3  : i32 {
      %mul3A_49 = arith.constant 1 : i32
      %mul3A_50 = arith.muli %scan3A_48, %mul3A_49 : i32
      %add3A_51 = arith.constant 0 : i32
      %add3A_52 = arith.addi %add3A_51, %mul3A_50 : i32
      %mul3A_53 = arith.constant 16 : i32
      %mul3A_54 = arith.muli %mul3A_53, %add3A_52 : i32
      %add3A_55 = arith.addi %arg1, %mul3A_54 : i32
      %lt3A = arith.constant 49 : i32
      %lt3A_56 = arith.cmpi slt, %add3A_55, %lt3A : i32
      %convert_element_type3A_57 = arith.extui %lt3A_56 : i1 to i32
      %cond3A_58 = arith.constant 0 : i32
      %cond3A_59 = arith.cmpi ne, %convert_element_type3A_57, %cond3A_58 : i32
      scf.if %cond3A_59 {
        %mul3A_60 = arith.constant 2048 : i32
        %mul3A_61 = arith.muli %add3A_55, %mul3A_60 : i32
        "tpu.region"() ({
          %run_scoped3A = tpu.sem_alloc : memref<!tpu.dma_semaphore, #tpu.memory_space<semaphore_mem>>
          %dma_start3A_62 = arith.constant 0 : i32
          %dma_start3A_63 = tpu.memref_slice %arg8[%mul3A_61, %dma_start3A_62] : memref<100352x1xf32, #tpu.memory_space<vmem_shared>> -> memref<2048x1xf32, #tpu.memory_space<vmem_shared>>
          %dma_start3A_64 = arith.constant 0 : i32
          %dma_start3A_65 = tpu.memref_slice %arg2[%mul3A_61, %dma_start3A_64] : memref<100352x1xf32, #tpu.memory_space<hbm>> -> memref<2048x1xf32, #tpu.memory_space<hbm>>
          tpu.enqueue_dma source(%dma_start3A_65 : memref<2048x1xf32, #tpu.memory_space<hbm>>) target(%dma_start3A_63 : memref<2048x1xf32, #tpu.memory_space<vmem_shared>>) target_semaphore(%run_scoped3A : memref<!tpu.dma_semaphore, #tpu.memory_space<semaphore_mem>>)
          %dma_wait3A = arith.constant 0 : i32
          %dma_wait3A_66 = tpu.memref_slice %arg8[%mul3A_61, %dma_wait3A] : memref<100352x1xf32, #tpu.memory_space<vmem_shared>> -> memref<2048x1xf32, #tpu.memory_space<vmem_shared>>
          %dma_wait3A_67 = arith.constant 0 : i32
          %dma_wait3A_68 = tpu.memref_slice %arg2[%mul3A_61, %dma_wait3A_67] : memref<100352x1xf32, #tpu.memory_space<hbm>> -> memref<2048x1xf32, #tpu.memory_space<hbm>>
          tpu.wait_dma2 semaphore(%run_scoped3A : memref<!tpu.dma_semaphore, #tpu.memory_space<semaphore_mem>>) src(%dma_wait3A_68 : memref<2048x1xf32, #tpu.memory_space<hbm>>) dst(%dma_wait3A_66 : memref<2048x1xf32, #tpu.memory_space<vmem_shared>>)
          tpu.yield
        }) : () -> ()
        "tpu.region"() ({
          %run_scoped3A = tpu.sem_alloc : memref<!tpu.dma_semaphore, #tpu.memory_space<semaphore_mem>>
          %dma_start3A_62 = arith.constant 0 : i32
          %dma_start3A_63 = tpu.memref_slice %arg9[%mul3A_61, %dma_start3A_62] : memref<100352x1xf32, #tpu.memory_space<vmem_shared>> -> memref<2048x1xf32, #tpu.memory_space<vmem_shared>>
          %dma_start3A_64 = arith.constant 0 : i32
          %dma_start3A_65 = tpu.memref_slice %arg2[%mul3A_61, %dma_start3A_64] : memref<100352x1xf32, #tpu.memory_space<hbm>> -> memref<2048x1xf32, #tpu.memory_space<hbm>>
          tpu.enqueue_dma source(%dma_start3A_65 : memref<2048x1xf32, #tpu.memory_space<hbm>>) target(%dma_start3A_63 : memref<2048x1xf32, #tpu.memory_space<vmem_shared>>) target_semaphore(%run_scoped3A : memref<!tpu.dma_semaphore, #tpu.memory_space<semaphore_mem>>)
          %dma_wait3A = arith.constant 0 : i32
          %dma_wait3A_66 = tpu.memref_slice %arg9[%mul3A_61, %dma_wait3A] : memref<100352x1xf32, #tpu.memory_space<vmem_shared>> -> memref<2048x1xf32, #tpu.memory_space<vmem_shared>>
          %dma_wait3A_67 = arith.constant 0 : i32
          %dma_wait3A_68 = tpu.memref_slice %arg2[%mul3A_61, %dma_wait3A_67] : memref<100352x1xf32, #tpu.memory_space<hbm>> -> memref<2048x1xf32, #tpu.memory_space<hbm>>
          tpu.wait_dma2 semaphore(%run_scoped3A : memref<!tpu.dma_semaphore, #tpu.memory_space<semaphore_mem>>) src(%dma_wait3A_68 : memref<2048x1xf32, #tpu.memory_space<hbm>>) dst(%dma_wait3A_66 : memref<2048x1xf32, #tpu.memory_space<vmem_shared>>)
          tpu.yield
        }) : () -> ()
      } else {
      }
    }
    %scan3A_4 = arith.constant 4 : i32
    %mul3A_5 = arith.constant 40 : i32
    %mul3A_6 = arith.muli %add3A, %mul3A_5 : i32
    %dma_start3A = arith.constant 0 : i32
    %dma_start3A_7 = arith.constant 0 : i32
    %dma_start3A_8 = arith.constant 0 : i32
    %dma_start3A_9 = arith.constant 0 : i32
    %dma_start3A_10 = tpu.memref_slice %arg5[%dma_start3A_7, %dma_start3A_8, %dma_start3A_9] : memref<2x40x128xi32, #tpu.memory_space<vmem>> -> memref<1x40x128xi32, #tpu.memory_space<vmem>>
    %dma_start3A_11 = tpu.memref_squeeze %dma_start3A_10 : memref<1x40x128xi32, #tpu.memory_space<vmem>> -> memref<40x128xi32, #tpu.memory_space<vmem>>
    %dma_start3A_12 = arith.constant 0 : i32
    %dma_start3A_13 = tpu.memref_slice %arg3[%dma_start3A, %mul3A_6, %dma_start3A_12] : memref<2x25000x128xi32, #tpu.memory_space<hbm>> -> memref<1x40x128xi32, #tpu.memory_space<hbm>>
    %dma_start3A_14 = tpu.memref_squeeze %dma_start3A_13 : memref<1x40x128xi32, #tpu.memory_space<hbm>> -> memref<40x128xi32, #tpu.memory_space<hbm>>
    %dma_start3A_15 = arith.constant 0 : i32
    %dma_start3A_16 = arith.constant 0 : i32
    %dma_start3A_17 = tpu.memref_slice %arg5[%dma_start3A_7, %dma_start3A_15, %dma_start3A_16] : memref<2x40x128xi32, #tpu.memory_space<vmem>> -> memref<1x40x128xi32, #tpu.memory_space<vmem>>
    %dma_start3A_18 = tpu.memref_squeeze %dma_start3A_17 : memref<1x40x128xi32, #tpu.memory_space<vmem>> -> memref<40x128xi32, #tpu.memory_space<vmem>>
    %dma_start3A_19 = arith.constant 0 : i32
    %dma_start3A_20 = tpu.memref_slice %arg3[%dma_start3A, %mul3A_6, %dma_start3A_19] : memref<2x25000x128xi32, #tpu.memory_space<hbm>> -> memref<1x40x128xi32, #tpu.memory_space<hbm>>
    %dma_start3A_21 = tpu.memref_squeeze %dma_start3A_20 : memref<1x40x128xi32, #tpu.memory_space<hbm>> -> memref<40x128xi32, #tpu.memory_space<hbm>>
    tpu.enqueue_dma source(%dma_start3A_21 : memref<40x128xi32, #tpu.memory_space<hbm>>) target(%dma_start3A_18 : memref<40x128xi32, #tpu.memory_space<vmem>>) target_semaphore(%arg12 : memref<!tpu.dma_semaphore, #tpu.memory_space<semaphore_mem>>)
    %mul3A_22 = arith.constant 40 : i32
    %mul3A_23 = arith.muli %add3A, %mul3A_22 : i32
    %dma_start3A_24 = arith.constant 1 : i32
    %dma_start3A_25 = arith.constant 0 : i32
    %dma_start3A_26 = arith.constant 0 : i32
    %dma_start3A_27 = arith.constant 0 : i32
    %dma_start3A_28 = tpu.memref_slice %arg6[%dma_start3A_25, %dma_start3A_26, %dma_start3A_27] : memref<2x40x128xi32, #tpu.memory_space<vmem>> -> memref<1x40x128xi32, #tpu.memory_space<vmem>>
    %dma_start3A_29 = tpu.memref_squeeze %dma_start3A_28 : memref<1x40x128xi32, #tpu.memory_space<vmem>> -> memref<40x128xi32, #tpu.memory_space<vmem>>
    %dma_start3A_30 = arith.constant 0 : i32
    %dma_start3A_31 = tpu.memref_slice %arg3[%dma_start3A_24, %mul3A_23, %dma_start3A_30] : memref<2x25000x128xi32, #tpu.memory_space<hbm>> -> memref<1x40x128xi32, #tpu.memory_space<hbm>>
    %dma_start3A_32 = tpu.memref_squeeze %dma_start3A_31 : memref<1x40x128xi32, #tpu.memory_space<hbm>> -> memref<40x128xi32, #tpu.memory_space<hbm>>
    %dma_start3A_33 = arith.constant 0 : i32
    %dma_start3A_34 = arith.constant 0 : i32
    %dma_start3A_35 = tpu.memref_slice %arg6[%dma_start3A_25, %dma_start3A_33, %dma_start3A_34] : memref<2x40x128xi32, #tpu.memory_space<vmem>> -> memref<1x40x128xi32, #tpu.memory_space<vmem>>
    %dma_start3A_36 = tpu.memref_squeeze %dma_start3A_35 : memref<1x40x128xi32, #tpu.memory_space<vmem>> -> memref<40x128xi32, #tpu.memory_space<vmem>>
    %dma_start3A_37 = arith.constant 0 : i32
    %dma_start3A_38 = tpu.memref_slice %arg3[%dma_start3A_24, %mul3A_23, %dma_start3A_37] : memref<2x25000x128xi32, #tpu.memory_space<hbm>> -> memref<1x40x128xi32, #tpu.memory_space<hbm>>
    %dma_start3A_39 = tpu.memref_squeeze %dma_start3A_38 : memref<1x40x128xi32, #tpu.memory_space<hbm>> -> memref<40x128xi32, #tpu.memory_space<hbm>>
    tpu.enqueue_dma source(%dma_start3A_39 : memref<40x128xi32, #tpu.memory_space<hbm>>) target(%dma_start3A_36 : memref<40x128xi32, #tpu.memory_space<vmem>>) target_semaphore(%arg12 : memref<!tpu.dma_semaphore, #tpu.memory_space<semaphore_mem>>)
    %barrier3A = arith.constant 0 : index
    tpu.barrier barrier_id(%barrier3A)
    %scan3A_40 = arith.constant 0 : i32
    %scan3A_41 = arith.constant 20 : i32
    %scan3A_42 = arith.addi %scan3A_40, %scan3A_41 : i32
    %scan3A_43 = arith.constant 1 : i32
    scf.for %scan3A_48 = %scan3A_40 to %scan3A_42 step %scan3A_43  : i32 {
      %mul3A_49 = arith.constant 1 : i32
      %mul3A_50 = arith.muli %scan3A_48, %mul3A_49 : i32
      %add3A_51 = arith.constant 0 : i32
      %add3A_52 = arith.addi %add3A_51, %mul3A_50 : i32
      %mul3A_53 = arith.constant 32 : i32
      %mul3A_54 = arith.muli %mul3A_53, %add3A_52 : i32
      %add3A_55 = arith.addi %add3A, %mul3A_54 : i32
      %lt3A = arith.constant 625 : i32
      %lt3A_56 = arith.cmpi slt, %add3A_55, %lt3A : i32
      %convert_element_type3A_57 = arith.extui %lt3A_56 : i1 to i32
      %cond3A_58 = arith.constant 0 : i32
      %cond3A_59 = arith.cmpi ne, %convert_element_type3A_57, %cond3A_58 : i32
      scf.if %cond3A_59 {
        %rem3A = arith.constant 2 : i32
        %rem3A_60 = arith.remsi %add3A_52, %rem3A : i32
        %dma_wait3A = arith.constant 0 : i32
        %dma_wait3A_61 = arith.constant 0 : i32
        %dma_wait3A_62 = arith.constant 0 : i32
        %dma_wait3A_63 = tpu.memref_slice %arg5[%rem3A_60, %dma_wait3A_61, %dma_wait3A_62] : memref<2x40x128xi32, #tpu.memory_space<vmem>> -> memref<1x40x128xi32, #tpu.memory_space<vmem>>
        %dma_wait3A_64 = tpu.memref_squeeze %dma_wait3A_63 : memref<1x40x128xi32, #tpu.memory_space<vmem>> -> memref<40x128xi32, #tpu.memory_space<vmem>>
        %dma_wait3A_65 = arith.constant 0 : i32
        %dma_wait3A_66 = arith.constant 0 : i32
        %dma_wait3A_67 = tpu.memref_slice %arg3[%dma_wait3A, %dma_wait3A_65, %dma_wait3A_66] : memref<2x25000x128xi32, #tpu.memory_space<hbm>> -> memref<1x40x128xi32, #tpu.memory_space<hbm>>
        %dma_wait3A_68 = tpu.memref_squeeze %dma_wait3A_67 : memref<1x40x128xi32, #tpu.memory_space<hbm>> -> memref<40x128xi32, #tpu.memory_space<hbm>>
        %dma_wait3A_69 = arith.constant 0 : i32
        %dma_wait3A_70 = arith.constant 0 : i32
        %dma_wait3A_71 = tpu.memref_slice %arg5[%rem3A_60, %dma_wait3A_69, %dma_wait3A_70] : memref<2x40x128xi32, #tpu.memory_space<vmem>> -> memref<1x40x128xi32, #tpu.memory_space<vmem>>
        %dma_wait3A_72 = tpu.memref_squeeze %dma_wait3A_71 : memref<1x40x128xi32, #tpu.memory_space<vmem>> -> memref<40x128xi32, #tpu.memory_space<vmem>>
        %dma_wait3A_73 = arith.constant 0 : i32
        %dma_wait3A_74 = arith.constant 0 : i32
        %dma_wait3A_75 = tpu.memref_slice %arg3[%dma_wait3A, %dma_wait3A_73, %dma_wait3A_74] : memref<2x25000x128xi32, #tpu.memory_space<hbm>> -> memref<1x40x128xi32, #tpu.memory_space<hbm>>
        %dma_wait3A_76 = tpu.memref_squeeze %dma_wait3A_75 : memref<1x40x128xi32, #tpu.memory_space<hbm>> -> memref<40x128xi32, #tpu.memory_space<hbm>>
        tpu.wait_dma2 semaphore(%arg12 : memref<!tpu.dma_semaphore, #tpu.memory_space<semaphore_mem>>) src(%dma_wait3A_76 : memref<40x128xi32, #tpu.memory_space<hbm>>) dst(%dma_wait3A_72 : memref<40x128xi32, #tpu.memory_space<vmem>>)
        %dma_wait3A_77 = arith.constant 1 : i32
        %dma_wait3A_78 = arith.constant 0 : i32
        %dma_wait3A_79 = arith.constant 0 : i32
        %dma_wait3A_80 = tpu.memref_slice %arg6[%rem3A_60, %dma_wait3A_78, %dma_wait3A_79] : memref<2x40x128xi32, #tpu.memory_space<vmem>> -> memref<1x40x128xi32, #tpu.memory_space<vmem>>
        %dma_wait3A_81 = tpu.memref_squeeze %dma_wait3A_80 : memref<1x40x128xi32, #tpu.memory_space<vmem>> -> memref<40x128xi32, #tpu.memory_space<vmem>>
        %dma_wait3A_82 = arith.constant 0 : i32
        %dma_wait3A_83 = arith.constant 0 : i32
        %dma_wait3A_84 = tpu.memref_slice %arg3[%dma_wait3A_77, %dma_wait3A_82, %dma_wait3A_83] : memref<2x25000x128xi32, #tpu.memory_space<hbm>> -> memref<1x40x128xi32, #tpu.memory_space<hbm>>
        %dma_wait3A_85 = tpu.memref_squeeze %dma_wait3A_84 : memref<1x40x128xi32, #tpu.memory_space<hbm>> -> memref<40x128xi32, #tpu.memory_space<hbm>>
        %dma_wait3A_86 = arith.constant 0 : i32
        %dma_wait3A_87 = arith.constant 0 : i32
        %dma_wait3A_88 = tpu.memref_slice %arg6[%rem3A_60, %dma_wait3A_86, %dma_wait3A_87] : memref<2x40x128xi32, #tpu.memory_space<vmem>> -> memref<1x40x128xi32, #tpu.memory_space<vmem>>
        %dma_wait3A_89 = tpu.memref_squeeze %dma_wait3A_88 : memref<1x40x128xi32, #tpu.memory_space<vmem>> -> memref<40x128xi32, #tpu.memory_space<vmem>>
        %dma_wait3A_90 = arith.constant 0 : i32
        %dma_wait3A_91 = arith.constant 0 : i32
        %dma_wait3A_92 = tpu.memref_slice %arg3[%dma_wait3A_77, %dma_wait3A_90, %dma_wait3A_91] : memref<2x25000x128xi32, #tpu.memory_space<hbm>> -> memref<1x40x128xi32, #tpu.memory_space<hbm>>
        %dma_wait3A_93 = tpu.memref_squeeze %dma_wait3A_92 : memref<1x40x128xi32, #tpu.memory_space<hbm>> -> memref<40x128xi32, #tpu.memory_space<hbm>>
        tpu.wait_dma2 semaphore(%arg12 : memref<!tpu.dma_semaphore, #tpu.memory_space<semaphore_mem>>) src(%dma_wait3A_93 : memref<40x128xi32, #tpu.memory_space<hbm>>) dst(%dma_wait3A_89 : memref<40x128xi32, #tpu.memory_space<vmem>>)
        %add3A_94 = arith.constant 32 : i32
        %add3A_95 = arith.addi %add3A_55, %add3A_94 : i32
        %lt3A_96 = arith.constant 625 : i32
        %lt3A_97 = arith.cmpi slt, %add3A_95, %lt3A_96 : i32
        %convert_element_type3A_98 = arith.extui %lt3A_97 : i1 to i32
        %cond3A_99 = arith.constant 0 : i32
        %cond3A_100 = arith.cmpi ne, %convert_element_type3A_98, %cond3A_99 : i32
        scf.if %cond3A_100 {
          %add3A_106 = arith.constant 1 : i32
          %add3A_107 = arith.addi %add3A_52, %add3A_106 : i32
          %rem3A_108 = arith.constant 2 : i32
          %rem3A_109 = arith.remsi %add3A_107, %rem3A_108 : i32
          %mul3A_110 = arith.constant 40 : i32
          %mul3A_111 = arith.muli %add3A_95, %mul3A_110 : i32
          %dma_start3A_112 = arith.constant 0 : i32
          %dma_start3A_113 = arith.constant 0 : i32
          %dma_start3A_114 = arith.constant 0 : i32
          %dma_start3A_115 = tpu.memref_slice %arg5[%rem3A_109, %dma_start3A_113, %dma_start3A_114] : memref<2x40x128xi32, #tpu.memory_space<vmem>> -> memref<1x40x128xi32, #tpu.memory_space<vmem>>
          %dma_start3A_116 = tpu.memref_squeeze %dma_start3A_115 : memref<1x40x128xi32, #tpu.memory_space<vmem>> -> memref<40x128xi32, #tpu.memory_space<vmem>>
          %dma_start3A_117 = arith.constant 0 : i32
          %dma_start3A_118 = tpu.memref_slice %arg3[%dma_start3A_112, %mul3A_111, %dma_start3A_117] : memref<2x25000x128xi32, #tpu.memory_space<hbm>> -> memref<1x40x128xi32, #tpu.memory_space<hbm>>
          %dma_start3A_119 = tpu.memref_squeeze %dma_start3A_118 : memref<1x40x128xi32, #tpu.memory_space<hbm>> -> memref<40x128xi32, #tpu.memory_space<hbm>>
          %dma_start3A_120 = arith.constant 0 : i32
          %dma_start3A_121 = arith.constant 0 : i32
          %dma_start3A_122 = tpu.memref_slice %arg5[%rem3A_109, %dma_start3A_120, %dma_start3A_121] : memref<2x40x128xi32, #tpu.memory_space<vmem>> -> memref<1x40x128xi32, #tpu.memory_space<vmem>>
          %dma_start3A_123 = tpu.memref_squeeze %dma_start3A_122 : memref<1x40x128xi32, #tpu.memory_space<vmem>> -> memref<40x128xi32, #tpu.memory_space<vmem>>
          %dma_start3A_124 = arith.constant 0 : i32
          %dma_start3A_125 = tpu.memref_slice %arg3[%dma_start3A_112, %mul3A_111, %dma_start3A_124] : memref<2x25000x128xi32, #tpu.memory_space<hbm>> -> memref<1x40x128xi32, #tpu.memory_space<hbm>>
          %dma_start3A_126 = tpu.memref_squeeze %dma_start3A_125 : memref<1x40x128xi32, #tpu.memory_space<hbm>> -> memref<40x128xi32, #tpu.memory_space<hbm>>
          tpu.enqueue_dma source(%dma_start3A_126 : memref<40x128xi32, #tpu.memory_space<hbm>>) target(%dma_start3A_123 : memref<40x128xi32, #tpu.memory_space<vmem>>) target_semaphore(%arg12 : memref<!tpu.dma_semaphore, #tpu.memory_space<semaphore_mem>>)
          %mul3A_127 = arith.constant 40 : i32
          %mul3A_128 = arith.muli %add3A_95, %mul3A_127 : i32
          %dma_start3A_129 = arith.constant 1 : i32
          %dma_start3A_130 = arith.constant 0 : i32
          %dma_start3A_131 = arith.constant 0 : i32
          %dma_start3A_132 = tpu.memref_slice %arg6[%rem3A_109, %dma_start3A_130, %dma_start3A_131] : memref<2x40x128xi32, #tpu.memory_space<vmem>> -> memref<1x40x128xi32, #tpu.memory_space<vmem>>
          %dma_start3A_133 = tpu.memref_squeeze %dma_start3A_132 : memref<1x40x128xi32, #tpu.memory_space<vmem>> -> memref<40x128xi32, #tpu.memory_space<vmem>>
          %dma_start3A_134 = arith.constant 0 : i32
          %dma_start3A_135 = tpu.memref_slice %arg3[%dma_start3A_129, %mul3A_128, %dma_start3A_134] : memref<2x25000x128xi32, #tpu.memory_space<hbm>> -> memref<1x40x128xi32, #tpu.memory_space<hbm>>
          %dma_start3A_136 = tpu.memref_squeeze %dma_start3A_135 : memref<1x40x128xi32, #tpu.memory_space<hbm>> -> memref<40x128xi32, #tpu.memory_space<hbm>>
          %dma_start3A_137 = arith.constant 0 : i32
          %dma_start3A_138 = arith.constant 0 : i32
          %dma_start3A_139 = tpu.memref_slice %arg6[%rem3A_109, %dma_start3A_137, %dma_start3A_138] : memref<2x40x128xi32, #tpu.memory_space<vmem>> -> memref<1x40x128xi32, #tpu.memory_space<vmem>>
          %dma_start3A_140 = tpu.memref_squeeze %dma_start3A_139 : memref<1x40x128xi32, #tpu.memory_space<vmem>> -> memref<40x128xi32, #tpu.memory_space<vmem>>
          %dma_start3A_141 = arith.constant 0 : i32
          %dma_start3A_142 = tpu.memref_slice %arg3[%dma_start3A_129, %mul3A_128, %dma_start3A_141] : memref<2x25000x128xi32, #tpu.memory_space<hbm>> -> memref<1x40x128xi32, #tpu.memory_space<hbm>>
          %dma_start3A_143 = tpu.memref_squeeze %dma_start3A_142 : memref<1x40x128xi32, #tpu.memory_space<hbm>> -> memref<40x128xi32, #tpu.memory_space<hbm>>
          tpu.enqueue_dma source(%dma_start3A_143 : memref<40x128xi32, #tpu.memory_space<hbm>>) target(%dma_start3A_140 : memref<40x128xi32, #tpu.memory_space<vmem>>) target_semaphore(%arg12 : memref<!tpu.dma_semaphore, #tpu.memory_space<semaphore_mem>>)
        } else {
        }
        %scan3A_101 = arith.constant 0 : i32
        %scan3A_102 = arith.constant 5 : i32
        %scan3A_103 = arith.addi %scan3A_101, %scan3A_102 : i32
        %scan3A_104 = arith.constant 1 : i32
        scf.for %scan3A_106 = %scan3A_101 to %scan3A_103 step %scan3A_104  : i32 {
          %mul3A_107 = arith.constant 8 : i32
          %mul3A_108 = arith.muli %scan3A_106, %mul3A_107 : i32
          %add3A_109 = arith.constant 0 : i32
          %add3A_110 = arith.addi %add3A_109, %mul3A_108 : i32
          %add3A_111 = arith.constant 0 : i32
          %add3A_112 = arith.addi %add3A_110, %add3A_111 : i32
          %dma_start3A_113 = arith.constant 0 : i32
          %dma_start3A_114 = arith.constant 0 : i32
          %dma_start3A_115 = arith.constant 0 : i32
          %dma_start3A_116 = arith.constant 0 : i32
          %dma_start3A_117 = tpu.memref_slice %arg7[%dma_start3A_113, %dma_start3A_115, %dma_start3A_116] : memref<8x128x1xf32, #tpu.memory_space<vmem>> -> memref<1x128x1xf32, #tpu.memory_space<vmem>>
          %dma_start3A_118 = tpu.memref_squeeze %dma_start3A_117 : memref<1x128x1xf32, #tpu.memory_space<vmem>> -> memref<128x1xf32, #tpu.memory_space<vmem>>
          %dma_start3A_119 = arith.constant 0 : i32
          %dma_start3A_120 = tpu.memref_slice %arg5[%rem3A_60, %add3A_112, %dma_start3A_119] : memref<2x40x128xi32, #tpu.memory_space<vmem>> -> memref<1x1x128xi32, #tpu.memory_space<vmem>>
          %dma_start3A_121 = tpu.memref_squeeze %dma_start3A_120 : memref<1x1x128xi32, #tpu.memory_space<vmem>> -> memref<128xi32, #tpu.memory_space<vmem>>
          %dma_start3A_122 = arith.constant 0 : i32
          %dma_start3A_123 = arith.constant 0 : i32
          %dma_start3A_124 = tpu.memref_slice %arg8[%dma_start3A_122, %dma_start3A_123] : memref<100352x1xf32, #tpu.memory_space<vmem_shared>> -> memref<100352x1xf32, #tpu.memory_space<vmem_shared>>
          %dma_start3A_125 = tpu.memref_slice %arg10[%dma_start3A_114] : memref<8x!tpu.dma_semaphore, #tpu.memory_space<semaphore_mem>> -> memref<1x!tpu.dma_semaphore, #tpu.memory_space<semaphore_mem>>
          %dma_start3A_126 = tpu.memref_squeeze %dma_start3A_125 : memref<1x!tpu.dma_semaphore, #tpu.memory_space<semaphore_mem>> -> memref<!tpu.dma_semaphore, #tpu.memory_space<semaphore_mem>>
          tpu.enqueue_indirect_dma source(%dma_start3A_124 : memref<100352x1xf32, #tpu.memory_space<vmem_shared>>) target(%dma_start3A_118 : memref<128x1xf32, #tpu.memory_space<vmem>>) offsets(%dma_start3A_121 : memref<128xi32, #tpu.memory_space<vmem>>) semaphore(%dma_start3A_126 : memref<!tpu.dma_semaphore, #tpu.memory_space<semaphore_mem>>)
          %add3A_127 = arith.constant 1 : i32
          %add3A_128 = arith.addi %add3A_110, %add3A_127 : i32
          %dma_start3A_129 = arith.constant 1 : i32
          %dma_start3A_130 = arith.constant 1 : i32
          %dma_start3A_131 = arith.constant 0 : i32
          %dma_start3A_132 = arith.constant 0 : i32
          %dma_start3A_133 = tpu.memref_slice %arg7[%dma_start3A_129, %dma_start3A_131, %dma_start3A_132] : memref<8x128x1xf32, #tpu.memory_space<vmem>> -> memref<1x128x1xf32, #tpu.memory_space<vmem>>
          %dma_start3A_134 = tpu.memref_squeeze %dma_start3A_133 : memref<1x128x1xf32, #tpu.memory_space<vmem>> -> memref<128x1xf32, #tpu.memory_space<vmem>>
          %dma_start3A_135 = arith.constant 0 : i32
          %dma_start3A_136 = tpu.memref_slice %arg5[%rem3A_60, %add3A_128, %dma_start3A_135] : memref<2x40x128xi32, #tpu.memory_space<vmem>> -> memref<1x1x128xi32, #tpu.memory_space<vmem>>
          %dma_start3A_137 = tpu.memref_squeeze %dma_start3A_136 : memref<1x1x128xi32, #tpu.memory_space<vmem>> -> memref<128xi32, #tpu.memory_space<vmem>>
          %dma_start3A_138 = arith.constant 0 : i32
          %dma_start3A_139 = arith.constant 0 : i32
          %dma_start3A_140 = tpu.memref_slice %arg8[%dma_start3A_138, %dma_start3A_139] : memref<100352x1xf32, #tpu.memory_space<vmem_shared>> -> memref<100352x1xf32, #tpu.memory_space<vmem_shared>>
          %dma_start3A_141 = tpu.memref_slice %arg10[%dma_start3A_130] : memref<8x!tpu.dma_semaphore, #tpu.memory_space<semaphore_mem>> -> memref<1x!tpu.dma_semaphore, #tpu.memory_space<semaphore_mem>>
          %dma_start3A_142 = tpu.memref_squeeze %dma_start3A_141 : memref<1x!tpu.dma_semaphore, #tpu.memory_space<semaphore_mem>> -> memref<!tpu.dma_semaphore, #tpu.memory_space<semaphore_mem>>
          tpu.enqueue_indirect_dma source(%dma_start3A_140 : memref<100352x1xf32, #tpu.memory_space<vmem_shared>>) target(%dma_start3A_134 : memref<128x1xf32, #tpu.memory_space<vmem>>) offsets(%dma_start3A_137 : memref<128xi32, #tpu.memory_space<vmem>>) semaphore(%dma_start3A_142 : memref<!tpu.dma_semaphore, #tpu.memory_space<semaphore_mem>>)
          %add3A_143 = arith.constant 2 : i32
          %add3A_144 = arith.addi %add3A_110, %add3A_143 : i32
          %dma_start3A_145 = arith.constant 2 : i32
          %dma_start3A_146 = arith.constant 2 : i32
          %dma_start3A_147 = arith.constant 0 : i32
          %dma_start3A_148 = arith.constant 0 : i32
          %dma_start3A_149 = tpu.memref_slice %arg7[%dma_start3A_145, %dma_start3A_147, %dma_start3A_148] : memref<8x128x1xf32, #tpu.memory_space<vmem>> -> memref<1x128x1xf32, #tpu.memory_space<vmem>>
          %dma_start3A_150 = tpu.memref_squeeze %dma_start3A_149 : memref<1x128x1xf32, #tpu.memory_space<vmem>> -> memref<128x1xf32, #tpu.memory_space<vmem>>
          %dma_start3A_151 = arith.constant 0 : i32
          %dma_start3A_152 = tpu.memref_slice %arg5[%rem3A_60, %add3A_144, %dma_start3A_151] : memref<2x40x128xi32, #tpu.memory_space<vmem>> -> memref<1x1x128xi32, #tpu.memory_space<vmem>>
          %dma_start3A_153 = tpu.memref_squeeze %dma_start3A_152 : memref<1x1x128xi32, #tpu.memory_space<vmem>> -> memref<128xi32, #tpu.memory_space<vmem>>
          %dma_start3A_154 = arith.constant 0 : i32
          %dma_start3A_155 = arith.constant 0 : i32
          %dma_start3A_156 = tpu.memref_slice %arg8[%dma_start3A_154, %dma_start3A_155] : memref<100352x1xf32, #tpu.memory_space<vmem_shared>> -> memref<100352x1xf32, #tpu.memory_space<vmem_shared>>
          %dma_start3A_157 = tpu.memref_slice %arg10[%dma_start3A_146] : memref<8x!tpu.dma_semaphore, #tpu.memory_space<semaphore_mem>> -> memref<1x!tpu.dma_semaphore, #tpu.memory_space<semaphore_mem>>
          %dma_start3A_158 = tpu.memref_squeeze %dma_start3A_157 : memref<1x!tpu.dma_semaphore, #tpu.memory_space<semaphore_mem>> -> memref<!tpu.dma_semaphore, #tpu.memory_space<semaphore_mem>>
          tpu.enqueue_indirect_dma source(%dma_start3A_156 : memref<100352x1xf32, #tpu.memory_space<vmem_shared>>) target(%dma_start3A_150 : memref<128x1xf32, #tpu.memory_space<vmem>>) offsets(%dma_start3A_153 : memref<128xi32, #tpu.memory_space<vmem>>) semaphore(%dma_start3A_158 : memref<!tpu.dma_semaphore, #tpu.memory_space<semaphore_mem>>)
          %add3A_159 = arith.constant 3 : i32
          %add3A_160 = arith.addi %add3A_110, %add3A_159 : i32
          %dma_start3A_161 = arith.constant 3 : i32
          %dma_start3A_162 = arith.constant 3 : i32
          %dma_start3A_163 = arith.constant 0 : i32
          %dma_start3A_164 = arith.constant 0 : i32
          %dma_start3A_165 = tpu.memref_slice %arg7[%dma_start3A_161, %dma_start3A_163, %dma_start3A_164] : memref<8x128x1xf32, #tpu.memory_space<vmem>> -> memref<1x128x1xf32, #tpu.memory_space<vmem>>
          %dma_start3A_166 = tpu.memref_squeeze %dma_start3A_165 : memref<1x128x1xf32, #tpu.memory_space<vmem>> -> memref<128x1xf32, #tpu.memory_space<vmem>>
          %dma_start3A_167 = arith.constant 0 : i32
          %dma_start3A_168 = tpu.memref_slice %arg5[%rem3A_60, %add3A_160, %dma_start3A_167] : memref<2x40x128xi32, #tpu.memory_space<vmem>> -> memref<1x1x128xi32, #tpu.memory_space<vmem>>
          %dma_start3A_169 = tpu.memref_squeeze %dma_start3A_168 : memref<1x1x128xi32, #tpu.memory_space<vmem>> -> memref<128xi32, #tpu.memory_space<vmem>>
          %dma_start3A_170 = arith.constant 0 : i32
          %dma_start3A_171 = arith.constant 0 : i32
          %dma_start3A_172 = tpu.memref_slice %arg8[%dma_start3A_170, %dma_start3A_171] : memref<100352x1xf32, #tpu.memory_space<vmem_shared>> -> memref<100352x1xf32, #tpu.memory_space<vmem_shared>>
          %dma_start3A_173 = tpu.memref_slice %arg10[%dma_start3A_162] : memref<8x!tpu.dma_semaphore, #tpu.memory_space<semaphore_mem>> -> memref<1x!tpu.dma_semaphore, #tpu.memory_space<semaphore_mem>>
          %dma_start3A_174 = tpu.memref_squeeze %dma_start3A_173 : memref<1x!tpu.dma_semaphore, #tpu.memory_space<semaphore_mem>> -> memref<!tpu.dma_semaphore, #tpu.memory_space<semaphore_mem>>
          tpu.enqueue_indirect_dma source(%dma_start3A_172 : memref<100352x1xf32, #tpu.memory_space<vmem_shared>>) target(%dma_start3A_166 : memref<128x1xf32, #tpu.memory_space<vmem>>) offsets(%dma_start3A_169 : memref<128xi32, #tpu.memory_space<vmem>>) semaphore(%dma_start3A_174 : memref<!tpu.dma_semaphore, #tpu.memory_space<semaphore_mem>>)
          %add3A_175 = arith.constant 4 : i32
          %add3A_176 = arith.addi %add3A_110, %add3A_175 : i32
          %dma_start3A_177 = arith.constant 4 : i32
          %dma_start3A_178 = arith.constant 4 : i32
          %dma_start3A_179 = arith.constant 0 : i32
          %dma_start3A_180 = arith.constant 0 : i32
          %dma_start3A_181 = tpu.memref_slice %arg7[%dma_start3A_177, %dma_start3A_179, %dma_start3A_180] : memref<8x128x1xf32, #tpu.memory_space<vmem>> -> memref<1x128x1xf32, #tpu.memory_space<vmem>>
          %dma_start3A_182 = tpu.memref_squeeze %dma_start3A_181 : memref<1x128x1xf32, #tpu.memory_space<vmem>> -> memref<128x1xf32, #tpu.memory_space<vmem>>
          %dma_start3A_183 = arith.constant 0 : i32
          %dma_start3A_184 = tpu.memref_slice %arg5[%rem3A_60, %add3A_176, %dma_start3A_183] : memref<2x40x128xi32, #tpu.memory_space<vmem>> -> memref<1x1x128xi32, #tpu.memory_space<vmem>>
          %dma_start3A_185 = tpu.memref_squeeze %dma_start3A_184 : memref<1x1x128xi32, #tpu.memory_space<vmem>> -> memref<128xi32, #tpu.memory_space<vmem>>
          %dma_start3A_186 = arith.constant 0 : i32
          %dma_start3A_187 = arith.constant 0 : i32
          %dma_start3A_188 = tpu.memref_slice %arg8[%dma_start3A_186, %dma_start3A_187] : memref<100352x1xf32, #tpu.memory_space<vmem_shared>> -> memref<100352x1xf32, #tpu.memory_space<vmem_shared>>
          %dma_start3A_189 = tpu.memref_slice %arg10[%dma_start3A_178] : memref<8x!tpu.dma_semaphore, #tpu.memory_space<semaphore_mem>> -> memref<1x!tpu.dma_semaphore, #tpu.memory_space<semaphore_mem>>
          %dma_start3A_190 = tpu.memref_squeeze %dma_start3A_189 : memref<1x!tpu.dma_semaphore, #tpu.memory_space<semaphore_mem>> -> memref<!tpu.dma_semaphore, #tpu.memory_space<semaphore_mem>>
          tpu.enqueue_indirect_dma source(%dma_start3A_188 : memref<100352x1xf32, #tpu.memory_space<vmem_shared>>) target(%dma_start3A_182 : memref<128x1xf32, #tpu.memory_space<vmem>>) offsets(%dma_start3A_185 : memref<128xi32, #tpu.memory_space<vmem>>) semaphore(%dma_start3A_190 : memref<!tpu.dma_semaphore, #tpu.memory_space<semaphore_mem>>)
          %add3A_191 = arith.constant 5 : i32
          %add3A_192 = arith.addi %add3A_110, %add3A_191 : i32
          %dma_start3A_193 = arith.constant 5 : i32
          %dma_start3A_194 = arith.constant 5 : i32
          %dma_start3A_195 = arith.constant 0 : i32
          %dma_start3A_196 = arith.constant 0 : i32
          %dma_start3A_197 = tpu.memref_slice %arg7[%dma_start3A_193, %dma_start3A_195, %dma_start3A_196] : memref<8x128x1xf32, #tpu.memory_space<vmem>> -> memref<1x128x1xf32, #tpu.memory_space<vmem>>
          %dma_start3A_198 = tpu.memref_squeeze %dma_start3A_197 : memref<1x128x1xf32, #tpu.memory_space<vmem>> -> memref<128x1xf32, #tpu.memory_space<vmem>>
          %dma_start3A_199 = arith.constant 0 : i32
          %dma_start3A_200 = tpu.memref_slice %arg5[%rem3A_60, %add3A_192, %dma_start3A_199] : memref<2x40x128xi32, #tpu.memory_space<vmem>> -> memref<1x1x128xi32, #tpu.memory_space<vmem>>
          %dma_start3A_201 = tpu.memref_squeeze %dma_start3A_200 : memref<1x1x128xi32, #tpu.memory_space<vmem>> -> memref<128xi32, #tpu.memory_space<vmem>>
          %dma_start3A_202 = arith.constant 0 : i32
          %dma_start3A_203 = arith.constant 0 : i32
          %dma_start3A_204 = tpu.memref_slice %arg8[%dma_start3A_202, %dma_start3A_203] : memref<100352x1xf32, #tpu.memory_space<vmem_shared>> -> memref<100352x1xf32, #tpu.memory_space<vmem_shared>>
          %dma_start3A_205 = tpu.memref_slice %arg10[%dma_start3A_194] : memref<8x!tpu.dma_semaphore, #tpu.memory_space<semaphore_mem>> -> memref<1x!tpu.dma_semaphore, #tpu.memory_space<semaphore_mem>>
          %dma_start3A_206 = tpu.memref_squeeze %dma_start3A_205 : memref<1x!tpu.dma_semaphore, #tpu.memory_space<semaphore_mem>> -> memref<!tpu.dma_semaphore, #tpu.memory_space<semaphore_mem>>
          tpu.enqueue_indirect_dma source(%dma_start3A_204 : memref<100352x1xf32, #tpu.memory_space<vmem_shared>>) target(%dma_start3A_198 : memref<128x1xf32, #tpu.memory_space<vmem>>) offsets(%dma_start3A_201 : memref<128xi32, #tpu.memory_space<vmem>>) semaphore(%dma_start3A_206 : memref<!tpu.dma_semaphore, #tpu.memory_space<semaphore_mem>>)
          %add3A_207 = arith.constant 6 : i32
          %add3A_208 = arith.addi %add3A_110, %add3A_207 : i32
          %dma_start3A_209 = arith.constant 6 : i32
          %dma_start3A_210 = arith.constant 6 : i32
          %dma_start3A_211 = arith.constant 0 : i32
          %dma_start3A_212 = arith.constant 0 : i32
          %dma_start3A_213 = tpu.memref_slice %arg7[%dma_start3A_209, %dma_start3A_211, %dma_start3A_212] : memref<8x128x1xf32, #tpu.memory_space<vmem>> -> memref<1x128x1xf32, #tpu.memory_space<vmem>>
          %dma_start3A_214 = tpu.memref_squeeze %dma_start3A_213 : memref<1x128x1xf32, #tpu.memory_space<vmem>> -> memref<128x1xf32, #tpu.memory_space<vmem>>
          %dma_start3A_215 = arith.constant 0 : i32
          %dma_start3A_216 = tpu.memref_slice %arg5[%rem3A_60, %add3A_208, %dma_start3A_215] : memref<2x40x128xi32, #tpu.memory_space<vmem>> -> memref<1x1x128xi32, #tpu.memory_space<vmem>>
          %dma_start3A_217 = tpu.memref_squeeze %dma_start3A_216 : memref<1x1x128xi32, #tpu.memory_space<vmem>> -> memref<128xi32, #tpu.memory_space<vmem>>
          %dma_start3A_218 = arith.constant 0 : i32
          %dma_start3A_219 = arith.constant 0 : i32
          %dma_start3A_220 = tpu.memref_slice %arg8[%dma_start3A_218, %dma_start3A_219] : memref<100352x1xf32, #tpu.memory_space<vmem_shared>> -> memref<100352x1xf32, #tpu.memory_space<vmem_shared>>
          %dma_start3A_221 = tpu.memref_slice %arg10[%dma_start3A_210] : memref<8x!tpu.dma_semaphore, #tpu.memory_space<semaphore_mem>> -> memref<1x!tpu.dma_semaphore, #tpu.memory_space<semaphore_mem>>
          %dma_start3A_222 = tpu.memref_squeeze %dma_start3A_221 : memref<1x!tpu.dma_semaphore, #tpu.memory_space<semaphore_mem>> -> memref<!tpu.dma_semaphore, #tpu.memory_space<semaphore_mem>>
          tpu.enqueue_indirect_dma source(%dma_start3A_220 : memref<100352x1xf32, #tpu.memory_space<vmem_shared>>) target(%dma_start3A_214 : memref<128x1xf32, #tpu.memory_space<vmem>>) offsets(%dma_start3A_217 : memref<128xi32, #tpu.memory_space<vmem>>) semaphore(%dma_start3A_222 : memref<!tpu.dma_semaphore, #tpu.memory_space<semaphore_mem>>)
          %add3A_223 = arith.constant 7 : i32
          %add3A_224 = arith.addi %add3A_110, %add3A_223 : i32
          %dma_start3A_225 = arith.constant 7 : i32
          %dma_start3A_226 = arith.constant 7 : i32
          %dma_start3A_227 = arith.constant 0 : i32
          %dma_start3A_228 = arith.constant 0 : i32
          %dma_start3A_229 = tpu.memref_slice %arg7[%dma_start3A_225, %dma_start3A_227, %dma_start3A_228] : memref<8x128x1xf32, #tpu.memory_space<vmem>> -> memref<1x128x1xf32, #tpu.memory_space<vmem>>
          %dma_start3A_230 = tpu.memref_squeeze %dma_start3A_229 : memref<1x128x1xf32, #tpu.memory_space<vmem>> -> memref<128x1xf32, #tpu.memory_space<vmem>>
          %dma_start3A_231 = arith.constant 0 : i32
          %dma_start3A_232 = tpu.memref_slice %arg5[%rem3A_60, %add3A_224, %dma_start3A_231] : memref<2x40x128xi32, #tpu.memory_space<vmem>> -> memref<1x1x128xi32, #tpu.memory_space<vmem>>
          %dma_start3A_233 = tpu.memref_squeeze %dma_start3A_232 : memref<1x1x128xi32, #tpu.memory_space<vmem>> -> memref<128xi32, #tpu.memory_space<vmem>>
          %dma_start3A_234 = arith.constant 0 : i32
          %dma_start3A_235 = arith.constant 0 : i32
          %dma_start3A_236 = tpu.memref_slice %arg8[%dma_start3A_234, %dma_start3A_235] : memref<100352x1xf32, #tpu.memory_space<vmem_shared>> -> memref<100352x1xf32, #tpu.memory_space<vmem_shared>>
          %dma_start3A_237 = tpu.memref_slice %arg10[%dma_start3A_226] : memref<8x!tpu.dma_semaphore, #tpu.memory_space<semaphore_mem>> -> memref<1x!tpu.dma_semaphore, #tpu.memory_space<semaphore_mem>>
          %dma_start3A_238 = tpu.memref_squeeze %dma_start3A_237 : memref<1x!tpu.dma_semaphore, #tpu.memory_space<semaphore_mem>> -> memref<!tpu.dma_semaphore, #tpu.memory_space<semaphore_mem>>
          tpu.enqueue_indirect_dma source(%dma_start3A_236 : memref<100352x1xf32, #tpu.memory_space<vmem_shared>>) target(%dma_start3A_230 : memref<128x1xf32, #tpu.memory_space<vmem>>) offsets(%dma_start3A_233 : memref<128xi32, #tpu.memory_space<vmem>>) semaphore(%dma_start3A_238 : memref<!tpu.dma_semaphore, #tpu.memory_space<semaphore_mem>>)
          %dma_wait3A_239 = arith.constant 0 : i32
          %dma_wait3A_240 = arith.constant 0 : i32
          %dma_wait3A_241 = arith.constant 0 : i32
          %dma_wait3A_242 = arith.constant 0 : i32
          %dma_wait3A_243 = tpu.memref_slice %arg7[%dma_wait3A_239, %dma_wait3A_241, %dma_wait3A_242] : memref<8x128x1xf32, #tpu.memory_space<vmem>> -> memref<1x128x1xf32, #tpu.memory_space<vmem>>
          %dma_wait3A_244 = tpu.memref_squeeze %dma_wait3A_243 : memref<1x128x1xf32, #tpu.memory_space<vmem>> -> memref<128x1xf32, #tpu.memory_space<vmem>>
          %dma_wait3A_245 = arith.constant 0 : i32
          %dma_wait3A_246 = tpu.memref_slice %arg5[%rem3A_60, %add3A_112, %dma_wait3A_245] : memref<2x40x128xi32, #tpu.memory_space<vmem>> -> memref<1x1x128xi32, #tpu.memory_space<vmem>>
          %dma_wait3A_247 = tpu.memref_squeeze %dma_wait3A_246 : memref<1x1x128xi32, #tpu.memory_space<vmem>> -> memref<128xi32, #tpu.memory_space<vmem>>
          %dma_wait3A_248 = arith.constant 0 : i32
          %dma_wait3A_249 = arith.constant 0 : i32
          %dma_wait3A_250 = tpu.memref_slice %arg8[%dma_wait3A_248, %dma_wait3A_249] : memref<100352x1xf32, #tpu.memory_space<vmem_shared>> -> memref<100352x1xf32, #tpu.memory_space<vmem_shared>>
          %dma_wait3A_251 = tpu.memref_slice %arg10[%dma_wait3A_240] : memref<8x!tpu.dma_semaphore, #tpu.memory_space<semaphore_mem>> -> memref<1x!tpu.dma_semaphore, #tpu.memory_space<semaphore_mem>>
          %dma_wait3A_252 = tpu.memref_squeeze %dma_wait3A_251 : memref<1x!tpu.dma_semaphore, #tpu.memory_space<semaphore_mem>> -> memref<!tpu.dma_semaphore, #tpu.memory_space<semaphore_mem>>
          tpu.wait_indirect_dma semaphore(%dma_wait3A_252 : memref<!tpu.dma_semaphore, #tpu.memory_space<semaphore_mem>>) src(%dma_wait3A_250 : memref<100352x1xf32, #tpu.memory_space<vmem_shared>>) dst(%dma_wait3A_244 : memref<128x1xf32, #tpu.memory_space<vmem>>)
          %add3A_253 = arith.constant 0 : i32
          %add3A_254 = arith.addi %add3A_110, %add3A_253 : i32
          %dma_start3A_255 = arith.constant 0 : i32
          %dma_start3A_256 = arith.constant 0 : i32
          %dma_start3A_257 = arith.constant 0 : i32
          %dma_start3A_258 = tpu.memref_slice %arg7[%dma_start3A_255, %dma_start3A_256, %dma_start3A_257] : memref<8x128x1xf32, #tpu.memory_space<vmem>> -> memref<1x128x1xf32, #tpu.memory_space<vmem>>
          %dma_start3A_259 = tpu.memref_squeeze %dma_start3A_258 : memref<1x128x1xf32, #tpu.memory_space<vmem>> -> memref<128x1xf32, #tpu.memory_space<vmem>>
          %dma_start3A_260 = arith.constant 0 : i32
          %dma_start3A_261 = tpu.memref_slice %arg6[%rem3A_60, %add3A_254, %dma_start3A_260] : memref<2x40x128xi32, #tpu.memory_space<vmem>> -> memref<1x1x128xi32, #tpu.memory_space<vmem>>
          %dma_start3A_262 = tpu.memref_squeeze %dma_start3A_261 : memref<1x1x128xi32, #tpu.memory_space<vmem>> -> memref<128xi32, #tpu.memory_space<vmem>>
          %dma_start3A_263 = arith.constant 0 : i32
          %dma_start3A_264 = arith.constant 0 : i32
          %dma_start3A_265 = tpu.memref_slice %arg9[%dma_start3A_263, %dma_start3A_264] : memref<100352x1xf32, #tpu.memory_space<vmem_shared>> -> memref<100352x1xf32, #tpu.memory_space<vmem_shared>>
          tpu.enqueue_indirect_dma source(%dma_start3A_259 : memref<128x1xf32, #tpu.memory_space<vmem>>) target(%dma_start3A_265 : memref<100352x1xf32, #tpu.memory_space<vmem_shared>>) offsets(%dma_start3A_262 : memref<128xi32, #tpu.memory_space<vmem>>) semaphore(%arg11 : memref<!tpu.dma_semaphore, #tpu.memory_space<semaphore_mem>>) {add = true}
          %dma_wait3A_266 = arith.constant 1 : i32
          %dma_wait3A_267 = arith.constant 1 : i32
          %dma_wait3A_268 = arith.constant 0 : i32
          %dma_wait3A_269 = arith.constant 0 : i32
          %dma_wait3A_270 = tpu.memref_slice %arg7[%dma_wait3A_266, %dma_wait3A_268, %dma_wait3A_269] : memref<8x128x1xf32, #tpu.memory_space<vmem>> -> memref<1x128x1xf32, #tpu.memory_space<vmem>>
          %dma_wait3A_271 = tpu.memref_squeeze %dma_wait3A_270 : memref<1x128x1xf32, #tpu.memory_space<vmem>> -> memref<128x1xf32, #tpu.memory_space<vmem>>
          %dma_wait3A_272 = arith.constant 0 : i32
          %dma_wait3A_273 = tpu.memref_slice %arg5[%rem3A_60, %add3A_128, %dma_wait3A_272] : memref<2x40x128xi32, #tpu.memory_space<vmem>> -> memref<1x1x128xi32, #tpu.memory_space<vmem>>
          %dma_wait3A_274 = tpu.memref_squeeze %dma_wait3A_273 : memref<1x1x128xi32, #tpu.memory_space<vmem>> -> memref<128xi32, #tpu.memory_space<vmem>>
          %dma_wait3A_275 = arith.constant 0 : i32
          %dma_wait3A_276 = arith.constant 0 : i32
          %dma_wait3A_277 = tpu.memref_slice %arg8[%dma_wait3A_275, %dma_wait3A_276] : memref<100352x1xf32, #tpu.memory_space<vmem_shared>> -> memref<100352x1xf32, #tpu.memory_space<vmem_shared>>
          %dma_wait3A_278 = tpu.memref_slice %arg10[%dma_wait3A_267] : memref<8x!tpu.dma_semaphore, #tpu.memory_space<semaphore_mem>> -> memref<1x!tpu.dma_semaphore, #tpu.memory_space<semaphore_mem>>
          %dma_wait3A_279 = tpu.memref_squeeze %dma_wait3A_278 : memref<1x!tpu.dma_semaphore, #tpu.memory_space<semaphore_mem>> -> memref<!tpu.dma_semaphore, #tpu.memory_space<semaphore_mem>>
          tpu.wait_indirect_dma semaphore(%dma_wait3A_279 : memref<!tpu.dma_semaphore, #tpu.memory_space<semaphore_mem>>) src(%dma_wait3A_277 : memref<100352x1xf32, #tpu.memory_space<vmem_shared>>) dst(%dma_wait3A_271 : memref<128x1xf32, #tpu.memory_space<vmem>>)
          %add3A_280 = arith.constant 1 : i32
          %add3A_281 = arith.addi %add3A_110, %add3A_280 : i32
          %dma_start3A_282 = arith.constant 1 : i32
          %dma_start3A_283 = arith.constant 0 : i32
          %dma_start3A_284 = arith.constant 0 : i32
          %dma_start3A_285 = tpu.memref_slice %arg7[%dma_start3A_282, %dma_start3A_283, %dma_start3A_284] : memref<8x128x1xf32, #tpu.memory_space<vmem>> -> memref<1x128x1xf32, #tpu.memory_space<vmem>>
          %dma_start3A_286 = tpu.memref_squeeze %dma_start3A_285 : memref<1x128x1xf32, #tpu.memory_space<vmem>> -> memref<128x1xf32, #tpu.memory_space<vmem>>
          %dma_start3A_287 = arith.constant 0 : i32
          %dma_start3A_288 = tpu.memref_slice %arg6[%rem3A_60, %add3A_281, %dma_start3A_287] : memref<2x40x128xi32, #tpu.memory_space<vmem>> -> memref<1x1x128xi32, #tpu.memory_space<vmem>>
          %dma_start3A_289 = tpu.memref_squeeze %dma_start3A_288 : memref<1x1x128xi32, #tpu.memory_space<vmem>> -> memref<128xi32, #tpu.memory_space<vmem>>
          %dma_start3A_290 = arith.constant 0 : i32
          %dma_start3A_291 = arith.constant 0 : i32
          %dma_start3A_292 = tpu.memref_slice %arg9[%dma_start3A_290, %dma_start3A_291] : memref<100352x1xf32, #tpu.memory_space<vmem_shared>> -> memref<100352x1xf32, #tpu.memory_space<vmem_shared>>
          tpu.enqueue_indirect_dma source(%dma_start3A_286 : memref<128x1xf32, #tpu.memory_space<vmem>>) target(%dma_start3A_292 : memref<100352x1xf32, #tpu.memory_space<vmem_shared>>) offsets(%dma_start3A_289 : memref<128xi32, #tpu.memory_space<vmem>>) semaphore(%arg11 : memref<!tpu.dma_semaphore, #tpu.memory_space<semaphore_mem>>) {add = true}
          %dma_wait3A_293 = arith.constant 2 : i32
          %dma_wait3A_294 = arith.constant 2 : i32
          %dma_wait3A_295 = arith.constant 0 : i32
          %dma_wait3A_296 = arith.constant 0 : i32
          %dma_wait3A_297 = tpu.memref_slice %arg7[%dma_wait3A_293, %dma_wait3A_295, %dma_wait3A_296] : memref<8x128x1xf32, #tpu.memory_space<vmem>> -> memref<1x128x1xf32, #tpu.memory_space<vmem>>
          %dma_wait3A_298 = tpu.memref_squeeze %dma_wait3A_297 : memref<1x128x1xf32, #tpu.memory_space<vmem>> -> memref<128x1xf32, #tpu.memory_space<vmem>>
          %dma_wait3A_299 = arith.constant 0 : i32
          %dma_wait3A_300 = tpu.memref_slice %arg5[%rem3A_60, %add3A_144, %dma_wait3A_299] : memref<2x40x128xi32, #tpu.memory_space<vmem>> -> memref<1x1x128xi32, #tpu.memory_space<vmem>>
          %dma_wait3A_301 = tpu.memref_squeeze %dma_wait3A_300 : memref<1x1x128xi32, #tpu.memory_space<vmem>> -> memref<128xi32, #tpu.memory_space<vmem>>
          %dma_wait3A_302 = arith.constant 0 : i32
          %dma_wait3A_303 = arith.constant 0 : i32
          %dma_wait3A_304 = tpu.memref_slice %arg8[%dma_wait3A_302, %dma_wait3A_303] : memref<100352x1xf32, #tpu.memory_space<vmem_shared>> -> memref<100352x1xf32, #tpu.memory_space<vmem_shared>>
          %dma_wait3A_305 = tpu.memref_slice %arg10[%dma_wait3A_294] : memref<8x!tpu.dma_semaphore, #tpu.memory_space<semaphore_mem>> -> memref<1x!tpu.dma_semaphore, #tpu.memory_space<semaphore_mem>>
          %dma_wait3A_306 = tpu.memref_squeeze %dma_wait3A_305 : memref<1x!tpu.dma_semaphore, #tpu.memory_space<semaphore_mem>> -> memref<!tpu.dma_semaphore, #tpu.memory_space<semaphore_mem>>
          tpu.wait_indirect_dma semaphore(%dma_wait3A_306 : memref<!tpu.dma_semaphore, #tpu.memory_space<semaphore_mem>>) src(%dma_wait3A_304 : memref<100352x1xf32, #tpu.memory_space<vmem_shared>>) dst(%dma_wait3A_298 : memref<128x1xf32, #tpu.memory_space<vmem>>)
          %add3A_307 = arith.constant 2 : i32
          %add3A_308 = arith.addi %add3A_110, %add3A_307 : i32
          %dma_start3A_309 = arith.constant 2 : i32
          %dma_start3A_310 = arith.constant 0 : i32
          %dma_start3A_311 = arith.constant 0 : i32
          %dma_start3A_312 = tpu.memref_slice %arg7[%dma_start3A_309, %dma_start3A_310, %dma_start3A_311] : memref<8x128x1xf32, #tpu.memory_space<vmem>> -> memref<1x128x1xf32, #tpu.memory_space<vmem>>
          %dma_start3A_313 = tpu.memref_squeeze %dma_start3A_312 : memref<1x128x1xf32, #tpu.memory_space<vmem>> -> memref<128x1xf32, #tpu.memory_space<vmem>>
          %dma_start3A_314 = arith.constant 0 : i32
          %dma_start3A_315 = tpu.memref_slice %arg6[%rem3A_60, %add3A_308, %dma_start3A_314] : memref<2x40x128xi32, #tpu.memory_space<vmem>> -> memref<1x1x128xi32, #tpu.memory_space<vmem>>
          %dma_start3A_316 = tpu.memref_squeeze %dma_start3A_315 : memref<1x1x128xi32, #tpu.memory_space<vmem>> -> memref<128xi32, #tpu.memory_space<vmem>>
          %dma_start3A_317 = arith.constant 0 : i32
          %dma_start3A_318 = arith.constant 0 : i32
          %dma_start3A_319 = tpu.memref_slice %arg9[%dma_start3A_317, %dma_start3A_318] : memref<100352x1xf32, #tpu.memory_space<vmem_shared>> -> memref<100352x1xf32, #tpu.memory_space<vmem_shared>>
          tpu.enqueue_indirect_dma source(%dma_start3A_313 : memref<128x1xf32, #tpu.memory_space<vmem>>) target(%dma_start3A_319 : memref<100352x1xf32, #tpu.memory_space<vmem_shared>>) offsets(%dma_start3A_316 : memref<128xi32, #tpu.memory_space<vmem>>) semaphore(%arg11 : memref<!tpu.dma_semaphore, #tpu.memory_space<semaphore_mem>>) {add = true}
          %dma_wait3A_320 = arith.constant 3 : i32
          %dma_wait3A_321 = arith.constant 3 : i32
          %dma_wait3A_322 = arith.constant 0 : i32
          %dma_wait3A_323 = arith.constant 0 : i32
          %dma_wait3A_324 = tpu.memref_slice %arg7[%dma_wait3A_320, %dma_wait3A_322, %dma_wait3A_323] : memref<8x128x1xf32, #tpu.memory_space<vmem>> -> memref<1x128x1xf32, #tpu.memory_space<vmem>>
          %dma_wait3A_325 = tpu.memref_squeeze %dma_wait3A_324 : memref<1x128x1xf32, #tpu.memory_space<vmem>> -> memref<128x1xf32, #tpu.memory_space<vmem>>
          %dma_wait3A_326 = arith.constant 0 : i32
          %dma_wait3A_327 = tpu.memref_slice %arg5[%rem3A_60, %add3A_160, %dma_wait3A_326] : memref<2x40x128xi32, #tpu.memory_space<vmem>> -> memref<1x1x128xi32, #tpu.memory_space<vmem>>
          %dma_wait3A_328 = tpu.memref_squeeze %dma_wait3A_327 : memref<1x1x128xi32, #tpu.memory_space<vmem>> -> memref<128xi32, #tpu.memory_space<vmem>>
          %dma_wait3A_329 = arith.constant 0 : i32
          %dma_wait3A_330 = arith.constant 0 : i32
          %dma_wait3A_331 = tpu.memref_slice %arg8[%dma_wait3A_329, %dma_wait3A_330] : memref<100352x1xf32, #tpu.memory_space<vmem_shared>> -> memref<100352x1xf32, #tpu.memory_space<vmem_shared>>
          %dma_wait3A_332 = tpu.memref_slice %arg10[%dma_wait3A_321] : memref<8x!tpu.dma_semaphore, #tpu.memory_space<semaphore_mem>> -> memref<1x!tpu.dma_semaphore, #tpu.memory_space<semaphore_mem>>
          %dma_wait3A_333 = tpu.memref_squeeze %dma_wait3A_332 : memref<1x!tpu.dma_semaphore, #tpu.memory_space<semaphore_mem>> -> memref<!tpu.dma_semaphore, #tpu.memory_space<semaphore_mem>>
          tpu.wait_indirect_dma semaphore(%dma_wait3A_333 : memref<!tpu.dma_semaphore, #tpu.memory_space<semaphore_mem>>) src(%dma_wait3A_331 : memref<100352x1xf32, #tpu.memory_space<vmem_shared>>) dst(%dma_wait3A_325 : memref<128x1xf32, #tpu.memory_space<vmem>>)
          %add3A_334 = arith.constant 3 : i32
          %add3A_335 = arith.addi %add3A_110, %add3A_334 : i32
          %dma_start3A_336 = arith.constant 3 : i32
          %dma_start3A_337 = arith.constant 0 : i32
          %dma_start3A_338 = arith.constant 0 : i32
          %dma_start3A_339 = tpu.memref_slice %arg7[%dma_start3A_336, %dma_start3A_337, %dma_start3A_338] : memref<8x128x1xf32, #tpu.memory_space<vmem>> -> memref<1x128x1xf32, #tpu.memory_space<vmem>>
          %dma_start3A_340 = tpu.memref_squeeze %dma_start3A_339 : memref<1x128x1xf32, #tpu.memory_space<vmem>> -> memref<128x1xf32, #tpu.memory_space<vmem>>
          %dma_start3A_341 = arith.constant 0 : i32
          %dma_start3A_342 = tpu.memref_slice %arg6[%rem3A_60, %add3A_335, %dma_start3A_341] : memref<2x40x128xi32, #tpu.memory_space<vmem>> -> memref<1x1x128xi32, #tpu.memory_space<vmem>>
          %dma_start3A_343 = tpu.memref_squeeze %dma_start3A_342 : memref<1x1x128xi32, #tpu.memory_space<vmem>> -> memref<128xi32, #tpu.memory_space<vmem>>
          %dma_start3A_344 = arith.constant 0 : i32
          %dma_start3A_345 = arith.constant 0 : i32
          %dma_start3A_346 = tpu.memref_slice %arg9[%dma_start3A_344, %dma_start3A_345] : memref<100352x1xf32, #tpu.memory_space<vmem_shared>> -> memref<100352x1xf32, #tpu.memory_space<vmem_shared>>
          tpu.enqueue_indirect_dma source(%dma_start3A_340 : memref<128x1xf32, #tpu.memory_space<vmem>>) target(%dma_start3A_346 : memref<100352x1xf32, #tpu.memory_space<vmem_shared>>) offsets(%dma_start3A_343 : memref<128xi32, #tpu.memory_space<vmem>>) semaphore(%arg11 : memref<!tpu.dma_semaphore, #tpu.memory_space<semaphore_mem>>) {add = true}
          %dma_wait3A_347 = arith.constant 4 : i32
          %dma_wait3A_348 = arith.constant 4 : i32
          %dma_wait3A_349 = arith.constant 0 : i32
          %dma_wait3A_350 = arith.constant 0 : i32
          %dma_wait3A_351 = tpu.memref_slice %arg7[%dma_wait3A_347, %dma_wait3A_349, %dma_wait3A_350] : memref<8x128x1xf32, #tpu.memory_space<vmem>> -> memref<1x128x1xf32, #tpu.memory_space<vmem>>
          %dma_wait3A_352 = tpu.memref_squeeze %dma_wait3A_351 : memref<1x128x1xf32, #tpu.memory_space<vmem>> -> memref<128x1xf32, #tpu.memory_space<vmem>>
          %dma_wait3A_353 = arith.constant 0 : i32
          %dma_wait3A_354 = tpu.memref_slice %arg5[%rem3A_60, %add3A_176, %dma_wait3A_353] : memref<2x40x128xi32, #tpu.memory_space<vmem>> -> memref<1x1x128xi32, #tpu.memory_space<vmem>>
          %dma_wait3A_355 = tpu.memref_squeeze %dma_wait3A_354 : memref<1x1x128xi32, #tpu.memory_space<vmem>> -> memref<128xi32, #tpu.memory_space<vmem>>
          %dma_wait3A_356 = arith.constant 0 : i32
          %dma_wait3A_357 = arith.constant 0 : i32
          %dma_wait3A_358 = tpu.memref_slice %arg8[%dma_wait3A_356, %dma_wait3A_357] : memref<100352x1xf32, #tpu.memory_space<vmem_shared>> -> memref<100352x1xf32, #tpu.memory_space<vmem_shared>>
          %dma_wait3A_359 = tpu.memref_slice %arg10[%dma_wait3A_348] : memref<8x!tpu.dma_semaphore, #tpu.memory_space<semaphore_mem>> -> memref<1x!tpu.dma_semaphore, #tpu.memory_space<semaphore_mem>>
          %dma_wait3A_360 = tpu.memref_squeeze %dma_wait3A_359 : memref<1x!tpu.dma_semaphore, #tpu.memory_space<semaphore_mem>> -> memref<!tpu.dma_semaphore, #tpu.memory_space<semaphore_mem>>
          tpu.wait_indirect_dma semaphore(%dma_wait3A_360 : memref<!tpu.dma_semaphore, #tpu.memory_space<semaphore_mem>>) src(%dma_wait3A_358 : memref<100352x1xf32, #tpu.memory_space<vmem_shared>>) dst(%dma_wait3A_352 : memref<128x1xf32, #tpu.memory_space<vmem>>)
          %add3A_361 = arith.constant 4 : i32
          %add3A_362 = arith.addi %add3A_110, %add3A_361 : i32
          %dma_start3A_363 = arith.constant 4 : i32
          %dma_start3A_364 = arith.constant 0 : i32
          %dma_start3A_365 = arith.constant 0 : i32
          %dma_start3A_366 = tpu.memref_slice %arg7[%dma_start3A_363, %dma_start3A_364, %dma_start3A_365] : memref<8x128x1xf32, #tpu.memory_space<vmem>> -> memref<1x128x1xf32, #tpu.memory_space<vmem>>
          %dma_start3A_367 = tpu.memref_squeeze %dma_start3A_366 : memref<1x128x1xf32, #tpu.memory_space<vmem>> -> memref<128x1xf32, #tpu.memory_space<vmem>>
          %dma_start3A_368 = arith.constant 0 : i32
          %dma_start3A_369 = tpu.memref_slice %arg6[%rem3A_60, %add3A_362, %dma_start3A_368] : memref<2x40x128xi32, #tpu.memory_space<vmem>> -> memref<1x1x128xi32, #tpu.memory_space<vmem>>
          %dma_start3A_370 = tpu.memref_squeeze %dma_start3A_369 : memref<1x1x128xi32, #tpu.memory_space<vmem>> -> memref<128xi32, #tpu.memory_space<vmem>>
          %dma_start3A_371 = arith.constant 0 : i32
          %dma_start3A_372 = arith.constant 0 : i32
          %dma_start3A_373 = tpu.memref_slice %arg9[%dma_start3A_371, %dma_start3A_372] : memref<100352x1xf32, #tpu.memory_space<vmem_shared>> -> memref<100352x1xf32, #tpu.memory_space<vmem_shared>>
          tpu.enqueue_indirect_dma source(%dma_start3A_367 : memref<128x1xf32, #tpu.memory_space<vmem>>) target(%dma_start3A_373 : memref<100352x1xf32, #tpu.memory_space<vmem_shared>>) offsets(%dma_start3A_370 : memref<128xi32, #tpu.memory_space<vmem>>) semaphore(%arg11 : memref<!tpu.dma_semaphore, #tpu.memory_space<semaphore_mem>>) {add = true}
          %dma_wait3A_374 = arith.constant 5 : i32
          %dma_wait3A_375 = arith.constant 5 : i32
          %dma_wait3A_376 = arith.constant 0 : i32
          %dma_wait3A_377 = arith.constant 0 : i32
          %dma_wait3A_378 = tpu.memref_slice %arg7[%dma_wait3A_374, %dma_wait3A_376, %dma_wait3A_377] : memref<8x128x1xf32, #tpu.memory_space<vmem>> -> memref<1x128x1xf32, #tpu.memory_space<vmem>>
          %dma_wait3A_379 = tpu.memref_squeeze %dma_wait3A_378 : memref<1x128x1xf32, #tpu.memory_space<vmem>> -> memref<128x1xf32, #tpu.memory_space<vmem>>
          %dma_wait3A_380 = arith.constant 0 : i32
          %dma_wait3A_381 = tpu.memref_slice %arg5[%rem3A_60, %add3A_192, %dma_wait3A_380] : memref<2x40x128xi32, #tpu.memory_space<vmem>> -> memref<1x1x128xi32, #tpu.memory_space<vmem>>
          %dma_wait3A_382 = tpu.memref_squeeze %dma_wait3A_381 : memref<1x1x128xi32, #tpu.memory_space<vmem>> -> memref<128xi32, #tpu.memory_space<vmem>>
          %dma_wait3A_383 = arith.constant 0 : i32
          %dma_wait3A_384 = arith.constant 0 : i32
          %dma_wait3A_385 = tpu.memref_slice %arg8[%dma_wait3A_383, %dma_wait3A_384] : memref<100352x1xf32, #tpu.memory_space<vmem_shared>> -> memref<100352x1xf32, #tpu.memory_space<vmem_shared>>
          %dma_wait3A_386 = tpu.memref_slice %arg10[%dma_wait3A_375] : memref<8x!tpu.dma_semaphore, #tpu.memory_space<semaphore_mem>> -> memref<1x!tpu.dma_semaphore, #tpu.memory_space<semaphore_mem>>
          %dma_wait3A_387 = tpu.memref_squeeze %dma_wait3A_386 : memref<1x!tpu.dma_semaphore, #tpu.memory_space<semaphore_mem>> -> memref<!tpu.dma_semaphore, #tpu.memory_space<semaphore_mem>>
          tpu.wait_indirect_dma semaphore(%dma_wait3A_387 : memref<!tpu.dma_semaphore, #tpu.memory_space<semaphore_mem>>) src(%dma_wait3A_385 : memref<100352x1xf32, #tpu.memory_space<vmem_shared>>) dst(%dma_wait3A_379 : memref<128x1xf32, #tpu.memory_space<vmem>>)
          %add3A_388 = arith.constant 5 : i32
          %add3A_389 = arith.addi %add3A_110, %add3A_388 : i32
          %dma_start3A_390 = arith.constant 5 : i32
          %dma_start3A_391 = arith.constant 0 : i32
          %dma_start3A_392 = arith.constant 0 : i32
          %dma_start3A_393 = tpu.memref_slice %arg7[%dma_start3A_390, %dma_start3A_391, %dma_start3A_392] : memref<8x128x1xf32, #tpu.memory_space<vmem>> -> memref<1x128x1xf32, #tpu.memory_space<vmem>>
          %dma_start3A_394 = tpu.memref_squeeze %dma_start3A_393 : memref<1x128x1xf32, #tpu.memory_space<vmem>> -> memref<128x1xf32, #tpu.memory_space<vmem>>
          %dma_start3A_395 = arith.constant 0 : i32
          %dma_start3A_396 = tpu.memref_slice %arg6[%rem3A_60, %add3A_389, %dma_start3A_395] : memref<2x40x128xi32, #tpu.memory_space<vmem>> -> memref<1x1x128xi32, #tpu.memory_space<vmem>>
          %dma_start3A_397 = tpu.memref_squeeze %dma_start3A_396 : memref<1x1x128xi32, #tpu.memory_space<vmem>> -> memref<128xi32, #tpu.memory_space<vmem>>
          %dma_start3A_398 = arith.constant 0 : i32
          %dma_start3A_399 = arith.constant 0 : i32
          %dma_start3A_400 = tpu.memref_slice %arg9[%dma_start3A_398, %dma_start3A_399] : memref<100352x1xf32, #tpu.memory_space<vmem_shared>> -> memref<100352x1xf32, #tpu.memory_space<vmem_shared>>
          tpu.enqueue_indirect_dma source(%dma_start3A_394 : memref<128x1xf32, #tpu.memory_space<vmem>>) target(%dma_start3A_400 : memref<100352x1xf32, #tpu.memory_space<vmem_shared>>) offsets(%dma_start3A_397 : memref<128xi32, #tpu.memory_space<vmem>>) semaphore(%arg11 : memref<!tpu.dma_semaphore, #tpu.memory_space<semaphore_mem>>) {add = true}
          %dma_wait3A_401 = arith.constant 6 : i32
          %dma_wait3A_402 = arith.constant 6 : i32
          %dma_wait3A_403 = arith.constant 0 : i32
          %dma_wait3A_404 = arith.constant 0 : i32
          %dma_wait3A_405 = tpu.memref_slice %arg7[%dma_wait3A_401, %dma_wait3A_403, %dma_wait3A_404] : memref<8x128x1xf32, #tpu.memory_space<vmem>> -> memref<1x128x1xf32, #tpu.memory_space<vmem>>
          %dma_wait3A_406 = tpu.memref_squeeze %dma_wait3A_405 : memref<1x128x1xf32, #tpu.memory_space<vmem>> -> memref<128x1xf32, #tpu.memory_space<vmem>>
          %dma_wait3A_407 = arith.constant 0 : i32
          %dma_wait3A_408 = tpu.memref_slice %arg5[%rem3A_60, %add3A_208, %dma_wait3A_407] : memref<2x40x128xi32, #tpu.memory_space<vmem>> -> memref<1x1x128xi32, #tpu.memory_space<vmem>>
          %dma_wait3A_409 = tpu.memref_squeeze %dma_wait3A_408 : memref<1x1x128xi32, #tpu.memory_space<vmem>> -> memref<128xi32, #tpu.memory_space<vmem>>
          %dma_wait3A_410 = arith.constant 0 : i32
          %dma_wait3A_411 = arith.constant 0 : i32
          %dma_wait3A_412 = tpu.memref_slice %arg8[%dma_wait3A_410, %dma_wait3A_411] : memref<100352x1xf32, #tpu.memory_space<vmem_shared>> -> memref<100352x1xf32, #tpu.memory_space<vmem_shared>>
          %dma_wait3A_413 = tpu.memref_slice %arg10[%dma_wait3A_402] : memref<8x!tpu.dma_semaphore, #tpu.memory_space<semaphore_mem>> -> memref<1x!tpu.dma_semaphore, #tpu.memory_space<semaphore_mem>>
          %dma_wait3A_414 = tpu.memref_squeeze %dma_wait3A_413 : memref<1x!tpu.dma_semaphore, #tpu.memory_space<semaphore_mem>> -> memref<!tpu.dma_semaphore, #tpu.memory_space<semaphore_mem>>
          tpu.wait_indirect_dma semaphore(%dma_wait3A_414 : memref<!tpu.dma_semaphore, #tpu.memory_space<semaphore_mem>>) src(%dma_wait3A_412 : memref<100352x1xf32, #tpu.memory_space<vmem_shared>>) dst(%dma_wait3A_406 : memref<128x1xf32, #tpu.memory_space<vmem>>)
          %add3A_415 = arith.constant 6 : i32
          %add3A_416 = arith.addi %add3A_110, %add3A_415 : i32
          %dma_start3A_417 = arith.constant 6 : i32
          %dma_start3A_418 = arith.constant 0 : i32
          %dma_start3A_419 = arith.constant 0 : i32
          %dma_start3A_420 = tpu.memref_slice %arg7[%dma_start3A_417, %dma_start3A_418, %dma_start3A_419] : memref<8x128x1xf32, #tpu.memory_space<vmem>> -> memref<1x128x1xf32, #tpu.memory_space<vmem>>
          %dma_start3A_421 = tpu.memref_squeeze %dma_start3A_420 : memref<1x128x1xf32, #tpu.memory_space<vmem>> -> memref<128x1xf32, #tpu.memory_space<vmem>>
          %dma_start3A_422 = arith.constant 0 : i32
          %dma_start3A_423 = tpu.memref_slice %arg6[%rem3A_60, %add3A_416, %dma_start3A_422] : memref<2x40x128xi32, #tpu.memory_space<vmem>> -> memref<1x1x128xi32, #tpu.memory_space<vmem>>
          %dma_start3A_424 = tpu.memref_squeeze %dma_start3A_423 : memref<1x1x128xi32, #tpu.memory_space<vmem>> -> memref<128xi32, #tpu.memory_space<vmem>>
          %dma_start3A_425 = arith.constant 0 : i32
          %dma_start3A_426 = arith.constant 0 : i32
          %dma_start3A_427 = tpu.memref_slice %arg9[%dma_start3A_425, %dma_start3A_426] : memref<100352x1xf32, #tpu.memory_space<vmem_shared>> -> memref<100352x1xf32, #tpu.memory_space<vmem_shared>>
          tpu.enqueue_indirect_dma source(%dma_start3A_421 : memref<128x1xf32, #tpu.memory_space<vmem>>) target(%dma_start3A_427 : memref<100352x1xf32, #tpu.memory_space<vmem_shared>>) offsets(%dma_start3A_424 : memref<128xi32, #tpu.memory_space<vmem>>) semaphore(%arg11 : memref<!tpu.dma_semaphore, #tpu.memory_space<semaphore_mem>>) {add = true}
          %dma_wait3A_428 = arith.constant 7 : i32
          %dma_wait3A_429 = arith.constant 7 : i32
          %dma_wait3A_430 = arith.constant 0 : i32
          %dma_wait3A_431 = arith.constant 0 : i32
          %dma_wait3A_432 = tpu.memref_slice %arg7[%dma_wait3A_428, %dma_wait3A_430, %dma_wait3A_431] : memref<8x128x1xf32, #tpu.memory_space<vmem>> -> memref<1x128x1xf32, #tpu.memory_space<vmem>>
          %dma_wait3A_433 = tpu.memref_squeeze %dma_wait3A_432 : memref<1x128x1xf32, #tpu.memory_space<vmem>> -> memref<128x1xf32, #tpu.memory_space<vmem>>
          %dma_wait3A_434 = arith.constant 0 : i32
          %dma_wait3A_435 = tpu.memref_slice %arg5[%rem3A_60, %add3A_224, %dma_wait3A_434] : memref<2x40x128xi32, #tpu.memory_space<vmem>> -> memref<1x1x128xi32, #tpu.memory_space<vmem>>
          %dma_wait3A_436 = tpu.memref_squeeze %dma_wait3A_435 : memref<1x1x128xi32, #tpu.memory_space<vmem>> -> memref<128xi32, #tpu.memory_space<vmem>>
          %dma_wait3A_437 = arith.constant 0 : i32
          %dma_wait3A_438 = arith.constant 0 : i32
          %dma_wait3A_439 = tpu.memref_slice %arg8[%dma_wait3A_437, %dma_wait3A_438] : memref<100352x1xf32, #tpu.memory_space<vmem_shared>> -> memref<100352x1xf32, #tpu.memory_space<vmem_shared>>
          %dma_wait3A_440 = tpu.memref_slice %arg10[%dma_wait3A_429] : memref<8x!tpu.dma_semaphore, #tpu.memory_space<semaphore_mem>> -> memref<1x!tpu.dma_semaphore, #tpu.memory_space<semaphore_mem>>
          %dma_wait3A_441 = tpu.memref_squeeze %dma_wait3A_440 : memref<1x!tpu.dma_semaphore, #tpu.memory_space<semaphore_mem>> -> memref<!tpu.dma_semaphore, #tpu.memory_space<semaphore_mem>>
          tpu.wait_indirect_dma semaphore(%dma_wait3A_441 : memref<!tpu.dma_semaphore, #tpu.memory_space<semaphore_mem>>) src(%dma_wait3A_439 : memref<100352x1xf32, #tpu.memory_space<vmem_shared>>) dst(%dma_wait3A_433 : memref<128x1xf32, #tpu.memory_space<vmem>>)
          %add3A_442 = arith.constant 7 : i32
          %add3A_443 = arith.addi %add3A_110, %add3A_442 : i32
          %dma_start3A_444 = arith.constant 7 : i32
          %dma_start3A_445 = arith.constant 0 : i32
          %dma_start3A_446 = arith.constant 0 : i32
          %dma_start3A_447 = tpu.memref_slice %arg7[%dma_start3A_444, %dma_start3A_445, %dma_start3A_446] : memref<8x128x1xf32, #tpu.memory_space<vmem>> -> memref<1x128x1xf32, #tpu.memory_space<vmem>>
          %dma_start3A_448 = tpu.memref_squeeze %dma_start3A_447 : memref<1x128x1xf32, #tpu.memory_space<vmem>> -> memref<128x1xf32, #tpu.memory_space<vmem>>
          %dma_start3A_449 = arith.constant 0 : i32
          %dma_start3A_450 = tpu.memref_slice %arg6[%rem3A_60, %add3A_443, %dma_start3A_449] : memref<2x40x128xi32, #tpu.memory_space<vmem>> -> memref<1x1x128xi32, #tpu.memory_space<vmem>>
          %dma_start3A_451 = tpu.memref_squeeze %dma_start3A_450 : memref<1x1x128xi32, #tpu.memory_space<vmem>> -> memref<128xi32, #tpu.memory_space<vmem>>
          %dma_start3A_452 = arith.constant 0 : i32
          %dma_start3A_453 = arith.constant 0 : i32
          %dma_start3A_454 = tpu.memref_slice %arg9[%dma_start3A_452, %dma_start3A_453] : memref<100352x1xf32, #tpu.memory_space<vmem_shared>> -> memref<100352x1xf32, #tpu.memory_space<vmem_shared>>
          tpu.enqueue_indirect_dma source(%dma_start3A_448 : memref<128x1xf32, #tpu.memory_space<vmem>>) target(%dma_start3A_454 : memref<100352x1xf32, #tpu.memory_space<vmem_shared>>) offsets(%dma_start3A_451 : memref<128xi32, #tpu.memory_space<vmem>>) semaphore(%arg11 : memref<!tpu.dma_semaphore, #tpu.memory_space<semaphore_mem>>) {add = true}
          %dma_wait3A_455 = arith.constant 0 : i32
          %dma_wait3A_456 = arith.constant 0 : i32
          %dma_wait3A_457 = arith.constant 0 : i32
          %dma_wait3A_458 = tpu.memref_slice %arg7[%dma_wait3A_455, %dma_wait3A_456, %dma_wait3A_457] : memref<8x128x1xf32, #tpu.memory_space<vmem>> -> memref<1x128x1xf32, #tpu.memory_space<vmem>>
          %dma_wait3A_459 = tpu.memref_squeeze %dma_wait3A_458 : memref<1x128x1xf32, #tpu.memory_space<vmem>> -> memref<128x1xf32, #tpu.memory_space<vmem>>
          %dma_wait3A_460 = arith.constant 0 : i32
          %dma_wait3A_461 = tpu.memref_slice %arg6[%rem3A_60, %add3A_254, %dma_wait3A_460] : memref<2x40x128xi32, #tpu.memory_space<vmem>> -> memref<1x1x128xi32, #tpu.memory_space<vmem>>
          %dma_wait3A_462 = tpu.memref_squeeze %dma_wait3A_461 : memref<1x1x128xi32, #tpu.memory_space<vmem>> -> memref<128xi32, #tpu.memory_space<vmem>>
          %dma_wait3A_463 = arith.constant 0 : i32
          %dma_wait3A_464 = arith.constant 0 : i32
          %dma_wait3A_465 = tpu.memref_slice %arg9[%dma_wait3A_463, %dma_wait3A_464] : memref<100352x1xf32, #tpu.memory_space<vmem_shared>> -> memref<100352x1xf32, #tpu.memory_space<vmem_shared>>
          tpu.wait_indirect_dma semaphore(%arg11 : memref<!tpu.dma_semaphore, #tpu.memory_space<semaphore_mem>>) src(%dma_wait3A_459 : memref<128x1xf32, #tpu.memory_space<vmem>>) dst(%dma_wait3A_465 : memref<100352x1xf32, #tpu.memory_space<vmem_shared>>)
          %dma_wait3A_466 = arith.constant 1 : i32
          %dma_wait3A_467 = arith.constant 0 : i32
          %dma_wait3A_468 = arith.constant 0 : i32
          %dma_wait3A_469 = tpu.memref_slice %arg7[%dma_wait3A_466, %dma_wait3A_467, %dma_wait3A_468] : memref<8x128x1xf32, #tpu.memory_space<vmem>> -> memref<1x128x1xf32, #tpu.memory_space<vmem>>
          %dma_wait3A_470 = tpu.memref_squeeze %dma_wait3A_469 : memref<1x128x1xf32, #tpu.memory_space<vmem>> -> memref<128x1xf32, #tpu.memory_space<vmem>>
          %dma_wait3A_471 = arith.constant 0 : i32
          %dma_wait3A_472 = tpu.memref_slice %arg6[%rem3A_60, %add3A_281, %dma_wait3A_471] : memref<2x40x128xi32, #tpu.memory_space<vmem>> -> memref<1x1x128xi32, #tpu.memory_space<vmem>>
          %dma_wait3A_473 = tpu.memref_squeeze %dma_wait3A_472 : memref<1x1x128xi32, #tpu.memory_space<vmem>> -> memref<128xi32, #tpu.memory_space<vmem>>
          %dma_wait3A_474 = arith.constant 0 : i32
          %dma_wait3A_475 = arith.constant 0 : i32
          %dma_wait3A_476 = tpu.memref_slice %arg9[%dma_wait3A_474, %dma_wait3A_475] : memref<100352x1xf32, #tpu.memory_space<vmem_shared>> -> memref<100352x1xf32, #tpu.memory_space<vmem_shared>>
          tpu.wait_indirect_dma semaphore(%arg11 : memref<!tpu.dma_semaphore, #tpu.memory_space<semaphore_mem>>) src(%dma_wait3A_470 : memref<128x1xf32, #tpu.memory_space<vmem>>) dst(%dma_wait3A_476 : memref<100352x1xf32, #tpu.memory_space<vmem_shared>>)
          %dma_wait3A_477 = arith.constant 2 : i32
          %dma_wait3A_478 = arith.constant 0 : i32
          %dma_wait3A_479 = arith.constant 0 : i32
          %dma_wait3A_480 = tpu.memref_slice %arg7[%dma_wait3A_477, %dma_wait3A_478, %dma_wait3A_479] : memref<8x128x1xf32, #tpu.memory_space<vmem>> -> memref<1x128x1xf32, #tpu.memory_space<vmem>>
          %dma_wait3A_481 = tpu.memref_squeeze %dma_wait3A_480 : memref<1x128x1xf32, #tpu.memory_space<vmem>> -> memref<128x1xf32, #tpu.memory_space<vmem>>
          %dma_wait3A_482 = arith.constant 0 : i32
          %dma_wait3A_483 = tpu.memref_slice %arg6[%rem3A_60, %add3A_308, %dma_wait3A_482] : memref<2x40x128xi32, #tpu.memory_space<vmem>> -> memref<1x1x128xi32, #tpu.memory_space<vmem>>
          %dma_wait3A_484 = tpu.memref_squeeze %dma_wait3A_483 : memref<1x1x128xi32, #tpu.memory_space<vmem>> -> memref<128xi32, #tpu.memory_space<vmem>>
          %dma_wait3A_485 = arith.constant 0 : i32
          %dma_wait3A_486 = arith.constant 0 : i32
          %dma_wait3A_487 = tpu.memref_slice %arg9[%dma_wait3A_485, %dma_wait3A_486] : memref<100352x1xf32, #tpu.memory_space<vmem_shared>> -> memref<100352x1xf32, #tpu.memory_space<vmem_shared>>
          tpu.wait_indirect_dma semaphore(%arg11 : memref<!tpu.dma_semaphore, #tpu.memory_space<semaphore_mem>>) src(%dma_wait3A_481 : memref<128x1xf32, #tpu.memory_space<vmem>>) dst(%dma_wait3A_487 : memref<100352x1xf32, #tpu.memory_space<vmem_shared>>)
          %dma_wait3A_488 = arith.constant 3 : i32
          %dma_wait3A_489 = arith.constant 0 : i32
          %dma_wait3A_490 = arith.constant 0 : i32
          %dma_wait3A_491 = tpu.memref_slice %arg7[%dma_wait3A_488, %dma_wait3A_489, %dma_wait3A_490] : memref<8x128x1xf32, #tpu.memory_space<vmem>> -> memref<1x128x1xf32, #tpu.memory_space<vmem>>
          %dma_wait3A_492 = tpu.memref_squeeze %dma_wait3A_491 : memref<1x128x1xf32, #tpu.memory_space<vmem>> -> memref<128x1xf32, #tpu.memory_space<vmem>>
          %dma_wait3A_493 = arith.constant 0 : i32
          %dma_wait3A_494 = tpu.memref_slice %arg6[%rem3A_60, %add3A_335, %dma_wait3A_493] : memref<2x40x128xi32, #tpu.memory_space<vmem>> -> memref<1x1x128xi32, #tpu.memory_space<vmem>>
          %dma_wait3A_495 = tpu.memref_squeeze %dma_wait3A_494 : memref<1x1x128xi32, #tpu.memory_space<vmem>> -> memref<128xi32, #tpu.memory_space<vmem>>
          %dma_wait3A_496 = arith.constant 0 : i32
          %dma_wait3A_497 = arith.constant 0 : i32
          %dma_wait3A_498 = tpu.memref_slice %arg9[%dma_wait3A_496, %dma_wait3A_497] : memref<100352x1xf32, #tpu.memory_space<vmem_shared>> -> memref<100352x1xf32, #tpu.memory_space<vmem_shared>>
          tpu.wait_indirect_dma semaphore(%arg11 : memref<!tpu.dma_semaphore, #tpu.memory_space<semaphore_mem>>) src(%dma_wait3A_492 : memref<128x1xf32, #tpu.memory_space<vmem>>) dst(%dma_wait3A_498 : memref<100352x1xf32, #tpu.memory_space<vmem_shared>>)
          %dma_wait3A_499 = arith.constant 4 : i32
          %dma_wait3A_500 = arith.constant 0 : i32
          %dma_wait3A_501 = arith.constant 0 : i32
          %dma_wait3A_502 = tpu.memref_slice %arg7[%dma_wait3A_499, %dma_wait3A_500, %dma_wait3A_501] : memref<8x128x1xf32, #tpu.memory_space<vmem>> -> memref<1x128x1xf32, #tpu.memory_space<vmem>>
          %dma_wait3A_503 = tpu.memref_squeeze %dma_wait3A_502 : memref<1x128x1xf32, #tpu.memory_space<vmem>> -> memref<128x1xf32, #tpu.memory_space<vmem>>
          %dma_wait3A_504 = arith.constant 0 : i32
          %dma_wait3A_505 = tpu.memref_slice %arg6[%rem3A_60, %add3A_362, %dma_wait3A_504] : memref<2x40x128xi32, #tpu.memory_space<vmem>> -> memref<1x1x128xi32, #tpu.memory_space<vmem>>
          %dma_wait3A_506 = tpu.memref_squeeze %dma_wait3A_505 : memref<1x1x128xi32, #tpu.memory_space<vmem>> -> memref<128xi32, #tpu.memory_space<vmem>>
          %dma_wait3A_507 = arith.constant 0 : i32
          %dma_wait3A_508 = arith.constant 0 : i32
          %dma_wait3A_509 = tpu.memref_slice %arg9[%dma_wait3A_507, %dma_wait3A_508] : memref<100352x1xf32, #tpu.memory_space<vmem_shared>> -> memref<100352x1xf32, #tpu.memory_space<vmem_shared>>
          tpu.wait_indirect_dma semaphore(%arg11 : memref<!tpu.dma_semaphore, #tpu.memory_space<semaphore_mem>>) src(%dma_wait3A_503 : memref<128x1xf32, #tpu.memory_space<vmem>>) dst(%dma_wait3A_509 : memref<100352x1xf32, #tpu.memory_space<vmem_shared>>)
          %dma_wait3A_510 = arith.constant 5 : i32
          %dma_wait3A_511 = arith.constant 0 : i32
          %dma_wait3A_512 = arith.constant 0 : i32
          %dma_wait3A_513 = tpu.memref_slice %arg7[%dma_wait3A_510, %dma_wait3A_511, %dma_wait3A_512] : memref<8x128x1xf32, #tpu.memory_space<vmem>> -> memref<1x128x1xf32, #tpu.memory_space<vmem>>
          %dma_wait3A_514 = tpu.memref_squeeze %dma_wait3A_513 : memref<1x128x1xf32, #tpu.memory_space<vmem>> -> memref<128x1xf32, #tpu.memory_space<vmem>>
          %dma_wait3A_515 = arith.constant 0 : i32
          %dma_wait3A_516 = tpu.memref_slice %arg6[%rem3A_60, %add3A_389, %dma_wait3A_515] : memref<2x40x128xi32, #tpu.memory_space<vmem>> -> memref<1x1x128xi32, #tpu.memory_space<vmem>>
          %dma_wait3A_517 = tpu.memref_squeeze %dma_wait3A_516 : memref<1x1x128xi32, #tpu.memory_space<vmem>> -> memref<128xi32, #tpu.memory_space<vmem>>
          %dma_wait3A_518 = arith.constant 0 : i32
          %dma_wait3A_519 = arith.constant 0 : i32
          %dma_wait3A_520 = tpu.memref_slice %arg9[%dma_wait3A_518, %dma_wait3A_519] : memref<100352x1xf32, #tpu.memory_space<vmem_shared>> -> memref<100352x1xf32, #tpu.memory_space<vmem_shared>>
          tpu.wait_indirect_dma semaphore(%arg11 : memref<!tpu.dma_semaphore, #tpu.memory_space<semaphore_mem>>) src(%dma_wait3A_514 : memref<128x1xf32, #tpu.memory_space<vmem>>) dst(%dma_wait3A_520 : memref<100352x1xf32, #tpu.memory_space<vmem_shared>>)
          %dma_wait3A_521 = arith.constant 6 : i32
          %dma_wait3A_522 = arith.constant 0 : i32
          %dma_wait3A_523 = arith.constant 0 : i32
          %dma_wait3A_524 = tpu.memref_slice %arg7[%dma_wait3A_521, %dma_wait3A_522, %dma_wait3A_523] : memref<8x128x1xf32, #tpu.memory_space<vmem>> -> memref<1x128x1xf32, #tpu.memory_space<vmem>>
          %dma_wait3A_525 = tpu.memref_squeeze %dma_wait3A_524 : memref<1x128x1xf32, #tpu.memory_space<vmem>> -> memref<128x1xf32, #tpu.memory_space<vmem>>
          %dma_wait3A_526 = arith.constant 0 : i32
          %dma_wait3A_527 = tpu.memref_slice %arg6[%rem3A_60, %add3A_416, %dma_wait3A_526] : memref<2x40x128xi32, #tpu.memory_space<vmem>> -> memref<1x1x128xi32, #tpu.memory_space<vmem>>
          %dma_wait3A_528 = tpu.memref_squeeze %dma_wait3A_527 : memref<1x1x128xi32, #tpu.memory_space<vmem>> -> memref<128xi32, #tpu.memory_space<vmem>>
          %dma_wait3A_529 = arith.constant 0 : i32
          %dma_wait3A_530 = arith.constant 0 : i32
          %dma_wait3A_531 = tpu.memref_slice %arg9[%dma_wait3A_529, %dma_wait3A_530] : memref<100352x1xf32, #tpu.memory_space<vmem_shared>> -> memref<100352x1xf32, #tpu.memory_space<vmem_shared>>
          tpu.wait_indirect_dma semaphore(%arg11 : memref<!tpu.dma_semaphore, #tpu.memory_space<semaphore_mem>>) src(%dma_wait3A_525 : memref<128x1xf32, #tpu.memory_space<vmem>>) dst(%dma_wait3A_531 : memref<100352x1xf32, #tpu.memory_space<vmem_shared>>)
          %dma_wait3A_532 = arith.constant 7 : i32
          %dma_wait3A_533 = arith.constant 0 : i32
          %dma_wait3A_534 = arith.constant 0 : i32
          %dma_wait3A_535 = tpu.memref_slice %arg7[%dma_wait3A_532, %dma_wait3A_533, %dma_wait3A_534] : memref<8x128x1xf32, #tpu.memory_space<vmem>> -> memref<1x128x1xf32, #tpu.memory_space<vmem>>
          %dma_wait3A_536 = tpu.memref_squeeze %dma_wait3A_535 : memref<1x128x1xf32, #tpu.memory_space<vmem>> -> memref<128x1xf32, #tpu.memory_space<vmem>>
          %dma_wait3A_537 = arith.constant 0 : i32
          %dma_wait3A_538 = tpu.memref_slice %arg6[%rem3A_60, %add3A_443, %dma_wait3A_537] : memref<2x40x128xi32, #tpu.memory_space<vmem>> -> memref<1x1x128xi32, #tpu.memory_space<vmem>>
          %dma_wait3A_539 = tpu.memref_squeeze %dma_wait3A_538 : memref<1x1x128xi32, #tpu.memory_space<vmem>> -> memref<128xi32, #tpu.memory_space<vmem>>
          %dma_wait3A_540 = arith.constant 0 : i32
          %dma_wait3A_541 = arith.constant 0 : i32
          %dma_wait3A_542 = tpu.memref_slice %arg9[%dma_wait3A_540, %dma_wait3A_541] : memref<100352x1xf32, #tpu.memory_space<vmem_shared>> -> memref<100352x1xf32, #tpu.memory_space<vmem_shared>>
          tpu.wait_indirect_dma semaphore(%arg11 : memref<!tpu.dma_semaphore, #tpu.memory_space<semaphore_mem>>) src(%dma_wait3A_536 : memref<128x1xf32, #tpu.memory_space<vmem>>) dst(%dma_wait3A_542 : memref<100352x1xf32, #tpu.memory_space<vmem_shared>>)
        }
        %scan3A_105 = arith.constant 5 : i32
      } else {
      }
    }
    %scan3A_44 = arith.constant 20 : i32
    %barrier3A_45 = arith.constant 0 : index
    tpu.barrier barrier_id(%barrier3A_45)
    %eq3A = arith.constant 0 : i32
    %eq3A_46 = arith.cmpi eq, %arg1, %eq3A : i32
    %convert_element_type3A = arith.extui %eq3A_46 : i1 to i32
    %cond3A = arith.constant 0 : i32
    %cond3A_47 = arith.cmpi ne, %convert_element_type3A, %cond3A : i32
    scf.if %cond3A_47 {
      "tpu.region"() ({
        %run_scoped3A = tpu.sem_alloc : memref<!tpu.dma_semaphore, #tpu.memory_space<semaphore_mem>>
        %dma_start3A_48 = arith.constant 0 : i32
        %dma_start3A_49 = arith.constant 0 : i32
        %dma_start3A_50 = tpu.memref_slice %arg4[%arg0, %dma_start3A_48, %dma_start3A_49] : memref<2x100352x1xf32, #tpu.memory_space<hbm>> -> memref<1x100352x1xf32, #tpu.memory_space<hbm>>
        %dma_start3A_51 = tpu.memref_squeeze %dma_start3A_50 : memref<1x100352x1xf32, #tpu.memory_space<hbm>> -> memref<100352x1xf32, #tpu.memory_space<hbm>>
        tpu.enqueue_dma source(%arg9 : memref<100352x1xf32, #tpu.memory_space<vmem_shared>>) target(%dma_start3A_51 : memref<100352x1xf32, #tpu.memory_space<hbm>>) target_semaphore(%run_scoped3A : memref<!tpu.dma_semaphore, #tpu.memory_space<semaphore_mem>>)
        %dma_wait3A = arith.constant 0 : i32
        %dma_wait3A_52 = arith.constant 0 : i32
        %dma_wait3A_53 = tpu.memref_slice %arg4[%arg0, %dma_wait3A, %dma_wait3A_52] : memref<2x100352x1xf32, #tpu.memory_space<hbm>> -> memref<1x100352x1xf32, #tpu.memory_space<hbm>>
        %dma_wait3A_54 = tpu.memref_squeeze %dma_wait3A_53 : memref<1x100352x1xf32, #tpu.memory_space<hbm>> -> memref<100352x1xf32, #tpu.memory_space<hbm>>
        tpu.wait_dma2 semaphore(%run_scoped3A : memref<!tpu.dma_semaphore, #tpu.memory_space<semaphore_mem>>) src(%arg9 : memref<100352x1xf32, #tpu.memory_space<vmem_shared>>) dst(%dma_wait3A_54 : memref<100352x1xf32, #tpu.memory_space<hbm>>)
        tpu.yield
      }) : () -> ()
    } else {
    }
    return
  }
}

module attributes {stable_mosaic.version = 14 : i64} {
  func.func @_tc1_body(%arg0: i32, %arg1: memref<3136x1xf32, #tpu.memory_space<vmem>>, %arg2: memref<2x3136x1xf32, #tpu.memory_space<vmem>>, %arg3: memref<1x8xf32, #tpu.memory_space<vmem>>, %arg4: memref<1x8xf32, #tpu.memory_space<vmem>>, %arg5: memref<8x8xf32, #tpu.memory_space<vmem>>, %arg6: memref<1x8xf32, #tpu.memory_space<vmem>>, %arg7: memref<3136x8xf32, #tpu.memory_space<vmem>>) attributes {dimension_semantics = [#tpu.dimension_semantics<arbitrary>], iteration_bounds = array<i64: 32>, scalar_prefetch = 0 : i64, scratch_operands = 0 : i64, tpu.core_type = #tpu.core_type<tc>, window_params = [{transform_indices = @transform_0, window_bounds = array<i64: 3136, 1>}, {transform_indices = @transform_1, window_bounds = array<i64: 2, 3136, 1>}, {pipeline_mode = #tpu.pipeline_mode<synchronous>, transform_indices = @transform_2, window_bounds = array<i64: 1, 8>}, {pipeline_mode = #tpu.pipeline_mode<synchronous>, transform_indices = @transform_3, window_bounds = array<i64: 1, 8>}, {pipeline_mode = #tpu.pipeline_mode<synchronous>, transform_indices = @transform_4, window_bounds = array<i64: 8, 8>}, {pipeline_mode = #tpu.pipeline_mode<synchronous>, transform_indices = @transform_5, window_bounds = array<i64: 1, 8>}, {transform_indices = @transform_6, window_bounds = array<i64: 3136, 8>}]} {
    %get3A = arith.constant 0 : index
    %get3A_0 = arith.constant 0 : index
    %get3A_1 = arith.constant 0 : index
    %get3A_2 = vector.load %arg2[%get3A, %get3A_0, %get3A_1] : memref<2x3136x1xf32, #tpu.memory_space<vmem>>, vector<1x3136x1xf32>
    %get3A_3 = vector.shape_cast %get3A_2 : vector<1x3136x1xf32> to vector<3136x1xf32>
    %get3A_4 = arith.constant 1 : index
    %get3A_5 = arith.constant 0 : index
    %get3A_6 = arith.constant 0 : index
    %get3A_7 = vector.load %arg2[%get3A_4, %get3A_5, %get3A_6] : memref<2x3136x1xf32, #tpu.memory_space<vmem>>, vector<1x3136x1xf32>
    %get3A_8 = vector.shape_cast %get3A_7 : vector<1x3136x1xf32> to vector<3136x1xf32>
    %add3A = arith.addf %get3A_3, %get3A_8 : vector<3136x1xf32>
    %get3A_9 = arith.constant 0 : index
    %get3A_10 = arith.constant 0 : index
    %get3A_11 = vector.load %arg1[%get3A_9, %get3A_10] : memref<3136x1xf32, #tpu.memory_space<vmem>>, vector<3136x1xf32>
    %sub3A = arith.subf %add3A, %get3A_11 : vector<3136x1xf32>
    %get3A_12 = arith.constant 0 : index
    %get3A_13 = arith.constant 0 : index
    %get3A_14 = vector.load %arg3[%get3A_12, %get3A_13] : memref<1x8xf32, #tpu.memory_space<vmem>>, vector<1x8xf32>
    %mul3A = vector.broadcast %sub3A : vector<3136x1xf32> to vector<3136x8xf32>
    %mul3A_15 = vector.broadcast %get3A_14 : vector<1x8xf32> to vector<3136x8xf32>
    %mul3A_16 = arith.mulf %mul3A, %mul3A_15 : vector<3136x8xf32>
    %get3A_17 = arith.constant 0 : index
    %get3A_18 = arith.constant 0 : index
    %get3A_19 = vector.load %arg4[%get3A_17, %get3A_18] : memref<1x8xf32, #tpu.memory_space<vmem>>, vector<1x8xf32>
    %add3A_20 = vector.broadcast %get3A_19 : vector<1x8xf32> to vector<3136x8xf32>
    %add3A_21 = arith.addf %mul3A_16, %add3A_20 : vector<3136x8xf32>
    %max3A = arith.constant 0.000000e+00 : f32
    %max3A_22 = vector.broadcast %max3A : f32 to vector<3136x8xf32>
    %max3A_23 = arith.maximumf %add3A_21, %max3A_22 : vector<3136x8xf32>
    %get3A_24 = arith.constant 0 : index
    %get3A_25 = arith.constant 0 : index
    %get3A_26 = vector.load %arg5[%get3A_24, %get3A_25] : memref<8x8xf32, #tpu.memory_space<vmem>>, vector<8x8xf32>
    %dot_general3A = arith.constant dense<0.000000e+00> : vector<3136x8xf32>
    %dot_general3A_27 = tpu.matmul %max3A_23, %get3A_26, %dot_general3A {dimension_numbers = #tpu.dot_dimension_numbers<[1], [0], [0], [1], [0, 0, 1, 1], [], []>, transpose_lhs_hint = false} : vector<3136x8xf32>, vector<8x8xf32>, vector<3136x8xf32> -> vector<3136x8xf32>
    %get3A_28 = arith.constant 0 : index
    %get3A_29 = arith.constant 0 : index
    %get3A_30 = vector.load %arg6[%get3A_28, %get3A_29] : memref<1x8xf32, #tpu.memory_space<vmem>>, vector<1x8xf32>
    %add3A_31 = vector.broadcast %get3A_30 : vector<1x8xf32> to vector<3136x8xf32>
    %add3A_32 = arith.addf %dot_general3A_27, %add3A_31 : vector<3136x8xf32>
    %gt3A = arith.constant 0.000000e+00 : f32
    %gt3A_33 = vector.broadcast %gt3A : f32 to vector<3136x8xf32>
    %gt3A_34 = arith.cmpf ogt, %add3A_32, %gt3A_33 : vector<3136x8xf32>
    %exp3A = math.exp %add3A_32 : vector<3136x8xf32>
    %sub3A_35 = arith.constant 1.000000e+00 : f32
    %sub3A_36 = vector.broadcast %sub3A_35 : f32 to vector<3136x8xf32>
    %sub3A_37 = arith.subf %exp3A, %sub3A_36 : vector<3136x8xf32>
    %select_n3A = arith.select %gt3A_34, %add3A_32, %sub3A_37 : vector<3136x8xi1>, vector<3136x8xf32>
    %swap3A = arith.constant 0 : index
    %swap3A_38 = arith.constant 0 : index
    %swap3A_39 = vector.load %arg7[%swap3A, %swap3A_38] : memref<3136x8xf32, #tpu.memory_space<vmem>>, vector<3136x8xf32>
    tpu.vector_store %arg7[%swap3A, %swap3A_38], %select_n3A {strides = array<i32>} : memref<3136x8xf32, #tpu.memory_space<vmem>>, vector<3136x8xf32>,
    return
  }
  func.func @transform_0(%arg0: i32) -> (i32, i32) {
    %c0_i32 = arith.constant 0 : i32
    %c0_i32_0 = arith.constant 0 : i32
    return %arg0, %c0_i32 : i32, i32
  }
  func.func @transform_1(%arg0: i32) -> (i32, i32, i32) {
    %c0_i32 = arith.constant 0 : i32
    %c0_i32_0 = arith.constant 0 : i32
    %c0_i32_1 = arith.constant 0 : i32
    return %c0_i32, %arg0, %c0_i32_0 : i32, i32, i32
  }
  func.func @transform_2(%arg0: i32) -> (i32, i32) {
    %c0_i32 = arith.constant 0 : i32
    %c0_i32_0 = arith.constant 0 : i32
    %c0_i32_1 = arith.constant 0 : i32
    return %c0_i32, %c0_i32_0 : i32, i32
  }
  func.func @transform_3(%arg0: i32) -> (i32, i32) {
    %c0_i32 = arith.constant 0 : i32
    %c0_i32_0 = arith.constant 0 : i32
    %c0_i32_1 = arith.constant 0 : i32
    return %c0_i32, %c0_i32_0 : i32, i32
  }
  func.func @transform_4(%arg0: i32) -> (i32, i32) {
    %c0_i32 = arith.constant 0 : i32
    %c0_i32_0 = arith.constant 0 : i32
    %c0_i32_1 = arith.constant 0 : i32
    return %c0_i32, %c0_i32_0 : i32, i32
  }
  func.func @transform_5(%arg0: i32) -> (i32, i32) {
    %c0_i32 = arith.constant 0 : i32
    %c0_i32_0 = arith.constant 0 : i32
    %c0_i32_1 = arith.constant 0 : i32
    return %c0_i32, %c0_i32_0 : i32, i32
  }
  func.func @transform_6(%arg0: i32) -> (i32, i32) {
    %c0_i32 = arith.constant 0 : i32
    %c0_i32_0 = arith.constant 0 : i32
    return %arg0, %c0_i32 : i32, i32
  }
}

module attributes {stable_mosaic.version = 14 : i64} {
  func.func @_tc2_body(%arg0: i32, %arg1: memref<3136x8xf32, #tpu.memory_space<vmem>>, %arg2: memref<2x3136x8xf32, #tpu.memory_space<vmem>>, %arg3: memref<3136x1xi32, #tpu.memory_space<vmem>>, %arg4: memref<8x8xf32, #tpu.memory_space<vmem>>, %arg5: memref<1x8xf32, #tpu.memory_space<vmem>>, %arg6: memref<8x8xf32, #tpu.memory_space<vmem>>, %arg7: memref<1x8xf32, #tpu.memory_space<vmem>>, %arg8: memref<1x8xf32, #tpu.memory_space<vmem>>, %arg9: memref<1x1xf32, #tpu.memory_space<vmem>>, %arg10: memref<1x64xf32, #tpu.memory_space<vmem>>, %arg11: memref<8x64xf32, #tpu.memory_space<vmem>>, %arg12: memref<1x64xf32, #tpu.memory_space<vmem>>) attributes {dimension_semantics = [#tpu.dimension_semantics<arbitrary>], iteration_bounds = array<i64: 32>, scalar_prefetch = 0 : i64, scratch_operands = 2 : i64, tpu.core_type = #tpu.core_type<tc>, window_params = [{transform_indices = @transform_0, window_bounds = array<i64: 3136, 8>}, {transform_indices = @transform_1, window_bounds = array<i64: 2, 3136, 8>}, {transform_indices = @transform_2, window_bounds = array<i64: 3136, 1>}, {pipeline_mode = #tpu.pipeline_mode<synchronous>, transform_indices = @transform_3, window_bounds = array<i64: 8, 8>}, {pipeline_mode = #tpu.pipeline_mode<synchronous>, transform_indices = @transform_4, window_bounds = array<i64: 1, 8>}, {pipeline_mode = #tpu.pipeline_mode<synchronous>, transform_indices = @transform_5, window_bounds = array<i64: 8, 8>}, {pipeline_mode = #tpu.pipeline_mode<synchronous>, transform_indices = @transform_6, window_bounds = array<i64: 1, 8>}, {pipeline_mode = #tpu.pipeline_mode<synchronous>, transform_indices = @transform_7, window_bounds = array<i64: 1, 8>}, {pipeline_mode = #tpu.pipeline_mode<synchronous>, transform_indices = @transform_8, window_bounds = array<i64: 1, 1>}, {pipeline_mode = #tpu.pipeline_mode<synchronous>, transform_indices = @transform_9, window_bounds = array<i64: 1, 64>}]} {
    %eq3A = arith.constant 0 : i32
    %eq3A_0 = arith.cmpi eq, %arg0, %eq3A : i32
    %convert_element_type3A = arith.extui %eq3A_0 : i1 to i32
    %cond3A = arith.constant 0 : i32
    %cond3A_1 = arith.cmpi ne, %convert_element_type3A, %cond3A : i32
    scf.if %cond3A_1 {
      %broadcast_in_dim3A_63 = arith.constant 0.000000e+00 : f32
      %broadcast_in_dim3A_64 = vector.broadcast %broadcast_in_dim3A_63 : f32 to vector<8x64xf32>
      %swap3A_65 = arith.constant 0 : index
      %swap3A_66 = arith.constant 0 : index
      %swap3A_67 = vector.load %arg11[%swap3A_65, %swap3A_66] : memref<8x64xf32, #tpu.memory_space<vmem>>, vector<8x64xf32>
      tpu.vector_store %arg11[%swap3A_65, %swap3A_66], %broadcast_in_dim3A_64 {strides = array<i32>} : memref<8x64xf32, #tpu.memory_space<vmem>>, vector<8x64xf32>,
      %broadcast_in_dim3A_68 = arith.constant 0.000000e+00 : f32
      %broadcast_in_dim3A_69 = vector.broadcast %broadcast_in_dim3A_68 : f32 to vector<1x64xf32>
      %swap3A_70 = arith.constant 0 : index
      %swap3A_71 = arith.constant 0 : index
      %swap3A_72 = vector.load %arg12[%swap3A_70, %swap3A_71] : memref<1x64xf32, #tpu.memory_space<vmem>>, vector<1x64xf32>
      tpu.vector_store %arg12[%swap3A_70, %swap3A_71], %broadcast_in_dim3A_69 {strides = array<i32>} : memref<1x64xf32, #tpu.memory_space<vmem>>, vector<1x64xf32>,
    } else {
    }
    %get3A = arith.constant 0 : index
    %get3A_2 = arith.constant 0 : index
    %get3A_3 = arith.constant 0 : index
    %get3A_4 = vector.load %arg2[%get3A, %get3A_2, %get3A_3] : memref<2x3136x8xf32, #tpu.memory_space<vmem>>, vector<1x3136x8xf32>
    %get3A_5 = vector.shape_cast %get3A_4 : vector<1x3136x8xf32> to vector<3136x8xf32>
    %get3A_6 = arith.constant 1 : index
    %get3A_7 = arith.constant 0 : index
    %get3A_8 = arith.constant 0 : index
    %get3A_9 = vector.load %arg2[%get3A_6, %get3A_7, %get3A_8] : memref<2x3136x8xf32, #tpu.memory_space<vmem>>, vector<1x3136x8xf32>
    %get3A_10 = vector.shape_cast %get3A_9 : vector<1x3136x8xf32> to vector<3136x8xf32>
    %add3A = arith.addf %get3A_5, %get3A_10 : vector<3136x8xf32>
    %get3A_11 = arith.constant 0 : index
    %get3A_12 = arith.constant 0 : index
    %get3A_13 = vector.load %arg1[%get3A_11, %get3A_12] : memref<3136x8xf32, #tpu.memory_space<vmem>>, vector<3136x8xf32>
    %sub3A = arith.subf %add3A, %get3A_13 : vector<3136x8xf32>
    %get3A_14 = arith.constant 0 : index
    %get3A_15 = arith.constant 0 : index
    %get3A_16 = vector.load %arg4[%get3A_14, %get3A_15] : memref<8x8xf32, #tpu.memory_space<vmem>>, vector<8x8xf32>
    %dot_general3A = arith.constant dense<0.000000e+00> : vector<3136x8xf32>
    %dot_general3A_17 = tpu.matmul %sub3A, %get3A_16, %dot_general3A {dimension_numbers = #tpu.dot_dimension_numbers<[1], [0], [0], [1], [0, 0, 1, 1], [], []>, transpose_lhs_hint = false} : vector<3136x8xf32>, vector<8x8xf32>, vector<3136x8xf32> -> vector<3136x8xf32>
    %get3A_18 = arith.constant 0 : index
    %get3A_19 = arith.constant 0 : index
    %get3A_20 = vector.load %arg5[%get3A_18, %get3A_19] : memref<1x8xf32, #tpu.memory_space<vmem>>, vector<1x8xf32>
    %add3A_21 = vector.broadcast %get3A_20 : vector<1x8xf32> to vector<3136x8xf32>
    %add3A_22 = arith.addf %dot_general3A_17, %add3A_21 : vector<3136x8xf32>
    %max3A = arith.constant 0.000000e+00 : f32
    %max3A_23 = vector.broadcast %max3A : f32 to vector<3136x8xf32>
    %max3A_24 = arith.maximumf %add3A_22, %max3A_23 : vector<3136x8xf32>
    %get3A_25 = arith.constant 0 : index
    %get3A_26 = arith.constant 0 : index
    %get3A_27 = vector.load %arg6[%get3A_25, %get3A_26] : memref<8x8xf32, #tpu.memory_space<vmem>>, vector<8x8xf32>
    %dot_general3A_28 = arith.constant dense<0.000000e+00> : vector<3136x8xf32>
    %dot_general3A_29 = tpu.matmul %max3A_24, %get3A_27, %dot_general3A_28 {dimension_numbers = #tpu.dot_dimension_numbers<[1], [0], [0], [1], [0, 0, 1, 1], [], []>, transpose_lhs_hint = false} : vector<3136x8xf32>, vector<8x8xf32>, vector<3136x8xf32> -> vector<3136x8xf32>
    %get3A_30 = arith.constant 0 : index
    %get3A_31 = arith.constant 0 : index
    %get3A_32 = vector.load %arg7[%get3A_30, %get3A_31] : memref<1x8xf32, #tpu.memory_space<vmem>>, vector<1x8xf32>
    %add3A_33 = vector.broadcast %get3A_32 : vector<1x8xf32> to vector<3136x8xf32>
    %add3A_34 = arith.addf %dot_general3A_29, %add3A_33 : vector<3136x8xf32>
    %get3A_35 = arith.constant 0 : index
    %get3A_36 = arith.constant 0 : index
    %get3A_37 = vector.load %arg3[%get3A_35, %get3A_36] : memref<3136x1xi32, #tpu.memory_space<vmem>>, vector<3136x1xi32>
    %iota3A = tpu.iota {dimensions = array<i32: 1>} : vector<3136x64xi32>
    %eq3A_38 = vector.broadcast %get3A_37 : vector<3136x1xi32> to vector<3136x64xi32>
    %eq3A_39 = arith.cmpi eq, %eq3A_38, %iota3A : vector<3136x64xi32>
    %convert_element_type3A_40 = arith.extui %eq3A_39 : vector<3136x64xi1> to vector<3136x64xi32>
    %convert_element_type3A_41 = arith.sitofp %convert_element_type3A_40 : vector<3136x64xi32> to vector<3136x64xf32>
    %get3A_42 = arith.constant 0 : index
    %get3A_43 = arith.constant 0 : index
    %get3A_44 = vector.load %arg11[%get3A_42, %get3A_43] : memref<8x64xf32, #tpu.memory_space<vmem>>, vector<8x64xf32>
    %dot_general3A_45 = arith.constant dense<0.000000e+00> : vector<8x64xf32>
    %dot_general3A_46 = tpu.matmul %add3A_34, %convert_element_type3A_41, %dot_general3A_45 {dimension_numbers = #tpu.dot_dimension_numbers<[0], [0], [1], [1], [0, 1, 1, 1], [], []>, transpose_lhs_hint = false} : vector<3136x8xf32>, vector<3136x64xf32>, vector<8x64xf32> -> vector<8x64xf32>
    %add3A_47 = arith.addf %get3A_44, %dot_general3A_46 : vector<8x64xf32>
    %swap3A = arith.constant 0 : index
    %swap3A_48 = arith.constant 0 : index
    %swap3A_49 = vector.load %arg11[%swap3A, %swap3A_48] : memref<8x64xf32, #tpu.memory_space<vmem>>, vector<8x64xf32>
    tpu.vector_store %arg11[%swap3A, %swap3A_48], %add3A_47 {strides = array<i32>} : memref<8x64xf32, #tpu.memory_space<vmem>>, vector<8x64xf32>,
    %get3A_50 = arith.constant 0 : index
    %get3A_51 = arith.constant 0 : index
    %get3A_52 = vector.load %arg12[%get3A_50, %get3A_51] : memref<1x64xf32, #tpu.memory_space<vmem>>, vector<1x64xf32>
    %reduce_sum3A = arith.constant dense<0.000000e+00> : vector<64xf32>
    %reduce_sum3A_53 = vector.multi_reduction <add>, %convert_element_type3A_41, %reduce_sum3A [0] : vector<3136x64xf32> to vector<64xf32>
    %broadcast_in_dim3A = vector.shape_cast %reduce_sum3A_53 : vector<64xf32> to vector<1x64xf32>
    %add3A_54 = arith.addf %get3A_52, %broadcast_in_dim3A : vector<1x64xf32>
    %swap3A_55 = arith.constant 0 : index
    %swap3A_56 = arith.constant 0 : index
    %swap3A_57 = vector.load %arg12[%swap3A_55, %swap3A_56] : memref<1x64xf32, #tpu.memory_space<vmem>>, vector<1x64xf32>
    tpu.vector_store %arg12[%swap3A_55, %swap3A_56], %add3A_54 {strides = array<i32>} : memref<1x64xf32, #tpu.memory_space<vmem>>, vector<1x64xf32>,
    %eq3A_58 = arith.constant 31 : i32
    %eq3A_59 = arith.cmpi eq, %arg0, %eq3A_58 : i32
    %convert_element_type3A_60 = arith.extui %eq3A_59 : i1 to i32
    %cond3A_61 = arith.constant 0 : i32
    %cond3A_62 = arith.cmpi ne, %convert_element_type3A_60, %cond3A_61 : i32
    scf.if %cond3A_62 {
      %get3A_63 = arith.constant 0 : index
      %get3A_64 = arith.constant 0 : index
      %get3A_65 = vector.load %arg11[%get3A_63, %get3A_64] : memref<8x64xf32, #tpu.memory_space<vmem>>, vector<8x64xf32>
      %get3A_66 = arith.constant 0 : index
      %get3A_67 = arith.constant 0 : index
      %get3A_68 = vector.load %arg12[%get3A_66, %get3A_67] : memref<1x64xf32, #tpu.memory_space<vmem>>, vector<1x64xf32>
      %max3A_69 = arith.constant 1.000000e+00 : f32
      %max3A_70 = vector.broadcast %max3A_69 : f32 to vector<1x64xf32>
      %max3A_71 = arith.maximumf %get3A_68, %max3A_70 : vector<1x64xf32>
      %div3A = vector.broadcast %max3A_71 : vector<1x64xf32> to vector<8x64xf32>
      %div3A_72 = arith.divf %get3A_65, %div3A : vector<8x64xf32>
      %get3A_73 = arith.constant 0 : index
      %get3A_74 = arith.constant 0 : index
      %get3A_75 = vector.load %arg8[%get3A_73, %get3A_74] : memref<1x8xf32, #tpu.memory_space<vmem>>, vector<1x8xf32>
      %dot_general3A_76 = arith.constant dense<0.000000e+00> : vector<1x64xf32>
      %dot_general3A_77 = tpu.matmul %get3A_75, %div3A_72, %dot_general3A_76 {dimension_numbers = #tpu.dot_dimension_numbers<[1], [0], [0], [1], [0, 0, 1, 1], [], []>, transpose_lhs_hint = false} : vector<1x8xf32>, vector<8x64xf32>, vector<1x64xf32> -> vector<1x64xf32>
      %get3A_78 = arith.constant 0 : index
      %get3A_79 = arith.constant 0 : index
      %get3A_80 = vector.load %arg9[%get3A_78, %get3A_79] : memref<1x1xf32, #tpu.memory_space<vmem>>, vector<1x1xf32>
      %add3A_81 = vector.broadcast %get3A_80 : vector<1x1xf32> to vector<1x64xf32>
      %add3A_82 = arith.addf %dot_general3A_77, %add3A_81 : vector<1x64xf32>
      %logistic3A = arith.negf %add3A_82 : vector<1x64xf32>
      %logistic3A_83 = math.exp %logistic3A : vector<1x64xf32>
      %logistic3A_84 = arith.constant 1.000000e+00 : f32
      %logistic3A_85 = vector.broadcast %logistic3A_84 : f32 to vector<1x64xf32>
      %logistic3A_86 = arith.addf %logistic3A_85, %logistic3A_83 : vector<1x64xf32>
      %logistic3A_87 = arith.divf %logistic3A_85, %logistic3A_86 : vector<1x64xf32>
      %swap3A_88 = arith.constant 0 : index
      %swap3A_89 = arith.constant 0 : index
      %swap3A_90 = vector.load %arg10[%swap3A_88, %swap3A_89] : memref<1x64xf32, #tpu.memory_space<vmem>>, vector<1x64xf32>
      tpu.vector_store %arg10[%swap3A_88, %swap3A_89], %logistic3A_87 {strides = array<i32>} : memref<1x64xf32, #tpu.memory_space<vmem>>, vector<1x64xf32>,
    } else {
    }
    return
  }
  func.func @transform_0(%arg0: i32) -> (i32, i32) {
    %c0_i32 = arith.constant 0 : i32
    %c0_i32_0 = arith.constant 0 : i32
    return %arg0, %c0_i32 : i32, i32
  }
  func.func @transform_1(%arg0: i32) -> (i32, i32, i32) {
    %c0_i32 = arith.constant 0 : i32
    %c0_i32_0 = arith.constant 0 : i32
    %c0_i32_1 = arith.constant 0 : i32
    return %c0_i32, %arg0, %c0_i32_0 : i32, i32, i32
  }
  func.func @transform_2(%arg0: i32) -> (i32, i32) {
    %c0_i32 = arith.constant 0 : i32
    %c0_i32_0 = arith.constant 0 : i32
    return %arg0, %c0_i32 : i32, i32
  }
  func.func @transform_3(%arg0: i32) -> (i32, i32) {
    %c0_i32 = arith.constant 0 : i32
    %c0_i32_0 = arith.constant 0 : i32
    %c0_i32_1 = arith.constant 0 : i32
    return %c0_i32, %c0_i32_0 : i32, i32
  }
  func.func @transform_4(%arg0: i32) -> (i32, i32) {
    %c0_i32 = arith.constant 0 : i32
    %c0_i32_0 = arith.constant 0 : i32
    %c0_i32_1 = arith.constant 0 : i32
    return %c0_i32, %c0_i32_0 : i32, i32
  }
  func.func @transform_5(%arg0: i32) -> (i32, i32) {
    %c0_i32 = arith.constant 0 : i32
    %c0_i32_0 = arith.constant 0 : i32
    %c0_i32_1 = arith.constant 0 : i32
    return %c0_i32, %c0_i32_0 : i32, i32
  }
  func.func @transform_6(%arg0: i32) -> (i32, i32) {
    %c0_i32 = arith.constant 0 : i32
    %c0_i32_0 = arith.constant 0 : i32
    %c0_i32_1 = arith.constant 0 : i32
    return %c0_i32, %c0_i32_0 : i32, i32
  }
  func.func @transform_7(%arg0: i32) -> (i32, i32) {
    %c0_i32 = arith.constant 0 : i32
    %c0_i32_0 = arith.constant 0 : i32
    %c0_i32_1 = arith.constant 0 : i32
    return %c0_i32, %c0_i32_0 : i32, i32
  }
  func.func @transform_8(%arg0: i32) -> (i32, i32) {
    %c0_i32 = arith.constant 0 : i32
    %c0_i32_0 = arith.constant 0 : i32
    %c0_i32_1 = arith.constant 0 : i32
    return %c0_i32, %c0_i32_0 : i32, i32
  }
  func.func @transform_9(%arg0: i32) -> (i32, i32) {
    %c0_i32 = arith.constant 0 : i32
    %c0_i32_0 = arith.constant 0 : i32
    %c0_i32_1 = arith.constant 0 : i32
    return %c0_i32, %c0_i32_0 : i32, i32
  }
}

</mosaic_0001>

<sc_bundles>
// kernel: kernel.6.cloned.1.call-start
scs
__scs_entry_jumppad:
0x0: {  	(pc) =	sbr.rel $0x88, $3  }
0x1: {  	(tag) =	ssettag $0x0;
	lr =	simm.s32 $0x1  }
0x2: {  	[smem:$0x3F94] =	sst lr;
	_ =	strace $0xD0000000  }
0x3: {  	_ = 	snop  }
0x4: {  	_ = 	snop  }
0x5: {  	_ = 	snop  }
0x6: {  	_ = 	snop  }
0x7: {  	_ = 	snop  }
__scs_overlays_trampoline_lowered:
0x8: {  	[smem:$0x3FA3] =	sst s0  }
0x9: {  	[smem:$0x3FA4] =	sst s1  }
0xa: {  	[smem:$0x3FA5] =	sst s2  }
0xb: {  	[smem:$0x3FA6] =	sst s3  }
0xc: {  	[smem:$0x3FA7] =	sst s4  }
0xd: {  	[smem:$0x3FA8] =	sst s5  }
0xe: {  	[smem:$0x3FA9] =	sst s6  }
0xf: {  	[smem:$0x3FAA] =	sst s7  }
0x10: {  	[smem:$0x3FAB] =	sst s8  }
0x11: {  	[smem:$0x3FAC] =	sst s9;
	s0 =	simm.s32 @!p0 $0x0  }
0x12: {  	s1 =	sld [smem:$0x3F92];
	s0 =	simm.s32 @p0 $0x1  }
0x13: {  	[smem:$0x3FAD] =	sst s0;
	s0 =	simm.s32 @!p1 $0x0  }
0x14: {  	s2 =	sld [smem:$0x3F91];
	s0 =	simm.s32 @p1 $0x1  }
0x15: {  	[smem:$0x3FAE] =	sst s0;
	s0 =	simm.s32 @!p2 $0x0  }
0x16: {  	s3 =	sld [smem:$0x3FDB];
	s0 =	simm.s32 @p2 $0x1  }
0x17: {  	s4 =	simm.s32 $0x1BF5;
	[smem:$0x3FB0] =	sst s0  }
0x18: {  	s0 =	sld [smem:$0x3F93];
	_ =	swait.ge [sflag:s4], $0x0  }
0x19: {  	s7 =	sld [smem:$0x3F94]  }
0x1a: {  	s8 =	sadd.s32 $0xFFFFE003, lr  }
0x1b: {  	s9 =	sadd.s32 $0xFFFFFEF7, lr;
	s5 =	simm.s32 $0xFFFFFFFF;
	p2 =	slt.u32 s8, $0xFFFFF086  }
0x1c: {  	p1 =	slt.u32 s9, $0xF7A;
	s5 =	simm.s32 @!p2 $0x0  }
0x1d: {  	s5 =	simm.s32 @p1 $0x1;
	p0 =	seq.s32 s7, s2  }
0x1e: {  	s7 =	smul.u32 @!p0 $0xF7A, s2;
	p2 =	seq.s32 @!p0 s5, $0x0  }
0x1f: {  	s9 =	smul.u32 $0xF7A, s1;
	s8 =	simm.s32 @!p0 $0x1BF5;
	p2 =	por !p2, p0  }
0x20: {  	[sflag:s8] =	ssyncset.s32 @!p0 $0xFFFFF086;
	s6 =	sadd.s32 @!p0 s3, s7;
	s7 =	simm.s32 @!p0 $0x108  }
0x21: {  	s3 =	sadd.s32 s3, s9;
	s6 =	sadd.s32 @!p0 $0x88, s6;
	s7 =	simm.s32 @p2 $0x1082  }
0x22: {  	[simem:s7], [sflag:s8] =	dma.local @!p0 [hbm:s6], $0xF7A  }
0x23: {  	s9 =	sor.u32 $0xD0000000, s2;
	s6 =	simm.s32 $0x108;
	_ =	swait.ge @!p0 [sflag:s8], $0x0  }
0x24: {  	s3 =	sadd.s32 $0x88, s3;
	s6 =	simm.s32 @!p1 $0x1082;
	[sflag:s4] =	ssyncset.s32 $0xFFFFF086  }
0x25: {  	[simem:s6], [sflag:s4] =	dma.local [hbm:s3], $0xF7A  }
0x26: {  	[smem:$0x3F94] =	sst s1;
	(tag) =	ssettag s2;
	_ =	strace s9  }
0x27: {  	s1 =	sld [smem:$0x3FA4]  }
0x28: {  	s2 =	sld [smem:$0x3FA5]  }
0x29: {  	s4 =	sld [smem:$0x3FA7]  }
0x2a: {  	p0 =	seq.s32 s5, $0x0;
	s5 =	sld [smem:$0x3FA8]  }
0x2b: {  	s6 =	sld [smem:$0x3FA9]  }
0x2c: {  	s7 =	sld [smem:$0x3FAA]  }
0x2d: {  	s3 =	simm.s32 $0x108;
	s8 =	sld [smem:$0x3FAB]  }
0x2e: {  	s3 =	simm.s32 @!p0 $0x1082;
	s9 =	sld [smem:$0x3FAC]  }
0x2f: {  	lr =	sadd.s32 s0, s3;
	s0 =	sld [smem:$0x3FA3]  }
0x30: {  	s3 =	sld [smem:$0x3FA6]  }
0x31: {  	[smem:$0x3FAF] =	sst s10  }
0x32: {  	s10 =	sld [smem:$0x3FAD];
	_ =	sdelay $0x3  }
0x33: {  	p0 =	seq.s32 s10, $0x1;
	s10 =	sld [smem:$0x3FAF];
	_ =	sdelay $0x3  }
0x34: {  	[smem:$0x3FAF] =	sst s10  }
0x35: {  	s10 =	sld [smem:$0x3FAE];
	_ =	sdelay $0x3  }
0x36: {  	p1 =	seq.s32 s10, $0x1;
	s10 =	sld [smem:$0x3FAF];
	_ =	sdelay $0x3  }
0x37: {  	[smem:$0x3FAF] =	sst s10  }
0x38: {  	s10 =	sld [smem:$0x3FB0]  }
0x39: {  	_ = 	snop;
	(pc) =	sbr.ind lr, $3  }
0x3a: {  	_ = 	snop  }
0x3b: {  	_ = 	snop  }
0x3c: {  	p2 =	seq.s32 s10, $0x1;
	s10 =	sld [smem:$0x3FAF]  }
0x3d: {  	_ =	shalt  }
0x3e: {  	_ =	shalt  }
0x3f: {  	_ =	shalt  }
0x40: {  	_ =	shalt  }
0x41: {  	_ =	shalt  }
0x42: {  	_ =	shalt  }
0x43: {  	_ =	shalt  }
0x44: {  	_ =	shalt  }
0x45: {  	_ =	shalt  }
0x46: {  	_ =	shalt  }
0x47: {  	_ =	shalt  }
0x48: {  	_ =	shalt  }
0x49: {  	_ =	shalt  }
0x4a: {  	_ =	shalt  }
0x4b: {  	_ =	shalt  }
0x4c: {  	_ =	shalt  }
0x4d: {  	_ =	shalt  }
0x4e: {  	_ =	shalt  }
0x4f: {  	_ =	shalt  }
0x50: {  	_ =	shalt  }
0x51: {  	_ =	shalt  }
0x52: {  	_ =	shalt  }
0x53: {  	_ =	shalt  }
0x54: {  	_ =	shalt  }
0x55: {  	_ =	shalt  }
0x56: {  	_ =	shalt  }
0x57: {  	_ =	shalt  }
0x58: {  	_ =	shalt  }
0x59: {  	_ =	shalt  }
0x5a: {  	_ =	shalt  }
0x5b: {  	_ =	shalt  }
0x5c: {  	_ =	shalt  }
0x5d: {  	_ =	shalt  }
0x5e: {  	_ =	shalt  }
0x5f: {  	_ =	shalt  }
0x60: {  	_ =	shalt  }
0x61: {  	_ =	shalt  }
0x62: {  	_ =	shalt  }
0x63: {  	_ =	shalt  }
0x64: {  	_ =	shalt  }
0x65: {  	_ =	shalt  }
0x66: {  	_ =	shalt  }
0x67: {  	_ =	shalt  }
0x68: {  	_ =	shalt  }
0x69: {  	_ =	shalt  }
0x6a: {  	_ =	shalt  }
0x6b: {  	_ =	shalt  }
0x6c: {  	_ =	shalt  }
0x6d: {  	_ =	shalt  }
0x6e: {  	_ =	shalt  }
0x6f: {  	_ =	shalt  }
0x70: {  	_ =	shalt  }
0x71: {  	_ =	shalt  }
0x72: {  	_ =	shalt  }
0x73: {  	_ =	shalt  }
0x74: {  	_ =	shalt  }
0x75: {  	_ =	shalt  }
0x76: {  	_ =	shalt  }
0x77: {  	_ =	shalt  }
0x78: {  	_ =	shalt  }
0x79: {  	_ =	shalt  }
0x7a: {  	_ =	shalt  }
0x7b: {  	_ =	shalt  }
0x7c: {  	_ =	shalt  }
0x7d: {  	_ =	shalt  }
0x7e: {  	_ =	shalt  }
0x7f: {  	_ =	shalt  }
0x80: {  	_ =	shalt  }
0x81: {  	_ =	shalt  }
0x82: {  	_ =	shalt  }
0x83: {  	_ =	shalt  }
0x84: {  	_ =	shalt  }
0x85: {  	_ =	shalt  }
0x86: {  	_ =	shalt  }
0x87: {  	_ =	shalt  }
.Lfunc_end0:
.L_simem_size_0:
called_computation_lowered:
.L_overlay_start_0:
0x88: {  	s2 =	sld [smem:$0x3FD9]  }
0x89: {  	s3 =	sld [smem:$0x3FFE];
	_ =	sdelay $0x1  }
0x8a: {  	s1 =	srdreg.scid  }
0x8b: {  	s0 =	sand.u32 $0x1, s1  }
0x8c: {  	s16 =	sshll.u32 s0, $0xA;
	s2 =	sadd.s32 s3, s2  }
0x8d: {  	s2 =	sadd.s32 s2, s16  }
0x8e: {  	[smem:$0x3FBB] =	sst s2  }
0x8f: {  	_ = 	snop  }
0x90: {  	(tm) =	ssettm $0x1  }
0x91: {  	s17 =	sld [smem:$0x3FFB];
	_ =	sdelay $0x3  }
0x92: {  	_ =	strace s17  }
0x93: {  	s2 =	sld [smem:$0x3FFC];
	_ =	sdelay $0x3  }
0x94: {  	_ =	strace s2  }
0x95: {  	s2 =	sld [smem:$0x3FFD];
	_ =	sdelay $0x3  }
0x96: {  	_ =	strace s2  }
0x97: {  	_ =	strace $0x8FFFFFFF  }
0x98: {  	s18 =	sld [smem:$0x3FDB];
	_ =	sdelay $0x1  }
0x99: {  	s19 =	simm.s32 $_scs_section_size  }
0x9a: {  	s4 =	simm.s32 $_size__tile_overlayer_lowered;
	s5 =	simm.s32 $_tile_overlayer_lowered  }
0x9b: {  	s22 =	simm.s32 $0x1BFF;
	s21 =	sshll.u32 s5, $0x1;
	s2 =	sadd.s32 s19, s18  }
0x9c: {  	s6 =	simm.s32 $0x0;
	s20 =	sshll.u32 s4, $0x1;
	s4 =	sadd.s32 s21, s2  }
0x9d: {  	[timem:s6], [sflag:s22] =	dma.local [hbm:s4], s20  }
0x9e: {  	_ =	swait.ge [sflag:s22], s20  }
0x9f: {  	s3 =	ssub.s32 $0x0, s20;
	[sflag:s22] =	ssyncset.done $0x0  }
0xa0: {  	[sflag:s22] =	ssyncadd.s32 s3;
	_ =	sdelay $0x1  }
0xa1: {  	s23 =	simm.s32 $0x1B8B  }
0xa2: {  	_ =	swait.ge [sflag:s23], $0x1  }
0xa3: {  	[sflag:s23] =	ssyncset.done $0x0  }
0xa4: {  	s25 =	simm.s32 $0x1B8E;
	s24 =	sld [smem:$0x3FFE];
	[sflag:s23] =	ssyncadd.s32 $0xFFFFFFFF  }
0xa5: {  	s26 =	simm.s32 $execute0_lowered;
	[smem:$0x3FD2] =	sst s25  }
0xa6: {  	s4 =	sshll.u32 s26, $0x1;
	_ =	strace $0x80000046;
	[dreg:$0x1] =	wrdreg $0xFFFFFFFF  }
0xa7: {  	s28 =	simm.s32 $_size_execute0_lowered;
	s2 =	sadd.s32 s2, s4;
	[dreg:$0x0] =	wrdreg $0x0  }
0xa8: {  	s4 =	sshll.u32 s28, $0x1;
	[dreg:$0x2] =	wrdreg s2  }
0xa9: {  	[dreg:$0x3] =	wrdreg s4  }
0xaa: {  	[dreg:$0x4] =	wrdreg $0xC0  }
0xab: {  	_ =	task [dreg:s6], $0x5FFFF  }
0xac: {  	[dreg:$0x1] =	wrdreg $0xFFFFFFFF  }
0xad: {  	[dreg:$0x0] =	wrdreg $0x60  }
0xae: {  	[dreg:$0x2] =	wrdreg s24  }
0xaf: {  	[dreg:$0x3] =	wrdreg $0x70000  }
0xb0: {  	[dreg:$0x4] =	wrdreg $0x88800  }
0xb1: {  	[dreg:$0x5] =	wrdreg $0x9  }
0xb2: {  	_ =	task.clear_ibuf [dreg:s6], $0x6FFFF;
	_ =	strace $0x90000046  }
0xb3: {  	s29 =	simm.s32 $0x9;
	_ =	strace $0x80000048  }
0xb4: {  	_ =	swait.ge [sflag:s29], $0x1  }
0xb5: {  	[sflag:s29] =	ssyncadd.s32 $0xFFFFFFFF  }
0xb6: {  	_ =	strace $0x90000048  }
0xb7: {  	_ =	sfence  }
0xb8: {  	s30 =	sld [smem:$0x0];
	_ =	sdelay $0x2  }
0xb9: {  	s31 =	sshll.u32 s1, $0xD;
	s1 =	sshrl.u32 s1, $0x2  }
0xba: {  	s3 =	sand.u32 $0x4000, s31;
	s1 =	sadd.s32 s1, s30  }
0xbb: {  	s0 =	sor.u32 s3, s0;
	s1 =	sshll.u32 s1, $0x11  }
0xbc: {  	s0 =	sor.u32 s1, s0  }
0xbd: {  	s0 =	sadd.s32 $0x8F2B, s0  }
0xbe: {  	[sflag:s0] =	ssyncadd.remote.s32 $0x1  }
0xbf: {  	_ =	sfence.sel $0xFFFF  }
0xc0: {  	[dreg:$0x0] =	wrdreg $0xFFFFFFFF;
	(pc) =	sbr.abs _section_cstart, $3  }
0xc1: {  	[dreg:$0x1] =	wrdreg $0xFFFFFFFF  }
0xc2: {  	_ =	task.clear_ibuf [dreg:s6], $0x2FFFF;
	_ =	strace $0x9FFFFFFF  }
0xc3: {  	(tm) =	ssettm $0x7FFFFFFF  }
tec
execute0_lowered:
.L_overlay_start_1:
0x0: {  	(tag) =	ssettag $0x1  }
0x1: {  	s0 =	rddreg [dreg:$0x0]  }
0x2: {  	s1 =	rddreg [dreg:$0x1]  }
0x3: {  	s2 =	rddreg [dreg:$0x2];
	s3 =	srdreg.scid  }
0x4: {  	s5 =	simm.s32 $0x0;
	s6 =	stileid.u32;
	s28 =	simm.s32 $0xA  }
0x5: {  	s29 =	simm.s32 $0x80;
	s30 =	simm.s32 $0x5000;
	s31 =	simm.s32 $0x5400  }
0x6: {  	s3 =	sand.u32 $0x1, s3;
	[smem:$0x7FF] =	sst s5;
	s8 =	sadd.s32 $0x313400, s0  }
0x7: {  	s5 =	sadd.s32 $0x18B400, s0;
	s14 =	sshll.u32 s6, $0xE;
	s16 =	sshll.u32 s6, $0xB  }
0x8: {  	s17 =	sshll.u32 s6, $0x6;
	s18 =	sor.u32 $0x10, s6;
	s12 =	sor.u32 $0x20, s6  }
0x9: {  	p0 =	sne.s32 s6, $0x0;
	s4 =	sshll.u32 s3, $0x4;
	_ =	strace $0x80000047  }
0xa: {  	s9 =	smul.u32 $0x18800, s3;
	s3 =	ssub.s32 $0x2, s3;
	s15 =	sadd.s32 s14, s1  }
0xb: {  	[dreg:$0xa] =	wrdreg s17;
	s19 =	sshll.u32 s18, $0xE;
	s20 =	sshll.u32 s12, $0xE  }
0xc: {  	s12 =	sshll.u32 s12, $0xB;
	s4 =	sor.u32 s6, s4;
	s10 =	sshrl.u32 s3, $0x1  }
0xd: {  	s11 =	sadd.s32 s19, s1;
	s21 =	sadd.s32 s20, s2;
	s6 =	simm.s32 $0x1  }
0xe: {  	s7 =	smul.u32 $0x1400, s4;
	s9 =	sadd.s32 s9, s0;
	s3 =	ssub.s32 s3, s10  }
0xf: {  	s10 =	sor.u32 $0x1C0C, s17;
	s0 =	sadd.s32 $0x32B400, s0;
	s23 =	sshrl.u32 s11, $0x3  }
0x10: {  	s26 =	sshrl.u32 s21, $0x3;
	s11 =	simm.s32 $0x2;
	[dreg:$0xb] =	wrdreg s10  }
0x11: {  	s21 =	simm.s32 $0x6;
	s13 =	sadd.s32 $0x24EA00, s9;
	[dreg:$0xe] =	wrdreg s0  }
0x12: {  	s3 =	smax.u32 s3, $0x1;
	s9 =	sadd.s32 s8, s16;
	[dreg:$0x11] =	wrdreg s23  }
0x13: {  	s10 =	sadd.s32 s19, s2;
	s0 =	sadd.s32 $0xC0000, s2;
	[dreg:$0x14] =	wrdreg s26  }
0x14: {  	s26 =	simm.s32 $0x5C00;
	s16 =	simm.s32 $0x3;
	[dreg:$0x7] =	wrdreg s13  }
0x15: {  	s23 =	simm.s32 $0x8;
	s7 =	sshrl.u32 s7, $0x3;
	[dreg:$0x8] =	wrdreg s3  }
0x16: {  	[dreg:$0x9] =	wrdreg s9;
	s9 =	sshll.u32 s18, $0xB;
	s3 =	sshrl.u32 s15, $0x3  }
0x17: {  	s13 =	sadd.s32 s20, s1;
	s24 =	sshrl.u32 s10, $0x3;
	[dreg:$0xf] =	wrdreg s3  }
0x18: {  	s0 =	sshrl.u32 @!p0 s0, $0x3;
	s18 =	simm.s32 $0x4;
	[dreg:$0x12] =	wrdreg s24  }
0x19: {  	s20 =	simm.s32 $0x5;
	s7 =	sadd.s32 s5, s7;
	[dreg:$0x16] =	wrdreg s0  }
0x1a: {  	s9 =	sadd.s32 s8, s9;
	s8 =	sadd.s32 s8, s12;
	[dreg:$0x5] =	wrdreg s7  }
0x1b: {  	s25 =	sshrl.u32 s13, $0x3;
	s0 =	simm.s32 $0x5800;
	[dreg:$0xc] =	wrdreg s9  }
0x1c: {  	s24 =	simm.s32 $0x9;
	s7 =	sadd.s32 $0x61A80, s7;
	[dreg:$0xd] =	wrdreg s8  }
.Ltmp0:
0x1d: {  	s9 =	sadd.s32 $0xC0000, s1;
	[dreg:$0x13] =	wrdreg s25;
	(pc) =	sbr.rel .LBB2_1-.Ltmp0, $4  }
0x1e: {  	s8 =	simm.s32 $0x6800;
	s25 =	simm.s32 $0x0;
	[dreg:$0x6] =	wrdreg s7  }
0x1f: {  	s7 =	sadd.s32 s14, s2;
	s3 =	sshrl.u32 @!p0 s9, $0x3;
	s9 =	simm.s32 $0x6C00  }
0x20: {  	s22 =	sshrl.u32 s7, $0x3;
	[dreg:$0x15] =	wrdreg s3;
	s3 =	simm.s32 $0x6000  }
0x21: {  	s7 =	simm.s32 $0x6400;
	[dreg:$0x10] =	wrdreg s22;
	s22 =	simm.s32 $0x7  }
.LBB2_7:
0x22: {  	[bflag:$0x0] =	sbarrier.arrive $0xFFFF  }
0x23: {  	s10 =	sshrl.u32 @!p0 s2, $0x3;
	s12 =	simm.s32 @!p0 $0x1C0B;
	s13 =	rddreg [dreg:$0x7]  }
0x24: {  	[hbm:s13], [sflag:s12] =	dma.local @!p0 [spmem:s10], $0x18800  }
0x25: {  	s10 =	simm.s32 @!p0 $0xB  }
0x26: {  	_ =	swait.ge @!p0 [sflag:s10], $0x18800  }
0x27: {  	s25 =	sadd.s32 $0x1, s25;
	s19 =	rddreg [dreg:$0x8]  }
0x28: {  	p1 =	sne.s32 s25, s19  }
.Ltmp1:
0x29: {  	_ = 	snop;
	(pc) =	sbr.rel @!p1 .LBB2_8-.Ltmp1, $3  }
0x2a: {  	_ =	sdelay $0x1  }
0x2b: {  	[sflag:s10] =	ssyncset.done @!p0 $0x0  }
0x2c: {  	[sflag:s10] =	ssyncadd.s32 @!p0 $0xFFFE7800  }
.LBB2_1:
0x2d: {  	s12 =	rddreg [dreg:$0x9]  }
0x2e: {  	s13 =	rddreg [dreg:$0xb]  }
0x2f: {  	s10 =	rddreg [dreg:$0xf];
	s14 =	simm.s32 $0xC  }
0x30: {  	[spmem:s10], [sflag:s13] =	dma.local [hbm:s12], $0x800  }
0x31: {  	_ =	swait.ge [sflag:s14], $0x800  }
0x32: {  	[sflag:s14] =	ssyncset.done $0x0;
	s17 =	rddreg [dreg:$0xa]  }
0x33: {  	s15 =	rddreg [dreg:$0x10];
	[sflag:s14] =	ssyncadd.s32 $0xFFFFF800;
	s10 =	sor.u32 $0x1C0B, s17  }
0x34: {  	[spmem:s15], [sflag:s10] =	dma.local [hbm:s12], $0x800  }
0x35: {  	s15 =	simm.s32 $0xB  }
0x36: {  	_ =	swait.ge [sflag:s15], $0x800  }
0x37: {  	[sflag:s15] =	ssyncset.done $0x0;
	s12 =	rddreg [dreg:$0xc]  }
0x38: {  	s17 =	rddreg [dreg:$0x11];
	[sflag:s15] =	ssyncadd.s32 $0xFFFFF800  }
0x39: {  	[spmem:s17], [sflag:s13] =	dma.local [hbm:s12], $0x800  }
0x3a: {  	_ =	swait.ge [sflag:s14], $0x800  }
0x3b: {  	[sflag:s14] =	ssyncset.done $0x0  }
0x3c: {  	s19 =	rddreg [dreg:$0x12];
	[sflag:s14] =	ssyncadd.s32 $0xFFFFF800  }
0x3d: {  	[spmem:s19], [sflag:s10] =	dma.local [hbm:s12], $0x800  }
0x3e: {  	_ =	swait.ge [sflag:s15], $0x800  }
0x3f: {  	[sflag:s15] =	ssyncset.done $0x0;
	s12 =	rddreg [dreg:$0xd]  }
0x40: {  	s19 =	rddreg [dreg:$0x13];
	[sflag:s15] =	ssyncadd.s32 $0xFFFFF800  }
0x41: {  	[spmem:s19], [sflag:s13] =	dma.local [hbm:s12], $0x800  }
0x42: {  	_ =	swait.ge [sflag:s14], $0x800  }
0x43: {  	[sflag:s14] =	ssyncset.done $0x0  }
0x44: {  	s19 =	rddreg [dreg:$0x14];
	[sflag:s14] =	ssyncadd.s32 $0xFFFFF800  }
0x45: {  	[spmem:s19], [sflag:s10] =	dma.local [hbm:s12], $0x800  }
0x46: {  	_ =	swait.ge [sflag:s15], $0x800  }
0x47: {  	[sflag:s15] =	ssyncset.done $0x0;
	s14 =	rddreg [dreg:$0xe]  }
0x48: {  	s12 =	rddreg [dreg:$0x15];
	[sflag:s15] =	ssyncadd.s32 $0xFFFFF800  }
0x49: {  	[spmem:s12], [sflag:s13] =	dma.local @!p0 [hbm:s14], $0x800  }
0x4a: {  	s12 =	simm.s32 @!p0 $0xC  }
0x4b: {  	_ =	swait.ge @!p0 [sflag:s12], $0x800  }
0x4c: {  	[sflag:s12] =	ssyncset.done @!p0 $0x0  }
0x4d: {  	[sflag:s12] =	ssyncadd.s32 @!p0 $0xFFFFF800;
	s12 =	rddreg [dreg:$0x16]  }
0x4e: {  	[spmem:s12], [sflag:s10] =	dma.local @!p0 [hbm:s14], $0x800  }
0x4f: {  	s10 =	simm.s32 @!p0 $0xB  }
0x50: {  	_ =	swait.ge @!p0 [sflag:s10], $0x800  }
0x51: {  	[sflag:s10] =	ssyncset.done @!p0 $0x0  }
0x52: {  	s14 =	simm.s32 $0x0;
	s15 =	rddreg [dreg:$0x5];
	[sflag:s10] =	ssyncadd.s32 @!p0 $0xFFFFF800  }
0x53: {  	[tilespmem:s14], [sflag:$0xA] =	stream.linear.gather [hbm4b:s15+s14], $0x1400, $0x38;
	[tilespmem:$0xA100] =	vst v63  }
.Ltmp2:
0x54: {  	_ = 	snop;
	(pc) =	sbr.rel .LBB2_2-.Ltmp2, $4  }
0x55: {  	s19 =	simm.s32 $0x2800;
	s17 =	rddreg [dreg:$0x6]  }
0x56: {  	[tilespmem:s19], [sflag:$0xA] =	stream.linear.gather [hbm4b:s17+s14], $0x1400, $0x38;
	[tilespmem:$0xA100] =	vst v63  }
0x57: {  	[bflag:$0x0] =	sbarrier.arrive $0xFFFF  }
0x58: {  	s10 =	simm.s32 $0x0  }
.LBB2_6:
0x59: {  	s10 =	sadd.s32 $0x1, s10  }
0x5a: {  	p1 =	sne.s32 s10, $0x14  }
.Ltmp3:
0x5b: {  	_ = 	snop;
	(pc) =	sbr.rel @!p1 .LBB2_7-.Ltmp3, $1  }
0x5c: {  	_ =	sdelay $0x3  }
.LBB2_2:
0x5d: {  	s12 =	sshll.u32 s10, $0x5  }
0x5e: {  	s12 =	sor.u32 s4, s12  }
0x5f: {  	p1 =	sgt.u32 s12, $0x270  }
.Ltmp4:
0x60: {  	_ = 	snop;
	(pc) =	sbr.rel @p1 .LBB2_6-.Ltmp4, $1  }
0x61: {  	_ =	sdelay $0x3  }
0x62: {  	_ =	swait.ge [sflag:s28], $0x1400;
	p1 =	sgt.u32 s12, $0x250  }
0x63: {  	[sflag:s28] =	ssyncset.done $0x0;
	s12 =	smul.u32 @!p1 $0x1400, s12  }
0x64: {  	s13 =	sxor.u32 @!p1 $0xFFFFFFFF, s10;
	[sflag:s28] =	ssyncadd.s32 $0xFFFFEC00  }
0x65: {  	s13 =	sand.u32 @!p1 $0x1, s13;
	_ =	swait.ge [sflag:s28], $0x1400;
	s12 =	sshrl.u32 @!p1 s12, $0x3  }
0x66: {  	s13 =	smul.u32 @!p1 $0x1400, s13;
	[sflag:s28] =	ssyncset.done $0x0;
	s12 =	sadd.s32 @!p1 s5, s12  }
0x67: {  	s15 =	simm.s32 @!p1 $0x0;
	[sflag:s28] =	ssyncadd.s32 $0xFFFFEC00;
	s14 =	sadd.s32 @!p1 $0x5000, s12  }
0x68: {  	[tilespmem:s13], [sflag:$0xA] =	stream.linear.gather @!p1 [hbm4b:s14+s15], $0x1400, $0x38;
	[tilespmem:$0xA100] =	vst v63  }
0x69: {  	s17 =	sand.u32 $0x1, s10;
	s12 =	sadd.s32 @!p1 $0x66A80, s12;
	s13 =	sadd.s32 @!p1 $0x2800, s13  }
0x6a: {  	[tilespmem:s13], [sflag:$0xA] =	stream.linear.gather @!p1 [hbm4b:s12+s15], $0x1400, $0x38;
	[tilespmem:$0xA100] =	vst v63  }
0x6b: {  	p1 =	seq.s32 s17, $0x1;
	s13 =	simm.s32 $0x1400  }
0x6c: {  	s13 =	simm.s32 @!p1 $0x0  }
0x6d: {  	s12 =	sadd.s32 $0x0, s13  }
0x6e: {  	[tilespmem:s30], [sflag:$0x1] =	stream.indirect.gather [spmem:s1], $0x1, s12, s29, $0xb8;
	[tilespmem:$0xA100] =	vst v63  }
0x6f: {  	s19 =	sadd.s32 $0x80, s12  }
0x70: {  	[tilespmem:s31], [sflag:$0x2] =	stream.indirect.gather [spmem:s1], $0x1, s19, s29, $0xb8;
	[tilespmem:$0xA100] =	vst v63  }
0x71: {  	s15 =	sadd.s32 $0x100, s12  }
0x72: {  	[tilespmem:s0], [sflag:$0x3] =	stream.indirect.gather [spmem:s1], $0x1, s15, s29, $0xb8;
	[tilespmem:$0xA100] =	vst v63  }
0x73: {  	s17 =	sadd.s32 $0x180, s12  }
0x74: {  	[tilespmem:s26], [sflag:$0x4] =	stream.indirect.gather [spmem:s1], $0x1, s17, s29, $0xb8;
	[tilespmem:$0xA100] =	vst v63  }
0x75: {  	s19 =	sadd.s32 $0x200, s12  }
0x76: {  	[tilespmem:s3], [sflag:$0x5] =	stream.indirect.gather [spmem:s1], $0x1, s19, s29, $0xb8;
	[tilespmem:$0xA100] =	vst v63  }
0x77: {  	s15 =	sadd.s32 $0x280, s12  }
0x78: {  	[tilespmem:s7], [sflag:$0x6] =	stream.indirect.gather [spmem:s1], $0x1, s15, s29, $0xb8;
	[tilespmem:$0xA100] =	vst v63  }
0x79: {  	s17 =	sadd.s32 $0x300, s12;
	s19 =	sor.u32 $0x2800, s13  }
0x7a: {  	[tilespmem:s8], [sflag:$0x7] =	stream.indirect.gather [spmem:s1], $0x1, s17, s29, $0xb8;
	[tilespmem:$0xA100] =	vst v63  }
0x7b: {  	s12 =	sadd.s32 $0x380, s12;
	[dreg:$0x4] =	wrdreg s19  }
0x7c: {  	[tilespmem:s9], [sflag:$0x8] =	stream.indirect.gather [spmem:s1], $0x1, s12, s29, $0xb8;
	[tilespmem:$0xA100] =	vst v63  }
0x7d: {  	_ =	swait.ge [sflag:s6], $0x80  }
0x7e: {  	s14 =	rddreg [dreg:$0x4];
	[sflag:s6] =	ssyncset.done $0x0  }
0x7f: {  	[sflag:s6] =	ssyncadd.s32 $0xFFFFFF80;
	s12 =	sadd.s32 $0x0, s14  }
0x80: {  	[spmem:s2] =	stream.indirect.scatter.add.f32 [tilespmem:s30], [sflag:$0x9], $0x1, s12, s29, $0xb8;
	[tilespmem:$0xA100] =	vst v63  }
0x81: {  	_ =	swait.ge [sflag:s11], $0x80  }
0x82: {  	[sflag:s11] =	ssyncset.done $0x0  }
0x83: {  	s15 =	sadd.s32 $0x80, s12;
	[sflag:s11] =	ssyncadd.s32 $0xFFFFFF80  }
0x84: {  	[spmem:s2] =	stream.indirect.scatter.add.f32 [tilespmem:s31], [sflag:$0x9], $0x1, s15, s29, $0xb8;
	[tilespmem:$0xA100] =	vst v63  }
0x85: {  	_ =	swait.ge [sflag:s16], $0x80  }
0x86: {  	[sflag:s16] =	ssyncset.done $0x0  }
0x87: {  	s17 =	sadd.s32 $0x100, s12;
	[sflag:s16] =	ssyncadd.s32 $0xFFFFFF80  }
0x88: {  	[spmem:s2] =	stream.indirect.scatter.add.f32 [tilespmem:s0], [sflag:$0x9], $0x1, s17, s29, $0xb8;
	[tilespmem:$0xA100] =	vst v63  }
0x89: {  	_ =	swait.ge [sflag:s18], $0x80  }
0x8a: {  	[sflag:s18] =	ssyncset.done $0x0  }
0x8b: {  	s19 =	sadd.s32 $0x180, s12;
	[sflag:s18] =	ssyncadd.s32 $0xFFFFFF80  }
0x8c: {  	[spmem:s2] =	stream.indirect.scatter.add.f32 [tilespmem:s26], [sflag:$0x9], $0x1, s19, s29, $0xb8;
	[tilespmem:$0xA100] =	vst v63  }
0x8d: {  	_ =	swait.ge [sflag:s20], $0x80  }
0x8e: {  	[sflag:s20] =	ssyncset.done $0x0  }
0x8f: {  	s15 =	sadd.s32 $0x200, s12;
	[sflag:s20] =	ssyncadd.s32 $0xFFFFFF80  }
0x90: {  	[spmem:s2] =	stream.indirect.scatter.add.f32 [tilespmem:s3], [sflag:$0x9], $0x1, s15, s29, $0xb8;
	[tilespmem:$0xA100] =	vst v63  }
0x91: {  	_ =	swait.ge [sflag:s21], $0x80  }
0x92: {  	[sflag:s21] =	ssyncset.done $0x0  }
0x93: {  	s17 =	sadd.s32 $0x280, s12;
	[sflag:s21] =	ssyncadd.s32 $0xFFFFFF80  }
0x94: {  	[spmem:s2] =	stream.indirect.scatter.add.f32 [tilespmem:s7], [sflag:$0x9], $0x1, s17, s29, $0xb8;
	[tilespmem:$0xA100] =	vst v63  }
0x95: {  	_ =	swait.ge [sflag:s22], $0x80  }
0x96: {  	[sflag:s22] =	ssyncset.done $0x0  }
0x97: {  	s19 =	sadd.s32 $0x300, s12;
	[sflag:s22] =	ssyncadd.s32 $0xFFFFFF80  }
0x98: {  	[spmem:s2] =	stream.indirect.scatter.add.f32 [tilespmem:s8], [sflag:$0x9], $0x1, s19, s29, $0xb8;
	[tilespmem:$0xA100] =	vst v63  }
0x99: {  	_ =	swait.ge [sflag:s23], $0x80  }
0x9a: {  	[sflag:s23] =	ssyncset.done $0x0  }
0x9b: {  	s12 =	sadd.s32 $0x380, s12;
	[sflag:s23] =	ssyncadd.s32 $0xFFFFFF80  }
0x9c: {  	[spmem:s2] =	stream.indirect.scatter.add.f32 [tilespmem:s9], [sflag:$0x9], $0x1, s12, s29, $0xb8;
	[tilespmem:$0xA100] =	vst v63  }
0x9d: {  	_ =	swait.ge [sflag:s24], $0x80  }
0x9e: {  	[sflag:s24] =	ssyncset.done $0x0  }
0x9f: {  	[sflag:s24] =	ssyncadd.s32 $0xFFFFFF80  }
0xa0: {  	_ =	swait.ge [sflag:s24], $0x80  }
0xa1: {  	[sflag:s24] =	ssyncset.done $0x0  }
0xa2: {  	[sflag:s24] =	ssyncadd.s32 $0xFFFFFF80  }
0xa3: {  	_ =	swait.ge [sflag:s24], $0x80  }
0xa4: {  	[sflag:s24] =	ssyncset.done $0x0  }
0xa5: {  	[sflag:s24] =	ssyncadd.s32 $0xFFFFFF80  }
0xa6: {  	_ =	swait.ge [sflag:s24], $0x80  }
0xa7: {  	[sflag:s24] =	ssyncset.done $0x0  }
0xa8: {  	[sflag:s24] =	ssyncadd.s32 $0xFFFFFF80  }
0xa9: {  	_ =	swait.ge [sflag:s24], $0x80  }
0xaa: {  	[sflag:s24] =	ssyncset.done $0x0  }
0xab: {  	[sflag:s24] =	ssyncadd.s32 $0xFFFFFF80  }
0xac: {  	_ =	swait.ge [sflag:s24], $0x80  }
0xad: {  	[sflag:s24] =	ssyncset.done $0x0  }
0xae: {  	[sflag:s24] =	ssyncadd.s32 $0xFFFFFF80  }
0xaf: {  	_ =	swait.ge [sflag:s24], $0x80  }
0xb0: {  	[sflag:s24] =	ssyncset.done $0x0  }
0xb1: {  	[sflag:s24] =	ssyncadd.s32 $0xFFFFFF80  }
0xb2: {  	_ =	swait.ge [sflag:s24], $0x80  }
0xb3: {  	s14 =	simm.s32 $0x2000;
	s12 =	simm.s32 $0x400;
	[sflag:s24] =	ssyncset.done $0x0  }
.LBB2_4:
0xb4: {  	s19 =	sadd.s32 s12, s13;
	[sflag:s24] =	ssyncadd.s32 $0xFFFFFF80;
	s15 =	smov.u32 s14  }
0xb5: {  	[tilespmem:s30], [sflag:$0x1] =	stream.indirect.gather [spmem:s1], $0x1, s19, s29, $0xb8;
	[tilespmem:$0xA100] =	vst v63  }
0xb6: {  	s17 =	sadd.s32 $0x1000, s14;
	p1 =	sne.s32 s14, $0x4000;
	s14 =	sadd.s32 $0x80, s19  }
0xb7: {  	[tilespmem:s31], [sflag:$0x2] =	stream.indirect.gather [spmem:s1], $0x1, s14, s29, $0xb8;
	[tilespmem:$0xA100] =	vst v63  }
0xb8: {  	s14 =	sadd.s32 $0x100, s19  }
0xb9: {  	[tilespmem:s0], [sflag:$0x3] =	stream.indirect.gather [spmem:s1], $0x1, s14, s29, $0xb8;
	[tilespmem:$0xA100] =	vst v63  }
0xba: {  	s14 =	sadd.s32 $0x180, s19  }
0xbb: {  	[tilespmem:s26], [sflag:$0x4] =	stream.indirect.gather [spmem:s1], $0x1, s14, s29, $0xb8;
	[tilespmem:$0xA100] =	vst v63  }
0xbc: {  	s14 =	sadd.s32 $0x200, s19  }
0xbd: {  	[tilespmem:s3], [sflag:$0x5] =	stream.indirect.gather [spmem:s1], $0x1, s14, s29, $0xb8;
	[tilespmem:$0xA100] =	vst v63  }
0xbe: {  	s14 =	sadd.s32 $0x280, s19  }
0xbf: {  	[tilespmem:s7], [sflag:$0x6] =	stream.indirect.gather [spmem:s1], $0x1, s14, s29, $0xb8;
	[tilespmem:$0xA100] =	vst v63  }
0xc0: {  	s14 =	sadd.s32 $0x300, s19  }
0xc1: {  	[tilespmem:s8], [sflag:$0x7] =	stream.indirect.gather [spmem:s1], $0x1, s14, s29, $0xb8;
	[tilespmem:$0xA100] =	vst v63  }
0xc2: {  	s19 =	sadd.s32 $0x380, s19  }
0xc3: {  	[tilespmem:s9], [sflag:$0x8] =	stream.indirect.gather [spmem:s1], $0x1, s19, s29, $0xb8;
	[tilespmem:$0xA100] =	vst v63  }
0xc4: {  	_ =	swait.ge [sflag:s6], $0x80  }
0xc5: {  	s19 =	rddreg [dreg:$0x4];
	[sflag:s6] =	ssyncset.done $0x0  }
0xc6: {  	[sflag:s6] =	ssyncadd.s32 $0xFFFFFF80;
	s12 =	sadd.s32 s12, s19  }
0xc7: {  	[spmem:s2] =	stream.indirect.scatter.add.f32 [tilespmem:s30], [sflag:$0x9], $0x1, s12, s29, $0xb8;
	[tilespmem:$0xA100] =	vst v63  }
0xc8: {  	_ =	swait.ge [sflag:s11], $0x80  }
0xc9: {  	[sflag:s11] =	ssyncset.done $0x0  }
0xca: {  	s14 =	sadd.s32 $0x80, s12;
	[sflag:s11] =	ssyncadd.s32 $0xFFFFFF80  }
0xcb: {  	[spmem:s2] =	stream.indirect.scatter.add.f32 [tilespmem:s31], [sflag:$0x9], $0x1, s14, s29, $0xb8;
	[tilespmem:$0xA100] =	vst v63  }
0xcc: {  	_ =	swait.ge [sflag:s16], $0x80  }
0xcd: {  	[sflag:s16] =	ssyncset.done $0x0  }
0xce: {  	s19 =	sadd.s32 $0x100, s12;
	[sflag:s16] =	ssyncadd.s32 $0xFFFFFF80  }
0xcf: {  	[spmem:s2] =	stream.indirect.scatter.add.f32 [tilespmem:s0], [sflag:$0x9], $0x1, s19, s29, $0xb8;
	[tilespmem:$0xA100] =	vst v63  }
0xd0: {  	_ =	swait.ge [sflag:s18], $0x80  }
0xd1: {  	[sflag:s18] =	ssyncset.done $0x0  }
0xd2: {  	s19 =	sadd.s32 $0x180, s12;
	[sflag:s18] =	ssyncadd.s32 $0xFFFFFF80  }
0xd3: {  	[spmem:s2] =	stream.indirect.scatter.add.f32 [tilespmem:s26], [sflag:$0x9], $0x1, s19, s29, $0xb8;
	[tilespmem:$0xA100] =	vst v63  }
0xd4: {  	_ =	swait.ge [sflag:s20], $0x80  }
0xd5: {  	[sflag:s20] =	ssyncset.done $0x0  }
0xd6: {  	s19 =	sadd.s32 $0x200, s12;
	[sflag:s20] =	ssyncadd.s32 $0xFFFFFF80  }
0xd7: {  	[spmem:s2] =	stream.indirect.scatter.add.f32 [tilespmem:s3], [sflag:$0x9], $0x1, s19, s29, $0xb8;
	[tilespmem:$0xA100] =	vst v63  }
0xd8: {  	_ =	swait.ge [sflag:s21], $0x80  }
0xd9: {  	[sflag:s21] =	ssyncset.done $0x0  }
0xda: {  	s19 =	sadd.s32 $0x280, s12;
	[sflag:s21] =	ssyncadd.s32 $0xFFFFFF80  }
0xdb: {  	[spmem:s2] =	stream.indirect.scatter.add.f32 [tilespmem:s7], [sflag:$0x9], $0x1, s19, s29, $0xb8;
	[tilespmem:$0xA100] =	vst v63  }
0xdc: {  	_ =	swait.ge [sflag:s22], $0x80  }
0xdd: {  	[sflag:s22] =	ssyncset.done $0x0  }
0xde: {  	s19 =	sadd.s32 $0x300, s12;
	[sflag:s22] =	ssyncadd.s32 $0xFFFFFF80  }
0xdf: {  	[spmem:s2] =	stream.indirect.scatter.add.f32 [tilespmem:s8], [sflag:$0x9], $0x1, s19, s29, $0xb8;
	[tilespmem:$0xA100] =	vst v63  }
0xe0: {  	_ =	swait.ge [sflag:s23], $0x80  }
0xe1: {  	[sflag:s23] =	ssyncset.done $0x0  }
0xe2: {  	s12 =	sadd.s32 $0x380, s12;
	[sflag:s23] =	ssyncadd.s32 $0xFFFFFF80  }
0xe3: {  	[spmem:s2] =	stream.indirect.scatter.add.f32 [tilespmem:s9], [sflag:$0x9], $0x1, s12, s29, $0xb8;
	[tilespmem:$0xA100] =	vst v63  }
0xe4: {  	_ =	swait.ge [sflag:s24], $0x80  }
0xe5: {  	[sflag:s24] =	ssyncset.done $0x0  }
0xe6: {  	[sflag:s24] =	ssyncadd.s32 $0xFFFFFF80  }
0xe7: {  	_ =	swait.ge [sflag:s24], $0x80  }
0xe8: {  	[sflag:s24] =	ssyncset.done $0x0  }
0xe9: {  	[sflag:s24] =	ssyncadd.s32 $0xFFFFFF80  }
0xea: {  	_ =	swait.ge [sflag:s24], $0x80  }
0xeb: {  	[sflag:s24] =	ssyncset.done $0x0  }
0xec: {  	[sflag:s24] =	ssyncadd.s32 $0xFFFFFF80  }
0xed: {  	_ =	swait.ge [sflag:s24], $0x80  }
0xee: {  	[sflag:s24] =	ssyncset.done $0x0  }
0xef: {  	[sflag:s24] =	ssyncadd.s32 $0xFFFFFF80  }
0xf0: {  	_ =	swait.ge [sflag:s24], $0x80  }
0xf1: {  	[sflag:s24] =	ssyncset.done $0x0  }
0xf2: {  	[sflag:s24] =	ssyncadd.s32 $0xFFFFFF80  }
0xf3: {  	_ =	swait.ge [sflag:s24], $0x80  }
0xf4: {  	[sflag:s24] =	ssyncset.done $0x0  }
0xf5: {  	[sflag:s24] =	ssyncadd.s32 $0xFFFFFF80  }
.Ltmp5:
0xf6: {  	_ =	swait.ge [sflag:s24], $0x80;
	(pc) =	sbr.rel @p1 .LBB2_4-.Ltmp5, $4  }
0xf7: {  	[sflag:s24] =	ssyncset.done $0x0  }
0xf8: {  	[sflag:s24] =	ssyncadd.s32 $0xFFFFFF80  }
0xf9: {  	_ =	swait.ge [sflag:s24], $0x80  }
0xfa: {  	s14 =	smov.u32 s17;
	s12 =	sshra.s32 s15, $0x2;
	[sflag:s24] =	ssyncset.done $0x0  }
0xfb: {  	s13 =	sadd.s32 s12, s13;
	[sflag:s24] =	ssyncadd.s32 $0xFFFFFF80  }
0xfc: {  	[tilespmem:s30], [sflag:$0x1] =	stream.indirect.gather [spmem:s1], $0x1, s13, s29, $0xb8;
	[tilespmem:$0xA100] =	vst v63  }
0xfd: {  	s14 =	sadd.s32 $0x80, s13  }
0xfe: {  	[tilespmem:s31], [sflag:$0x2] =	stream.indirect.gather [spmem:s1], $0x1, s14, s29, $0xb8;
	[tilespmem:$0xA100] =	vst v63  }
0xff: {  	s19 =	sadd.s32 $0x100, s13  }
0x100: {  	[tilespmem:s0], [sflag:$0x3] =	stream.indirect.gather [spmem:s1], $0x1, s19, s29, $0xb8;
	[tilespmem:$0xA100] =	vst v63  }
0x101: {  	s15 =	sadd.s32 $0x180, s13  }
0x102: {  	[tilespmem:s26], [sflag:$0x4] =	stream.indirect.gather [spmem:s1], $0x1, s15, s29, $0xb8;
	[tilespmem:$0xA100] =	vst v63  }
0x103: {  	s17 =	sadd.s32 $0x200, s13  }
0x104: {  	[tilespmem:s3], [sflag:$0x5] =	stream.indirect.gather [spmem:s1], $0x1, s17, s29, $0xb8;
	[tilespmem:$0xA100] =	vst v63  }
0x105: {  	s19 =	sadd.s32 $0x280, s13  }
0x106: {  	[tilespmem:s7], [sflag:$0x6] =	stream.indirect.gather [spmem:s1], $0x1, s19, s29, $0xb8;
	[tilespmem:$0xA100] =	vst v63  }
0x107: {  	s15 =	sadd.s32 $0x300, s13  }
0x108: {  	[tilespmem:s8], [sflag:$0x7] =	stream.indirect.gather [spmem:s1], $0x1, s15, s29, $0xb8;
	[tilespmem:$0xA100] =	vst v63  }
0x109: {  	s13 =	sadd.s32 $0x380, s13  }
0x10a: {  	[tilespmem:s9], [sflag:$0x8] =	stream.indirect.gather [spmem:s1], $0x1, s13, s29, $0xb8;
	[tilespmem:$0xA100] =	vst v63  }
0x10b: {  	_ =	swait.ge [sflag:s6], $0x80  }
0x10c: {  	s17 =	rddreg [dreg:$0x4];
	[sflag:s6] =	ssyncset.done $0x0  }
0x10d: {  	[sflag:s6] =	ssyncadd.s32 $0xFFFFFF80;
	s12 =	sadd.s32 s12, s17  }
0x10e: {  	[spmem:s2] =	stream.indirect.scatter.add.f32 [tilespmem:s30], [sflag:$0x9], $0x1, s12, s29, $0xb8;
	[tilespmem:$0xA100] =	vst v63  }
0x10f: {  	_ =	swait.ge [sflag:s11], $0x80  }
0x110: {  	[sflag:s11] =	ssyncset.done $0x0  }
0x111: {  	s13 =	sadd.s32 $0x80, s12;
	[sflag:s11] =	ssyncadd.s32 $0xFFFFFF80  }
0x112: {  	[spmem:s2] =	stream.indirect.scatter.add.f32 [tilespmem:s31], [sflag:$0x9], $0x1, s13, s29, $0xb8;
	[tilespmem:$0xA100] =	vst v63  }
0x113: {  	_ =	swait.ge [sflag:s16], $0x80  }
0x114: {  	[sflag:s16] =	ssyncset.done $0x0  }
0x115: {  	s19 =	sadd.s32 $0x100, s12;
	[sflag:s16] =	ssyncadd.s32 $0xFFFFFF80  }
0x116: {  	[spmem:s2] =	stream.indirect.scatter.add.f32 [tilespmem:s0], [sflag:$0x9], $0x1, s19, s29, $0xb8;
	[tilespmem:$0xA100] =	vst v63  }
0x117: {  	_ =	swait.ge [sflag:s18], $0x80  }
0x118: {  	[sflag:s18] =	ssyncset.done $0x0  }
0x119: {  	s14 =	sadd.s32 $0x180, s12;
	[sflag:s18] =	ssyncadd.s32 $0xFFFFFF80  }
0x11a: {  	[spmem:s2] =	stream.indirect.scatter.add.f32 [tilespmem:s26], [sflag:$0x9], $0x1, s14, s29, $0xb8;
	[tilespmem:$0xA100] =	vst v63  }
0x11b: {  	_ =	swait.ge [sflag:s20], $0x80  }
0x11c: {  	[sflag:s20] =	ssyncset.done $0x0  }
0x11d: {  	s15 =	sadd.s32 $0x200, s12;
	[sflag:s20] =	ssyncadd.s32 $0xFFFFFF80  }
0x11e: {  	[spmem:s2] =	stream.indirect.scatter.add.f32 [tilespmem:s3], [sflag:$0x9], $0x1, s15, s29, $0xb8;
	[tilespmem:$0xA100] =	vst v63  }
0x11f: {  	_ =	swait.ge [sflag:s21], $0x80  }
0x120: {  	[sflag:s21] =	ssyncset.done $0x0  }
0x121: {  	s17 =	sadd.s32 $0x280, s12;
	[sflag:s21] =	ssyncadd.s32 $0xFFFFFF80  }
0x122: {  	[spmem:s2] =	stream.indirect.scatter.add.f32 [tilespmem:s7], [sflag:$0x9], $0x1, s17, s29, $0xb8;
	[tilespmem:$0xA100] =	vst v63  }
0x123: {  	_ =	swait.ge [sflag:s22], $0x80  }
0x124: {  	[sflag:s22] =	ssyncset.done $0x0  }
0x125: {  	s19 =	sadd.s32 $0x300, s12;
	[sflag:s22] =	ssyncadd.s32 $0xFFFFFF80  }
0x126: {  	[spmem:s2] =	stream.indirect.scatter.add.f32 [tilespmem:s8], [sflag:$0x9], $0x1, s19, s29, $0xb8;
	[tilespmem:$0xA100] =	vst v63  }
0x127: {  	_ =	swait.ge [sflag:s23], $0x80  }
0x128: {  	[sflag:s23] =	ssyncset.done $0x0  }
0x129: {  	s12 =	sadd.s32 $0x380, s12;
	[sflag:s23] =	ssyncadd.s32 $0xFFFFFF80  }
0x12a: {  	[spmem:s2] =	stream.indirect.scatter.add.f32 [tilespmem:s9], [sflag:$0x9], $0x1, s12, s29, $0xb8;
	[tilespmem:$0xA100] =	vst v63  }
0x12b: {  	_ =	swait.ge [sflag:s24], $0x80  }
0x12c: {  	[sflag:s24] =	ssyncset.done $0x0  }
0x12d: {  	[sflag:s24] =	ssyncadd.s32 $0xFFFFFF80  }
0x12e: {  	_ =	swait.ge [sflag:s24], $0x80  }
0x12f: {  	[sflag:s24] =	ssyncset.done $0x0  }
0x130: {  	[sflag:s24] =	ssyncadd.s32 $0xFFFFFF80  }
0x131: {  	_ =	swait.ge [sflag:s24], $0x80  }
0x132: {  	[sflag:s24] =	ssyncset.done $0x0  }
0x133: {  	[sflag:s24] =	ssyncadd.s32 $0xFFFFFF80  }
0x134: {  	_ =	swait.ge [sflag:s24], $0x80  }
0x135: {  	[sflag:s24] =	ssyncset.done $0x0  }
0x136: {  	[sflag:s24] =	ssyncadd.s32 $0xFFFFFF80  }
0x137: {  	_ =	swait.ge [sflag:s24], $0x80  }
0x138: {  	[sflag:s24] =	ssyncset.done $0x0  }
0x139: {  	[sflag:s24] =	ssyncadd.s32 $0xFFFFFF80  }
0x13a: {  	_ =	swait.ge [sflag:s24], $0x80  }
0x13b: {  	[sflag:s24] =	ssyncset.done $0x0  }
0x13c: {  	[sflag:s24] =	ssyncadd.s32 $0xFFFFFF80  }
0x13d: {  	_ =	swait.ge [sflag:s24], $0x80  }
.Ltmp6:
0x13e: {  	[sflag:s24] =	ssyncset.done $0x0;
	(pc) =	sbr.rel .LBB2_6-.Ltmp6, $4  }
0x13f: {  	[sflag:s24] =	ssyncadd.s32 $0xFFFFFF80  }
0x140: {  	_ =	swait.ge [sflag:s24], $0x80  }
0x141: {  	[sflag:s24] =	ssyncset.done $0x0  }
0x142: {  	[sflag:s24] =	ssyncadd.s32 $0xFFFFFF80  }
.LBB2_8:
0x143: {  	_ =	sfence.sel $0x180000  }
0x144: {  	[bflag:$0x0] =	sbarrier.arrive $0xFFFF  }
0x145: {  	_ =	strace $0x90000047  }
0x146: {  	[bflag:$0x2] =	sbarrier.arrive $0xFFFF  }
0x147: {  	s0 =	rddreg [dreg:$0x3]  }
0x148: {  	s0 =	sadd.s32 @!p0 $0x100000, s0  }
0x149: {  	[sflag:s0] =	ssyncadd.tile.s32 @!p0 $0x1;
	_ =	shalt  }
.Lfunc_end2:
_tile_overlayer_lowered:
.L_overlay_start_2:
0x14a: {  	(tag) =	ssettag $0x2  }
0x14b: {  	s0 =	rddreg [dreg:$0x0];
	s2 =	stileid.u32  }
0x14c: {  	s1 =	rddreg [dreg:$0x1];
	p0 =	sne.s32 s2, $0x0  }
0x14d: {  	s3 =	rddreg [dreg:$0x2];
	[bflag:$0x3] =	sbarrier.arrive $0xFFFF;
	s2 =	simm.s32 @!p0 $0x1C0B  }
0x14e: {  	[timem:s3], [sflag:s2] =	dma.local @!p0 [hbm:s0], s1  }
0x14f: {  	s0 =	simm.s32 @!p0 $0xB  }
0x150: {  	_ =	swait.ge @!p0 [sflag:s0], s1  }
0x151: {  	s1 =	ssub.s32 @!p0 $0x0, s1;
	[sflag:s0] =	ssyncset.done @!p0 $0x0  }
0x152: {  	[sflag:s0] =	ssyncadd.s32 @!p0 s1  }
0x153: {  	[bflag:$0x3] =	sbarrier.arrive $0xFFFF  }
0x154: {  	_ =	shalt  }

// kernel: kernel.9.cloned.1.call-start
scs
__scs_entry_jumppad:
0x0: {  	(pc) =	sbr.rel $0x88, $3  }
0x1: {  	(tag) =	ssettag $0x0;
	lr =	simm.s32 $0x1  }
0x2: {  	[smem:$0x3F94] =	sst lr;
	_ =	strace $0xD0000000  }
0x3: {  	_ = 	snop  }
0x4: {  	_ = 	snop  }
0x5: {  	_ = 	snop  }
0x6: {  	_ = 	snop  }
0x7: {  	_ = 	snop  }
__scs_overlays_trampoline_lowered:
0x8: {  	[smem:$0x3FA3] =	sst s0  }
0x9: {  	[smem:$0x3FA4] =	sst s1  }
0xa: {  	[smem:$0x3FA5] =	sst s2  }
0xb: {  	[smem:$0x3FA6] =	sst s3  }
0xc: {  	[smem:$0x3FA7] =	sst s4  }
0xd: {  	[smem:$0x3FA8] =	sst s5  }
0xe: {  	[smem:$0x3FA9] =	sst s6  }
0xf: {  	[smem:$0x3FAA] =	sst s7  }
0x10: {  	[smem:$0x3FAB] =	sst s8  }
0x11: {  	[smem:$0x3FAC] =	sst s9;
	s0 =	simm.s32 @!p0 $0x0  }
0x12: {  	s1 =	sld [smem:$0x3F92];
	s0 =	simm.s32 @p0 $0x1  }
0x13: {  	[smem:$0x3FAD] =	sst s0;
	s0 =	simm.s32 @!p1 $0x0  }
0x14: {  	s2 =	sld [smem:$0x3F91];
	s0 =	simm.s32 @p1 $0x1  }
0x15: {  	[smem:$0x3FAE] =	sst s0;
	s0 =	simm.s32 @!p2 $0x0  }
0x16: {  	s3 =	sld [smem:$0x3FDB];
	s0 =	simm.s32 @p2 $0x1  }
0x17: {  	s4 =	simm.s32 $0x1BF5;
	[smem:$0x3FB0] =	sst s0  }
0x18: {  	s0 =	sld [smem:$0x3F93];
	_ =	swait.ge [sflag:s4], $0x0  }
0x19: {  	s7 =	sld [smem:$0x3F94]  }
0x1a: {  	s8 =	sadd.s32 $0xFFFFE003, lr  }
0x1b: {  	s9 =	sadd.s32 $0xFFFFFEF7, lr;
	s5 =	simm.s32 $0xFFFFFFFF;
	p2 =	slt.u32 s8, $0xFFFFF086  }
0x1c: {  	p1 =	slt.u32 s9, $0xF7A;
	s5 =	simm.s32 @!p2 $0x0  }
0x1d: {  	s5 =	simm.s32 @p1 $0x1;
	p0 =	seq.s32 s7, s2  }
0x1e: {  	s7 =	smul.u32 @!p0 $0xF7A, s2;
	p2 =	seq.s32 @!p0 s5, $0x0  }
0x1f: {  	s9 =	smul.u32 $0xF7A, s1;
	s8 =	simm.s32 @!p0 $0x1BF5;
	p2 =	por !p2, p0  }
0x20: {  	[sflag:s8] =	ssyncset.s32 @!p0 $0xFFFFF086;
	s6 =	sadd.s32 @!p0 s3, s7;
	s7 =	simm.s32 @!p0 $0x108  }
0x21: {  	s3 =	sadd.s32 s3, s9;
	s6 =	sadd.s32 @!p0 $0x88, s6;
	s7 =	simm.s32 @p2 $0x1082  }
0x22: {  	[simem:s7], [sflag:s8] =	dma.local @!p0 [hbm:s6], $0xF7A  }
0x23: {  	s9 =	sor.u32 $0xD0000000, s2;
	s6 =	simm.s32 $0x108;
	_ =	swait.ge @!p0 [sflag:s8], $0x0  }
0x24: {  	s3 =	sadd.s32 $0x88, s3;
	s6 =	simm.s32 @!p1 $0x1082;
	[sflag:s4] =	ssyncset.s32 $0xFFFFF086  }
0x25: {  	[simem:s6], [sflag:s4] =	dma.local [hbm:s3], $0xF7A  }
0x26: {  	[smem:$0x3F94] =	sst s1;
	(tag) =	ssettag s2;
	_ =	strace s9  }
0x27: {  	s1 =	sld [smem:$0x3FA4]  }
0x28: {  	s2 =	sld [smem:$0x3FA5]  }
0x29: {  	s4 =	sld [smem:$0x3FA7]  }
0x2a: {  	p0 =	seq.s32 s5, $0x0;
	s5 =	sld [smem:$0x3FA8]  }
0x2b: {  	s6 =	sld [smem:$0x3FA9]  }
0x2c: {  	s7 =	sld [smem:$0x3FAA]  }
0x2d: {  	s3 =	simm.s32 $0x108;
	s8 =	sld [smem:$0x3FAB]  }
0x2e: {  	s3 =	simm.s32 @!p0 $0x1082;
	s9 =	sld [smem:$0x3FAC]  }
0x2f: {  	lr =	sadd.s32 s0, s3;
	s0 =	sld [smem:$0x3FA3]  }
0x30: {  	s3 =	sld [smem:$0x3FA6]  }
0x31: {  	[smem:$0x3FAF] =	sst s10  }
0x32: {  	s10 =	sld [smem:$0x3FAD];
	_ =	sdelay $0x3  }
0x33: {  	p0 =	seq.s32 s10, $0x1;
	s10 =	sld [smem:$0x3FAF];
	_ =	sdelay $0x3  }
0x34: {  	[smem:$0x3FAF] =	sst s10  }
0x35: {  	s10 =	sld [smem:$0x3FAE];
	_ =	sdelay $0x3  }
0x36: {  	p1 =	seq.s32 s10, $0x1;
	s10 =	sld [smem:$0x3FAF];
	_ =	sdelay $0x3  }
0x37: {  	[smem:$0x3FAF] =	sst s10  }
0x38: {  	s10 =	sld [smem:$0x3FB0]  }
0x39: {  	_ = 	snop;
	(pc) =	sbr.ind lr, $3  }
0x3a: {  	_ = 	snop  }
0x3b: {  	_ = 	snop  }
0x3c: {  	p2 =	seq.s32 s10, $0x1;
	s10 =	sld [smem:$0x3FAF]  }
0x3d: {  	_ =	shalt  }
0x3e: {  	_ =	shalt  }
0x3f: {  	_ =	shalt  }
0x40: {  	_ =	shalt  }
0x41: {  	_ =	shalt  }
0x42: {  	_ =	shalt  }
0x43: {  	_ =	shalt  }
0x44: {  	_ =	shalt  }
0x45: {  	_ =	shalt  }
0x46: {  	_ =	shalt  }
0x47: {  	_ =	shalt  }
0x48: {  	_ =	shalt  }
0x49: {  	_ =	shalt  }
0x4a: {  	_ =	shalt  }
0x4b: {  	_ =	shalt  }
0x4c: {  	_ =	shalt  }
0x4d: {  	_ =	shalt  }
0x4e: {  	_ =	shalt  }
0x4f: {  	_ =	shalt  }
0x50: {  	_ =	shalt  }
0x51: {  	_ =	shalt  }
0x52: {  	_ =	shalt  }
0x53: {  	_ =	shalt  }
0x54: {  	_ =	shalt  }
0x55: {  	_ =	shalt  }
0x56: {  	_ =	shalt  }
0x57: {  	_ =	shalt  }
0x58: {  	_ =	shalt  }
0x59: {  	_ =	shalt  }
0x5a: {  	_ =	shalt  }
0x5b: {  	_ =	shalt  }
0x5c: {  	_ =	shalt  }
0x5d: {  	_ =	shalt  }
0x5e: {  	_ =	shalt  }
0x5f: {  	_ =	shalt  }
0x60: {  	_ =	shalt  }
0x61: {  	_ =	shalt  }
0x62: {  	_ =	shalt  }
0x63: {  	_ =	shalt  }
0x64: {  	_ =	shalt  }
0x65: {  	_ =	shalt  }
0x66: {  	_ =	shalt  }
0x67: {  	_ =	shalt  }
0x68: {  	_ =	shalt  }
0x69: {  	_ =	shalt  }
0x6a: {  	_ =	shalt  }
0x6b: {  	_ =	shalt  }
0x6c: {  	_ =	shalt  }
0x6d: {  	_ =	shalt  }
0x6e: {  	_ =	shalt  }
0x6f: {  	_ =	shalt  }
0x70: {  	_ =	shalt  }
0x71: {  	_ =	shalt  }
0x72: {  	_ =	shalt  }
0x73: {  	_ =	shalt  }
0x74: {  	_ =	shalt  }
0x75: {  	_ =	shalt  }
0x76: {  	_ =	shalt  }
0x77: {  	_ =	shalt  }
0x78: {  	_ =	shalt  }
0x79: {  	_ =	shalt  }
0x7a: {  	_ =	shalt  }
0x7b: {  	_ =	shalt  }
0x7c: {  	_ =	shalt  }
0x7d: {  	_ =	shalt  }
0x7e: {  	_ =	shalt  }
0x7f: {  	_ =	shalt  }
0x80: {  	_ =	shalt  }
0x81: {  	_ =	shalt  }
0x82: {  	_ =	shalt  }
0x83: {  	_ =	shalt  }
0x84: {  	_ =	shalt  }
0x85: {  	_ =	shalt  }
0x86: {  	_ =	shalt  }
0x87: {  	_ =	shalt  }
.Lfunc_end0:
.L_simem_size_0:
called_computation.1_lowered:
.L_overlay_start_0:
0x88: {  	s2 =	sld [smem:$0x3FD9]  }
0x89: {  	s3 =	sld [smem:$0x3FFE];
	_ =	sdelay $0x1  }
0x8a: {  	s1 =	srdreg.scid  }
0x8b: {  	s0 =	sand.u32 $0x1, s1  }
0x8c: {  	s16 =	sshll.u32 s0, $0xA;
	s2 =	sadd.s32 s3, s2  }
0x8d: {  	s2 =	sadd.s32 s2, s16  }
0x8e: {  	[smem:$0x3FBB] =	sst s2  }
0x8f: {  	_ = 	snop  }
0x90: {  	(tm) =	ssettm $0x1  }
0x91: {  	s17 =	sld [smem:$0x3FFB];
	_ =	sdelay $0x3  }
0x92: {  	_ =	strace s17  }
0x93: {  	s2 =	sld [smem:$0x3FFC];
	_ =	sdelay $0x3  }
0x94: {  	_ =	strace s2  }
0x95: {  	s2 =	sld [smem:$0x3FFD];
	_ =	sdelay $0x3  }
0x96: {  	_ =	strace s2  }
0x97: {  	_ =	strace $0x8FFFFFFF  }
0x98: {  	s18 =	sld [smem:$0x3FDB];
	_ =	sdelay $0x1  }
0x99: {  	s19 =	simm.s32 $_scs_section_size  }
0x9a: {  	s4 =	simm.s32 $_size__tile_overlayer_lowered;
	s5 =	simm.s32 $_tile_overlayer_lowered  }
0x9b: {  	s22 =	simm.s32 $0x1BFF;
	s21 =	sshll.u32 s5, $0x1;
	s2 =	sadd.s32 s19, s18  }
0x9c: {  	s6 =	simm.s32 $0x0;
	s20 =	sshll.u32 s4, $0x1;
	s4 =	sadd.s32 s21, s2  }
0x9d: {  	[timem:s6], [sflag:s22] =	dma.local [hbm:s4], s20  }
0x9e: {  	_ =	swait.ge [sflag:s22], s20  }
0x9f: {  	s3 =	ssub.s32 $0x0, s20;
	[sflag:s22] =	ssyncset.done $0x0  }
0xa0: {  	[sflag:s22] =	ssyncadd.s32 s3;
	_ =	sdelay $0x1  }
0xa1: {  	s23 =	simm.s32 $0x1B8B  }
0xa2: {  	_ =	swait.ge [sflag:s23], $0x1  }
0xa3: {  	[sflag:s23] =	ssyncset.done $0x0  }
0xa4: {  	s25 =	simm.s32 $0x1B8E;
	s24 =	sld [smem:$0x3FFE];
	[sflag:s23] =	ssyncadd.s32 $0xFFFFFFFF  }
0xa5: {  	s26 =	simm.s32 $execute0_lowered;
	[smem:$0x3FD2] =	sst s25  }
0xa6: {  	s4 =	sshll.u32 s26, $0x1;
	_ =	strace $0x80000049;
	[dreg:$0x1] =	wrdreg $0xFFFFFFFF  }
0xa7: {  	s28 =	simm.s32 $_size_execute0_lowered;
	s2 =	sadd.s32 s2, s4;
	[dreg:$0x0] =	wrdreg $0x0  }
0xa8: {  	s4 =	sshll.u32 s28, $0x1;
	[dreg:$0x2] =	wrdreg s2  }
0xa9: {  	[dreg:$0x3] =	wrdreg s4  }
0xaa: {  	[dreg:$0x4] =	wrdreg $0xC0  }
0xab: {  	_ =	task [dreg:s6], $0x5FFFF  }
0xac: {  	[dreg:$0x1] =	wrdreg $0xFFFFFFFF  }
0xad: {  	[dreg:$0x0] =	wrdreg $0x60  }
0xae: {  	[dreg:$0x2] =	wrdreg s24  }
0xaf: {  	[dreg:$0x3] =	wrdreg $0x70000  }
0xb0: {  	[dreg:$0x4] =	wrdreg $0x134000  }
0xb1: {  	[dreg:$0x5] =	wrdreg $0x9  }
0xb2: {  	_ =	task.clear_ibuf [dreg:s6], $0x6FFFF;
	_ =	strace $0x90000049  }
0xb3: {  	s29 =	simm.s32 $0x9;
	_ =	strace $0x8000004B  }
0xb4: {  	_ =	swait.ge [sflag:s29], $0x1  }
0xb5: {  	[sflag:s29] =	ssyncadd.s32 $0xFFFFFFFF  }
0xb6: {  	_ =	strace $0x9000004B  }
0xb7: {  	_ =	sfence  }
0xb8: {  	s30 =	sld [smem:$0x0];
	_ =	sdelay $0x2  }
0xb9: {  	s31 =	sshll.u32 s1, $0xD;
	s1 =	sshrl.u32 s1, $0x2  }
0xba: {  	s3 =	sand.u32 $0x4000, s31;
	s1 =	sadd.s32 s1, s30  }
0xbb: {  	s0 =	sor.u32 s3, s0;
	s1 =	sshll.u32 s1, $0x11  }
0xbc: {  	s0 =	sor.u32 s1, s0  }
0xbd: {  	s0 =	sadd.s32 $0x8F2B, s0  }
0xbe: {  	[sflag:s0] =	ssyncadd.remote.s32 $0x1  }
0xbf: {  	_ =	sfence.sel $0xFFFF  }
0xc0: {  	[dreg:$0x0] =	wrdreg $0xFFFFFFFF;
	(pc) =	sbr.abs _section_cstart, $3  }
0xc1: {  	[dreg:$0x1] =	wrdreg $0xFFFFFFFF  }
0xc2: {  	_ =	task.clear_ibuf [dreg:s6], $0x2FFFF;
	_ =	strace $0x9FFFFFFF  }
0xc3: {  	(tm) =	ssettm $0x7FFFFFFF  }
tec
execute0_lowered:
.L_overlay_start_1:
0x0: {  	(tag) =	ssettag $0x1  }
0x1: {  	s0 =	rddreg [dreg:$0x0]  }
0x2: {  	s1 =	rddreg [dreg:$0x1]  }
0x3: {  	s2 =	rddreg [dreg:$0x2];
	s3 =	srdreg.scid  }
0x4: {  	s5 =	simm.s32 $0x0;
	s6 =	stileid.u32;
	s28 =	simm.s32 $0xA  }
0x5: {  	s29 =	simm.s32 $0x80;
	s30 =	simm.s32 $0x5000;
	s31 =	simm.s32 $0x5400  }
0x6: {  	s3 =	sand.u32 $0x1, s3;
	[smem:$0x7FF] =	sst s5;
	s8 =	sadd.s32 $0x3400, s0  }
0x7: {  	s5 =	sadd.s32 $0x18B400, s0;
	s14 =	sshll.u32 s6, $0xE;
	s16 =	sshll.u32 s6, $0xB  }
0x8: {  	s17 =	sshll.u32 s6, $0x6;
	s18 =	sor.u32 $0x10, s6;
	s12 =	sor.u32 $0x20, s6  }
0x9: {  	p0 =	sne.s32 s6, $0x0;
	s4 =	sshll.u32 s3, $0x4;
	_ =	strace $0x8000004A  }
0xa: {  	s9 =	smul.u32 $0x18800, s3;
	s3 =	ssub.s32 $0x2, s3;
	s15 =	sadd.s32 s14, s1  }
0xb: {  	[dreg:$0xa] =	wrdreg s17;
	s19 =	sshll.u32 s18, $0xE;
	s20 =	sshll.u32 s12, $0xE  }
0xc: {  	s12 =	sshll.u32 s12, $0xB;
	s4 =	sor.u32 s6, s4;
	s10 =	sshrl.u32 s3, $0x1  }
0xd: {  	s11 =	sadd.s32 s19, s1;
	s21 =	sadd.s32 s20, s2;
	s6 =	simm.s32 $0x1  }
0xe: {  	s7 =	smul.u32 $0x1400, s4;
	s9 =	sadd.s32 s9, s0;
	s3 =	ssub.s32 s3, s10  }
0xf: {  	s10 =	sor.u32 $0x1C0C, s17;
	s0 =	sadd.s32 $0x1B400, s0;
	s23 =	sshrl.u32 s11, $0x3  }
0x10: {  	s26 =	sshrl.u32 s21, $0x3;
	s11 =	simm.s32 $0x2;
	[dreg:$0xb] =	wrdreg s10  }
0x11: {  	s21 =	simm.s32 $0x6;
	s13 =	sadd.s32 $0x1BC00, s9;
	[dreg:$0xe] =	wrdreg s0  }
0x12: {  	s3 =	smax.u32 s3, $0x1;
	s9 =	sadd.s32 s8, s16;
	[dreg:$0x11] =	wrdreg s23  }
0x13: {  	s10 =	sadd.s32 s19, s2;
	s0 =	sadd.s32 $0xC0000, s2;
	[dreg:$0x14] =	wrdreg s26  }
0x14: {  	s26 =	simm.s32 $0x5C00;
	s16 =	simm.s32 $0x3;
	[dreg:$0x7] =	wrdreg s13  }
0x15: {  	s23 =	simm.s32 $0x8;
	s7 =	sshrl.u32 s7, $0x3;
	[dreg:$0x8] =	wrdreg s3  }
0x16: {  	[dreg:$0x9] =	wrdreg s9;
	s9 =	sshll.u32 s18, $0xB;
	s3 =	sshrl.u32 s15, $0x3  }
0x17: {  	s13 =	sadd.s32 s20, s1;
	s24 =	sshrl.u32 s10, $0x3;
	[dreg:$0xf] =	wrdreg s3  }
0x18: {  	s0 =	sshrl.u32 @!p0 s0, $0x3;
	s18 =	simm.s32 $0x4;
	[dreg:$0x12] =	wrdreg s24  }
0x19: {  	s20 =	simm.s32 $0x5;
	s7 =	sadd.s32 s5, s7;
	[dreg:$0x16] =	wrdreg s0  }
0x1a: {  	s9 =	sadd.s32 s8, s9;
	s8 =	sadd.s32 s8, s12;
	[dreg:$0x5] =	wrdreg s7  }
0x1b: {  	s25 =	sshrl.u32 s13, $0x3;
	s0 =	simm.s32 $0x5800;
	[dreg:$0xc] =	wrdreg s9  }
0x1c: {  	s24 =	simm.s32 $0x9;
	s7 =	sadd.s32 $0x61A80, s7;
	[dreg:$0xd] =	wrdreg s8  }
.Ltmp0:
0x1d: {  	s9 =	sadd.s32 $0xC0000, s1;
	[dreg:$0x13] =	wrdreg s25;
	(pc) =	sbr.rel .LBB2_1-.Ltmp0, $4  }
0x1e: {  	s8 =	simm.s32 $0x6800;
	s25 =	simm.s32 $0x0;
	[dreg:$0x6] =	wrdreg s7  }
0x1f: {  	s7 =	sadd.s32 s14, s2;
	s3 =	sshrl.u32 @!p0 s9, $0x3;
	s9 =	simm.s32 $0x6C00  }
0x20: {  	s22 =	sshrl.u32 s7, $0x3;
	[dreg:$0x15] =	wrdreg s3;
	s3 =	simm.s32 $0x6000  }
0x21: {  	s7 =	simm.s32 $0x6400;
	[dreg:$0x10] =	wrdreg s22;
	s22 =	simm.s32 $0x7  }
.LBB2_7:
0x22: {  	[bflag:$0x0] =	sbarrier.arrive $0xFFFF  }
0x23: {  	s10 =	sshrl.u32 @!p0 s2, $0x3;
	s12 =	simm.s32 @!p0 $0x1C0B;
	s13 =	rddreg [dreg:$0x7]  }
0x24: {  	[hbm:s13], [sflag:s12] =	dma.local @!p0 [spmem:s10], $0x18800  }
0x25: {  	s10 =	simm.s32 @!p0 $0xB  }
0x26: {  	_ =	swait.ge @!p0 [sflag:s10], $0x18800  }
0x27: {  	s25 =	sadd.s32 $0x1, s25;
	s19 =	rddreg [dreg:$0x8]  }
0x28: {  	p1 =	sne.s32 s25, s19  }
.Ltmp1:
0x29: {  	_ = 	snop;
	(pc) =	sbr.rel @!p1 .LBB2_8-.Ltmp1, $3  }
0x2a: {  	_ =	sdelay $0x1  }
0x2b: {  	[sflag:s10] =	ssyncset.done @!p0 $0x0  }
0x2c: {  	[sflag:s10] =	ssyncadd.s32 @!p0 $0xFFFE7800  }
.LBB2_1:
0x2d: {  	s12 =	rddreg [dreg:$0x9]  }
0x2e: {  	s13 =	rddreg [dreg:$0xb]  }
0x2f: {  	s10 =	rddreg [dreg:$0xf];
	s14 =	simm.s32 $0xC  }
0x30: {  	[spmem:s10], [sflag:s13] =	dma.local [hbm:s12], $0x800  }
0x31: {  	_ =	swait.ge [sflag:s14], $0x800  }
0x32: {  	[sflag:s14] =	ssyncset.done $0x0;
	s17 =	rddreg [dreg:$0xa]  }
0x33: {  	s15 =	rddreg [dreg:$0x10];
	[sflag:s14] =	ssyncadd.s32 $0xFFFFF800;
	s10 =	sor.u32 $0x1C0B, s17  }
0x34: {  	[spmem:s15], [sflag:s10] =	dma.local [hbm:s12], $0x800  }
0x35: {  	s15 =	simm.s32 $0xB  }
0x36: {  	_ =	swait.ge [sflag:s15], $0x800  }
0x37: {  	[sflag:s15] =	ssyncset.done $0x0;
	s12 =	rddreg [dreg:$0xc]  }
0x38: {  	s17 =	rddreg [dreg:$0x11];
	[sflag:s15] =	ssyncadd.s32 $0xFFFFF800  }
0x39: {  	[spmem:s17], [sflag:s13] =	dma.local [hbm:s12], $0x800  }
0x3a: {  	_ =	swait.ge [sflag:s14], $0x800  }
0x3b: {  	[sflag:s14] =	ssyncset.done $0x0  }
0x3c: {  	s19 =	rddreg [dreg:$0x12];
	[sflag:s14] =	ssyncadd.s32 $0xFFFFF800  }
0x3d: {  	[spmem:s19], [sflag:s10] =	dma.local [hbm:s12], $0x800  }
0x3e: {  	_ =	swait.ge [sflag:s15], $0x800  }
0x3f: {  	[sflag:s15] =	ssyncset.done $0x0;
	s12 =	rddreg [dreg:$0xd]  }
0x40: {  	s19 =	rddreg [dreg:$0x13];
	[sflag:s15] =	ssyncadd.s32 $0xFFFFF800  }
0x41: {  	[spmem:s19], [sflag:s13] =	dma.local [hbm:s12], $0x800  }
0x42: {  	_ =	swait.ge [sflag:s14], $0x800  }
0x43: {  	[sflag:s14] =	ssyncset.done $0x0  }
0x44: {  	s19 =	rddreg [dreg:$0x14];
	[sflag:s14] =	ssyncadd.s32 $0xFFFFF800  }
0x45: {  	[spmem:s19], [sflag:s10] =	dma.local [hbm:s12], $0x800  }
0x46: {  	_ =	swait.ge [sflag:s15], $0x800  }
0x47: {  	[sflag:s15] =	ssyncset.done $0x0;
	s14 =	rddreg [dreg:$0xe]  }
0x48: {  	s12 =	rddreg [dreg:$0x15];
	[sflag:s15] =	ssyncadd.s32 $0xFFFFF800  }
0x49: {  	[spmem:s12], [sflag:s13] =	dma.local @!p0 [hbm:s14], $0x800  }
0x4a: {  	s12 =	simm.s32 @!p0 $0xC  }
0x4b: {  	_ =	swait.ge @!p0 [sflag:s12], $0x800  }
0x4c: {  	[sflag:s12] =	ssyncset.done @!p0 $0x0  }
0x4d: {  	[sflag:s12] =	ssyncadd.s32 @!p0 $0xFFFFF800;
	s12 =	rddreg [dreg:$0x16]  }
0x4e: {  	[spmem:s12], [sflag:s10] =	dma.local @!p0 [hbm:s14], $0x800  }
0x4f: {  	s10 =	simm.s32 @!p0 $0xB  }
0x50: {  	_ =	swait.ge @!p0 [sflag:s10], $0x800  }
0x51: {  	[sflag:s10] =	ssyncset.done @!p0 $0x0  }
0x52: {  	s14 =	simm.s32 $0x0;
	s15 =	rddreg [dreg:$0x5];
	[sflag:s10] =	ssyncadd.s32 @!p0 $0xFFFFF800  }
0x53: {  	[tilespmem:s14], [sflag:$0xA] =	stream.linear.gather [hbm4b:s15+s14], $0x1400, $0x38;
	[tilespmem:$0x1F800] =	vst v63  }
.Ltmp2:
0x54: {  	_ = 	snop;
	(pc) =	sbr.rel .LBB2_2-.Ltmp2, $4  }
0x55: {  	s19 =	simm.s32 $0x2800;
	s17 =	rddreg [dreg:$0x6]  }
0x56: {  	[tilespmem:s19], [sflag:$0xA] =	stream.linear.gather [hbm4b:s17+s14], $0x1400, $0x38;
	[tilespmem:$0x1F800] =	vst v63  }
0x57: {  	[bflag:$0x0] =	sbarrier.arrive $0xFFFF  }
0x58: {  	s10 =	simm.s32 $0x0  }
.LBB2_6:
0x59: {  	s10 =	sadd.s32 $0x1, s10  }
0x5a: {  	p1 =	sne.s32 s10, $0x14  }
.Ltmp3:
0x5b: {  	_ = 	snop;
	(pc) =	sbr.rel @!p1 .LBB2_7-.Ltmp3, $1  }
0x5c: {  	_ =	sdelay $0x3  }
.LBB2_2:
0x5d: {  	s12 =	sshll.u32 s10, $0x5  }
0x5e: {  	s12 =	sor.u32 s4, s12  }
0x5f: {  	p1 =	sgt.u32 s12, $0x270  }
.Ltmp4:
0x60: {  	_ = 	snop;
	(pc) =	sbr.rel @p1 .LBB2_6-.Ltmp4, $1  }
0x61: {  	_ =	sdelay $0x3  }
0x62: {  	_ =	swait.ge [sflag:s28], $0x1400;
	p1 =	sgt.u32 s12, $0x250  }
0x63: {  	[sflag:s28] =	ssyncset.done $0x0;
	s12 =	smul.u32 @!p1 $0x1400, s12  }
0x64: {  	s13 =	sxor.u32 @!p1 $0xFFFFFFFF, s10;
	[sflag:s28] =	ssyncadd.s32 $0xFFFFEC00  }
0x65: {  	s13 =	sand.u32 @!p1 $0x1, s13;
	_ =	swait.ge [sflag:s28], $0x1400;
	s12 =	sshrl.u32 @!p1 s12, $0x3  }
0x66: {  	s13 =	smul.u32 @!p1 $0x1400, s13;
	[sflag:s28] =	ssyncset.done $0x0;
	s12 =	sadd.s32 @!p1 s5, s12  }
0x67: {  	s15 =	simm.s32 @!p1 $0x0;
	[sflag:s28] =	ssyncadd.s32 $0xFFFFEC00;
	s14 =	sadd.s32 @!p1 $0x5000, s12  }
0x68: {  	[tilespmem:s13], [sflag:$0xA] =	stream.linear.gather @!p1 [hbm4b:s14+s15], $0x1400, $0x38;
	[tilespmem:$0x1F800] =	vst v63  }
0x69: {  	s17 =	sand.u32 $0x1, s10;
	s12 =	sadd.s32 @!p1 $0x66A80, s12;
	s13 =	sadd.s32 @!p1 $0x2800, s13  }
0x6a: {  	[tilespmem:s13], [sflag:$0xA] =	stream.linear.gather @!p1 [hbm4b:s12+s15], $0x1400, $0x38;
	[tilespmem:$0x1F800] =	vst v63  }
0x6b: {  	p1 =	seq.s32 s17, $0x1;
	s13 =	simm.s32 $0x1400  }
0x6c: {  	s13 =	simm.s32 @!p1 $0x0  }
0x6d: {  	s12 =	sadd.s32 $0x0, s13  }
0x6e: {  	[tilespmem:s30], [sflag:$0x1] =	stream.indirect.gather [spmem:s1], $0x8, s12, s29, $0xb8;
	[tilespmem:$0x1F800] =	vst v63  }
0x6f: {  	s19 =	sadd.s32 $0x80, s12  }
0x70: {  	[tilespmem:s31], [sflag:$0x2] =	stream.indirect.gather [spmem:s1], $0x8, s19, s29, $0xb8;
	[tilespmem:$0x1F800] =	vst v63  }
0x71: {  	s15 =	sadd.s32 $0x100, s12  }
0x72: {  	[tilespmem:s0], [sflag:$0x3] =	stream.indirect.gather [spmem:s1], $0x8, s15, s29, $0xb8;
	[tilespmem:$0x1F800] =	vst v63  }
0x73: {  	s17 =	sadd.s32 $0x180, s12  }
0x74: {  	[tilespmem:s26], [sflag:$0x4] =	stream.indirect.gather [spmem:s1], $0x8, s17, s29, $0xb8;
	[tilespmem:$0x1F800] =	vst v63  }
0x75: {  	s19 =	sadd.s32 $0x200, s12  }
0x76: {  	[tilespmem:s3], [sflag:$0x5] =	stream.indirect.gather [spmem:s1], $0x8, s19, s29, $0xb8;
	[tilespmem:$0x1F800] =	vst v63  }
0x77: {  	s15 =	sadd.s32 $0x280, s12  }
0x78: {  	[tilespmem:s7], [sflag:$0x6] =	stream.indirect.gather [spmem:s1], $0x8, s15, s29, $0xb8;
	[tilespmem:$0x1F800] =	vst v63  }
0x79: {  	s17 =	sadd.s32 $0x300, s12;
	s19 =	sor.u32 $0x2800, s13  }
0x7a: {  	[tilespmem:s8], [sflag:$0x7] =	stream.indirect.gather [spmem:s1], $0x8, s17, s29, $0xb8;
	[tilespmem:$0x1F800] =	vst v63  }
0x7b: {  	s12 =	sadd.s32 $0x380, s12;
	[dreg:$0x4] =	wrdreg s19  }
0x7c: {  	[tilespmem:s9], [sflag:$0x8] =	stream.indirect.gather [spmem:s1], $0x8, s12, s29, $0xb8;
	[tilespmem:$0x1F800] =	vst v63  }
0x7d: {  	_ =	swait.ge [sflag:s6], $0x400  }
0x7e: {  	s14 =	rddreg [dreg:$0x4];
	[sflag:s6] =	ssyncset.done $0x0  }
0x7f: {  	[sflag:s6] =	ssyncadd.s32 $0xFFFFFC00;
	s12 =	sadd.s32 $0x0, s14  }
0x80: {  	[spmem:s2] =	stream.indirect.scatter.add.f32 [tilespmem:s30], [sflag:$0x9], $0x8, s12, s29, $0xb8;
	[tilespmem:$0x1F800] =	vst v63  }
0x81: {  	_ =	swait.ge [sflag:s11], $0x400  }
0x82: {  	[sflag:s11] =	ssyncset.done $0x0  }
0x83: {  	s15 =	sadd.s32 $0x80, s12;
	[sflag:s11] =	ssyncadd.s32 $0xFFFFFC00  }
0x84: {  	[spmem:s2] =	stream.indirect.scatter.add.f32 [tilespmem:s31], [sflag:$0x9], $0x8, s15, s29, $0xb8;
	[tilespmem:$0x1F800] =	vst v63  }
0x85: {  	_ =	swait.ge [sflag:s16], $0x400  }
0x86: {  	[sflag:s16] =	ssyncset.done $0x0  }
0x87: {  	s17 =	sadd.s32 $0x100, s12;
	[sflag:s16] =	ssyncadd.s32 $0xFFFFFC00  }
0x88: {  	[spmem:s2] =	stream.indirect.scatter.add.f32 [tilespmem:s0], [sflag:$0x9], $0x8, s17, s29, $0xb8;
	[tilespmem:$0x1F800] =	vst v63  }
0x89: {  	_ =	swait.ge [sflag:s18], $0x400  }
0x8a: {  	[sflag:s18] =	ssyncset.done $0x0  }
0x8b: {  	s19 =	sadd.s32 $0x180, s12;
	[sflag:s18] =	ssyncadd.s32 $0xFFFFFC00  }
0x8c: {  	[spmem:s2] =	stream.indirect.scatter.add.f32 [tilespmem:s26], [sflag:$0x9], $0x8, s19, s29, $0xb8;
	[tilespmem:$0x1F800] =	vst v63  }
0x8d: {  	_ =	swait.ge [sflag:s20], $0x400  }
0x8e: {  	[sflag:s20] =	ssyncset.done $0x0  }
0x8f: {  	s15 =	sadd.s32 $0x200, s12;
	[sflag:s20] =	ssyncadd.s32 $0xFFFFFC00  }
0x90: {  	[spmem:s2] =	stream.indirect.scatter.add.f32 [tilespmem:s3], [sflag:$0x9], $0x8, s15, s29, $0xb8;
	[tilespmem:$0x1F800] =	vst v63  }
0x91: {  	_ =	swait.ge [sflag:s21], $0x400  }
0x92: {  	[sflag:s21] =	ssyncset.done $0x0  }
0x93: {  	s17 =	sadd.s32 $0x280, s12;
	[sflag:s21] =	ssyncadd.s32 $0xFFFFFC00  }
0x94: {  	[spmem:s2] =	stream.indirect.scatter.add.f32 [tilespmem:s7], [sflag:$0x9], $0x8, s17, s29, $0xb8;
	[tilespmem:$0x1F800] =	vst v63  }
0x95: {  	_ =	swait.ge [sflag:s22], $0x400  }
0x96: {  	[sflag:s22] =	ssyncset.done $0x0  }
0x97: {  	s19 =	sadd.s32 $0x300, s12;
	[sflag:s22] =	ssyncadd.s32 $0xFFFFFC00  }
0x98: {  	[spmem:s2] =	stream.indirect.scatter.add.f32 [tilespmem:s8], [sflag:$0x9], $0x8, s19, s29, $0xb8;
	[tilespmem:$0x1F800] =	vst v63  }
0x99: {  	_ =	swait.ge [sflag:s23], $0x400  }
0x9a: {  	[sflag:s23] =	ssyncset.done $0x0  }
0x9b: {  	s12 =	sadd.s32 $0x380, s12;
	[sflag:s23] =	ssyncadd.s32 $0xFFFFFC00  }
0x9c: {  	[spmem:s2] =	stream.indirect.scatter.add.f32 [tilespmem:s9], [sflag:$0x9], $0x8, s12, s29, $0xb8;
	[tilespmem:$0x1F800] =	vst v63  }
0x9d: {  	_ =	swait.ge [sflag:s24], $0x400  }
0x9e: {  	[sflag:s24] =	ssyncset.done $0x0  }
0x9f: {  	[sflag:s24] =	ssyncadd.s32 $0xFFFFFC00  }
0xa0: {  	_ =	swait.ge [sflag:s24], $0x400  }
0xa1: {  	[sflag:s24] =	ssyncset.done $0x0  }
0xa2: {  	[sflag:s24] =	ssyncadd.s32 $0xFFFFFC00  }
0xa3: {  	_ =	swait.ge [sflag:s24], $0x400  }
0xa4: {  	[sflag:s24] =	ssyncset.done $0x0  }
0xa5: {  	[sflag:s24] =	ssyncadd.s32 $0xFFFFFC00  }
0xa6: {  	_ =	swait.ge [sflag:s24], $0x400  }
0xa7: {  	[sflag:s24] =	ssyncset.done $0x0  }
0xa8: {  	[sflag:s24] =	ssyncadd.s32 $0xFFFFFC00  }
0xa9: {  	_ =	swait.ge [sflag:s24], $0x400  }
0xaa: {  	[sflag:s24] =	ssyncset.done $0x0  }
0xab: {  	[sflag:s24] =	ssyncadd.s32 $0xFFFFFC00  }
0xac: {  	_ =	swait.ge [sflag:s24], $0x400  }
0xad: {  	[sflag:s24] =	ssyncset.done $0x0  }
0xae: {  	[sflag:s24] =	ssyncadd.s32 $0xFFFFFC00  }
0xaf: {  	_ =	swait.ge [sflag:s24], $0x400  }
0xb0: {  	[sflag:s24] =	ssyncset.done $0x0  }
0xb1: {  	[sflag:s24] =	ssyncadd.s32 $0xFFFFFC00  }
0xb2: {  	_ =	swait.ge [sflag:s24], $0x400  }
0xb3: {  	s14 =	simm.s32 $0x2000;
	s12 =	simm.s32 $0x400;
	[sflag:s24] =	ssyncset.done $0x0  }
.LBB2_4:
0xb4: {  	s19 =	sadd.s32 s12, s13;
	[sflag:s24] =	ssyncadd.s32 $0xFFFFFC00;
	s15 =	smov.u32 s14  }
0xb5: {  	[tilespmem:s30], [sflag:$0x1] =	stream.indirect.gather [spmem:s1], $0x8, s19, s29, $0xb8;
	[tilespmem:$0x1F800] =	vst v63  }
0xb6: {  	s17 =	sadd.s32 $0x1000, s14;
	p1 =	sne.s32 s14, $0x4000;
	s14 =	sadd.s32 $0x80, s19  }
0xb7: {  	[tilespmem:s31], [sflag:$0x2] =	stream.indirect.gather [spmem:s1], $0x8, s14, s29, $0xb8;
	[tilespmem:$0x1F800] =	vst v63  }
0xb8: {  	s14 =	sadd.s32 $0x100, s19  }
0xb9: {  	[tilespmem:s0], [sflag:$0x3] =	stream.indirect.gather [spmem:s1], $0x8, s14, s29, $0xb8;
	[tilespmem:$0x1F800] =	vst v63  }
0xba: {  	s14 =	sadd.s32 $0x180, s19  }
0xbb: {  	[tilespmem:s26], [sflag:$0x4] =	stream.indirect.gather [spmem:s1], $0x8, s14, s29, $0xb8;
	[tilespmem:$0x1F800] =	vst v63  }
0xbc: {  	s14 =	sadd.s32 $0x200, s19  }
0xbd: {  	[tilespmem:s3], [sflag:$0x5] =	stream.indirect.gather [spmem:s1], $0x8, s14, s29, $0xb8;
	[tilespmem:$0x1F800] =	vst v63  }
0xbe: {  	s14 =	sadd.s32 $0x280, s19  }
0xbf: {  	[tilespmem:s7], [sflag:$0x6] =	stream.indirect.gather [spmem:s1], $0x8, s14, s29, $0xb8;
	[tilespmem:$0x1F800] =	vst v63  }
0xc0: {  	s14 =	sadd.s32 $0x300, s19  }
0xc1: {  	[tilespmem:s8], [sflag:$0x7] =	stream.indirect.gather [spmem:s1], $0x8, s14, s29, $0xb8;
	[tilespmem:$0x1F800] =	vst v63  }
0xc2: {  	s19 =	sadd.s32 $0x380, s19  }
0xc3: {  	[tilespmem:s9], [sflag:$0x8] =	stream.indirect.gather [spmem:s1], $0x8, s19, s29, $0xb8;
	[tilespmem:$0x1F800] =	vst v63  }
0xc4: {  	_ =	swait.ge [sflag:s6], $0x400  }
0xc5: {  	s19 =	rddreg [dreg:$0x4];
	[sflag:s6] =	ssyncset.done $0x0  }
0xc6: {  	[sflag:s6] =	ssyncadd.s32 $0xFFFFFC00;
	s12 =	sadd.s32 s12, s19  }
0xc7: {  	[spmem:s2] =	stream.indirect.scatter.add.f32 [tilespmem:s30], [sflag:$0x9], $0x8, s12, s29, $0xb8;
	[tilespmem:$0x1F800] =	vst v63  }
0xc8: {  	_ =	swait.ge [sflag:s11], $0x400  }
0xc9: {  	[sflag:s11] =	ssyncset.done $0x0  }
0xca: {  	s14 =	sadd.s32 $0x80, s12;
	[sflag:s11] =	ssyncadd.s32 $0xFFFFFC00  }
0xcb: {  	[spmem:s2] =	stream.indirect.scatter.add.f32 [tilespmem:s31], [sflag:$0x9], $0x8, s14, s29, $0xb8;
	[tilespmem:$0x1F800] =	vst v63  }
0xcc: {  	_ =	swait.ge [sflag:s16], $0x400  }
0xcd: {  	[sflag:s16] =	ssyncset.done $0x0  }
0xce: {  	s19 =	sadd.s32 $0x100, s12;
	[sflag:s16] =	ssyncadd.s32 $0xFFFFFC00  }
0xcf: {  	[spmem:s2] =	stream.indirect.scatter.add.f32 [tilespmem:s0], [sflag:$0x9], $0x8, s19, s29, $0xb8;
	[tilespmem:$0x1F800] =	vst v63  }
0xd0: {  	_ =	swait.ge [sflag:s18], $0x400  }
0xd1: {  	[sflag:s18] =	ssyncset.done $0x0  }
0xd2: {  	s19 =	sadd.s32 $0x180, s12;
	[sflag:s18] =	ssyncadd.s32 $0xFFFFFC00  }
0xd3: {  	[spmem:s2] =	stream.indirect.scatter.add.f32 [tilespmem:s26], [sflag:$0x9], $0x8, s19, s29, $0xb8;
	[tilespmem:$0x1F800] =	vst v63  }
0xd4: {  	_ =	swait.ge [sflag:s20], $0x400  }
0xd5: {  	[sflag:s20] =	ssyncset.done $0x0  }
0xd6: {  	s19 =	sadd.s32 $0x200, s12;
	[sflag:s20] =	ssyncadd.s32 $0xFFFFFC00  }
0xd7: {  	[spmem:s2] =	stream.indirect.scatter.add.f32 [tilespmem:s3], [sflag:$0x9], $0x8, s19, s29, $0xb8;
	[tilespmem:$0x1F800] =	vst v63  }
0xd8: {  	_ =	swait.ge [sflag:s21], $0x400  }
0xd9: {  	[sflag:s21] =	ssyncset.done $0x0  }
0xda: {  	s19 =	sadd.s32 $0x280, s12;
	[sflag:s21] =	ssyncadd.s32 $0xFFFFFC00  }
0xdb: {  	[spmem:s2] =	stream.indirect.scatter.add.f32 [tilespmem:s7], [sflag:$0x9], $0x8, s19, s29, $0xb8;
	[tilespmem:$0x1F800] =	vst v63  }
0xdc: {  	_ =	swait.ge [sflag:s22], $0x400  }
0xdd: {  	[sflag:s22] =	ssyncset.done $0x0  }
0xde: {  	s19 =	sadd.s32 $0x300, s12;
	[sflag:s22] =	ssyncadd.s32 $0xFFFFFC00  }
0xdf: {  	[spmem:s2] =	stream.indirect.scatter.add.f32 [tilespmem:s8], [sflag:$0x9], $0x8, s19, s29, $0xb8;
	[tilespmem:$0x1F800] =	vst v63  }
0xe0: {  	_ =	swait.ge [sflag:s23], $0x400  }
0xe1: {  	[sflag:s23] =	ssyncset.done $0x0  }
0xe2: {  	s12 =	sadd.s32 $0x380, s12;
	[sflag:s23] =	ssyncadd.s32 $0xFFFFFC00  }
0xe3: {  	[spmem:s2] =	stream.indirect.scatter.add.f32 [tilespmem:s9], [sflag:$0x9], $0x8, s12, s29, $0xb8;
	[tilespmem:$0x1F800] =	vst v63  }
0xe4: {  	_ =	swait.ge [sflag:s24], $0x400  }
0xe5: {  	[sflag:s24] =	ssyncset.done $0x0  }
0xe6: {  	[sflag:s24] =	ssyncadd.s32 $0xFFFFFC00  }
0xe7: {  	_ =	swait.ge [sflag:s24], $0x400  }
0xe8: {  	[sflag:s24] =	ssyncset.done $0x0  }
0xe9: {  	[sflag:s24] =	ssyncadd.s32 $0xFFFFFC00  }
0xea: {  	_ =	swait.ge [sflag:s24], $0x400  }
0xeb: {  	[sflag:s24] =	ssyncset.done $0x0  }
0xec: {  	[sflag:s24] =	ssyncadd.s32 $0xFFFFFC00  }
0xed: {  	_ =	swait.ge [sflag:s24], $0x400  }
0xee: {  	[sflag:s24] =	ssyncset.done $0x0  }
0xef: {  	[sflag:s24] =	ssyncadd.s32 $0xFFFFFC00  }
0xf0: {  	_ =	swait.ge [sflag:s24], $0x400  }
0xf1: {  	[sflag:s24] =	ssyncset.done $0x0  }
0xf2: {  	[sflag:s24] =	ssyncadd.s32 $0xFFFFFC00  }
0xf3: {  	_ =	swait.ge [sflag:s24], $0x400  }
0xf4: {  	[sflag:s24] =	ssyncset.done $0x0  }
0xf5: {  	[sflag:s24] =	ssyncadd.s32 $0xFFFFFC00  }
.Ltmp5:
0xf6: {  	_ =	swait.ge [sflag:s24], $0x400;
	(pc) =	sbr.rel @p1 .LBB2_4-.Ltmp5, $4  }
0xf7: {  	[sflag:s24] =	ssyncset.done $0x0  }
0xf8: {  	[sflag:s24] =	ssyncadd.s32 $0xFFFFFC00  }
0xf9: {  	_ =	swait.ge [sflag:s24], $0x400  }
0xfa: {  	s14 =	smov.u32 s17;
	s12 =	sshra.s32 s15, $0x2;
	[sflag:s24] =	ssyncset.done $0x0  }
0xfb: {  	s13 =	sadd.s32 s12, s13;
	[sflag:s24] =	ssyncadd.s32 $0xFFFFFC00  }
0xfc: {  	[tilespmem:s30], [sflag:$0x1] =	stream.indirect.gather [spmem:s1], $0x8, s13, s29, $0xb8;
	[tilespmem:$0x1F800] =	vst v63  }
0xfd: {  	s14 =	sadd.s32 $0x80, s13  }
0xfe: {  	[tilespmem:s31], [sflag:$0x2] =	stream.indirect.gather [spmem:s1], $0x8, s14, s29, $0xb8;
	[tilespmem:$0x1F800] =	vst v63  }
0xff: {  	s19 =	sadd.s32 $0x100, s13  }
0x100: {  	[tilespmem:s0], [sflag:$0x3] =	stream.indirect.gather [spmem:s1], $0x8, s19, s29, $0xb8;
	[tilespmem:$0x1F800] =	vst v63  }
0x101: {  	s15 =	sadd.s32 $0x180, s13  }
0x102: {  	[tilespmem:s26], [sflag:$0x4] =	stream.indirect.gather [spmem:s1], $0x8, s15, s29, $0xb8;
	[tilespmem:$0x1F800] =	vst v63  }
0x103: {  	s17 =	sadd.s32 $0x200, s13  }
0x104: {  	[tilespmem:s3], [sflag:$0x5] =	stream.indirect.gather [spmem:s1], $0x8, s17, s29, $0xb8;
	[tilespmem:$0x1F800] =	vst v63  }
0x105: {  	s19 =	sadd.s32 $0x280, s13  }
0x106: {  	[tilespmem:s7], [sflag:$0x6] =	stream.indirect.gather [spmem:s1], $0x8, s19, s29, $0xb8;
	[tilespmem:$0x1F800] =	vst v63  }
0x107: {  	s15 =	sadd.s32 $0x300, s13  }
0x108: {  	[tilespmem:s8], [sflag:$0x7] =	stream.indirect.gather [spmem:s1], $0x8, s15, s29, $0xb8;
	[tilespmem:$0x1F800] =	vst v63  }
0x109: {  	s13 =	sadd.s32 $0x380, s13  }
0x10a: {  	[tilespmem:s9], [sflag:$0x8] =	stream.indirect.gather [spmem:s1], $0x8, s13, s29, $0xb8;
	[tilespmem:$0x1F800] =	vst v63  }
0x10b: {  	_ =	swait.ge [sflag:s6], $0x400  }
0x10c: {  	s17 =	rddreg [dreg:$0x4];
	[sflag:s6] =	ssyncset.done $0x0  }
0x10d: {  	[sflag:s6] =	ssyncadd.s32 $0xFFFFFC00;
	s12 =	sadd.s32 s12, s17  }
0x10e: {  	[spmem:s2] =	stream.indirect.scatter.add.f32 [tilespmem:s30], [sflag:$0x9], $0x8, s12, s29, $0xb8;
	[tilespmem:$0x1F800] =	vst v63  }
0x10f: {  	_ =	swait.ge [sflag:s11], $0x400  }
0x110: {  	[sflag:s11] =	ssyncset.done $0x0  }
0x111: {  	s13 =	sadd.s32 $0x80, s12;
	[sflag:s11] =	ssyncadd.s32 $0xFFFFFC00  }
0x112: {  	[spmem:s2] =	stream.indirect.scatter.add.f32 [tilespmem:s31], [sflag:$0x9], $0x8, s13, s29, $0xb8;
	[tilespmem:$0x1F800] =	vst v63  }
0x113: {  	_ =	swait.ge [sflag:s16], $0x400  }
0x114: {  	[sflag:s16] =	ssyncset.done $0x0  }
0x115: {  	s19 =	sadd.s32 $0x100, s12;
	[sflag:s16] =	ssyncadd.s32 $0xFFFFFC00  }
0x116: {  	[spmem:s2] =	stream.indirect.scatter.add.f32 [tilespmem:s0], [sflag:$0x9], $0x8, s19, s29, $0xb8;
	[tilespmem:$0x1F800] =	vst v63  }
0x117: {  	_ =	swait.ge [sflag:s18], $0x400  }
0x118: {  	[sflag:s18] =	ssyncset.done $0x0  }
0x119: {  	s14 =	sadd.s32 $0x180, s12;
	[sflag:s18] =	ssyncadd.s32 $0xFFFFFC00  }
0x11a: {  	[spmem:s2] =	stream.indirect.scatter.add.f32 [tilespmem:s26], [sflag:$0x9], $0x8, s14, s29, $0xb8;
	[tilespmem:$0x1F800] =	vst v63  }
0x11b: {  	_ =	swait.ge [sflag:s20], $0x400  }
0x11c: {  	[sflag:s20] =	ssyncset.done $0x0  }
0x11d: {  	s15 =	sadd.s32 $0x200, s12;
	[sflag:s20] =	ssyncadd.s32 $0xFFFFFC00  }
0x11e: {  	[spmem:s2] =	stream.indirect.scatter.add.f32 [tilespmem:s3], [sflag:$0x9], $0x8, s15, s29, $0xb8;
	[tilespmem:$0x1F800] =	vst v63  }
0x11f: {  	_ =	swait.ge [sflag:s21], $0x400  }
0x120: {  	[sflag:s21] =	ssyncset.done $0x0  }
0x121: {  	s17 =	sadd.s32 $0x280, s12;
	[sflag:s21] =	ssyncadd.s32 $0xFFFFFC00  }
0x122: {  	[spmem:s2] =	stream.indirect.scatter.add.f32 [tilespmem:s7], [sflag:$0x9], $0x8, s17, s29, $0xb8;
	[tilespmem:$0x1F800] =	vst v63  }
0x123: {  	_ =	swait.ge [sflag:s22], $0x400  }
0x124: {  	[sflag:s22] =	ssyncset.done $0x0  }
0x125: {  	s19 =	sadd.s32 $0x300, s12;
	[sflag:s22] =	ssyncadd.s32 $0xFFFFFC00  }
0x126: {  	[spmem:s2] =	stream.indirect.scatter.add.f32 [tilespmem:s8], [sflag:$0x9], $0x8, s19, s29, $0xb8;
	[tilespmem:$0x1F800] =	vst v63  }
0x127: {  	_ =	swait.ge [sflag:s23], $0x400  }
0x128: {  	[sflag:s23] =	ssyncset.done $0x0  }
0x129: {  	s12 =	sadd.s32 $0x380, s12;
	[sflag:s23] =	ssyncadd.s32 $0xFFFFFC00  }
0x12a: {  	[spmem:s2] =	stream.indirect.scatter.add.f32 [tilespmem:s9], [sflag:$0x9], $0x8, s12, s29, $0xb8;
	[tilespmem:$0x1F800] =	vst v63  }
0x12b: {  	_ =	swait.ge [sflag:s24], $0x400  }
0x12c: {  	[sflag:s24] =	ssyncset.done $0x0  }
0x12d: {  	[sflag:s24] =	ssyncadd.s32 $0xFFFFFC00  }
0x12e: {  	_ =	swait.ge [sflag:s24], $0x400  }
0x12f: {  	[sflag:s24] =	ssyncset.done $0x0  }
0x130: {  	[sflag:s24] =	ssyncadd.s32 $0xFFFFFC00  }
0x131: {  	_ =	swait.ge [sflag:s24], $0x400  }
0x132: {  	[sflag:s24] =	ssyncset.done $0x0  }
0x133: {  	[sflag:s24] =	ssyncadd.s32 $0xFFFFFC00  }
0x134: {  	_ =	swait.ge [sflag:s24], $0x400  }
0x135: {  	[sflag:s24] =	ssyncset.done $0x0  }
0x136: {  	[sflag:s24] =	ssyncadd.s32 $0xFFFFFC00  }
0x137: {  	_ =	swait.ge [sflag:s24], $0x400  }
0x138: {  	[sflag:s24] =	ssyncset.done $0x0  }
0x139: {  	[sflag:s24] =	ssyncadd.s32 $0xFFFFFC00  }
0x13a: {  	_ =	swait.ge [sflag:s24], $0x400  }
0x13b: {  	[sflag:s24] =	ssyncset.done $0x0  }
0x13c: {  	[sflag:s24] =	ssyncadd.s32 $0xFFFFFC00  }
0x13d: {  	_ =	swait.ge [sflag:s24], $0x400  }
.Ltmp6:
0x13e: {  	[sflag:s24] =	ssyncset.done $0x0;
	(pc) =	sbr.rel .LBB2_6-.Ltmp6, $4  }
0x13f: {  	[sflag:s24] =	ssyncadd.s32 $0xFFFFFC00  }
0x140: {  	_ =	swait.ge [sflag:s24], $0x400  }
0x141: {  	[sflag:s24] =	ssyncset.done $0x0  }
0x142: {  	[sflag:s24] =	ssyncadd.s32 $0xFFFFFC00  }
.LBB2_8:
0x143: {  	_ =	sfence.sel $0x180000  }
0x144: {  	[bflag:$0x0] =	sbarrier.arrive $0xFFFF  }
0x145: {  	_ =	strace $0x9000004A  }
0x146: {  	[bflag:$0x2] =	sbarrier.arrive $0xFFFF  }
0x147: {  	s0 =	rddreg [dreg:$0x3]  }
0x148: {  	s0 =	sadd.s32 @!p0 $0x100000, s0  }
0x149: {  	[sflag:s0] =	ssyncadd.tile.s32 @!p0 $0x1;
	_ =	shalt  }
.Lfunc_end2:
_tile_overlayer_lowered:
.L_overlay_start_2:
0x14a: {  	(tag) =	ssettag $0x2  }
0x14b: {  	s0 =	rddreg [dreg:$0x0];
	s2 =	stileid.u32  }
0x14c: {  	s1 =	rddreg [dreg:$0x1];
	p0 =	sne.s32 s2, $0x0  }
0x14d: {  	s3 =	rddreg [dreg:$0x2];
	[bflag:$0x3] =	sbarrier.arrive $0xFFFF;
	s2 =	simm.s32 @!p0 $0x1C0B  }
0x14e: {  	[timem:s3], [sflag:s2] =	dma.local @!p0 [hbm:s0], s1  }
0x14f: {  	s0 =	simm.s32 @!p0 $0xB  }
0x150: {  	_ =	swait.ge @!p0 [sflag:s0], s1  }
0x151: {  	s1 =	ssub.s32 @!p0 $0x0, s1;
	[sflag:s0] =	ssyncset.done @!p0 $0x0  }
0x152: {  	[sflag:s0] =	ssyncadd.s32 @!p0 s1  }
0x153: {  	[bflag:$0x3] =	sbarrier.arrive $0xFFFF  }
0x154: {  	_ =	shalt  }

</sc_bundles>
